<compile_context>
chip_gen: v7x
topology: tpu7x:2x2x1
jax: 0.10.2.dev20260603
libtpu: 0.0.44.dev20260713+nightly
codegen_flags: <defaults>
</compile_context>

<pallas_src>
import functools

import jax
import jax.numpy as jnp
from jax import lax
from jax.experimental import pallas as pl
from jax.experimental.pallas import tpu as pltpu
from jax.experimental.pallas import tpu_sc as plsc

B = 8
NS = 1250
ES = 20000
STRIDE = 1280
RP = B * STRIDE
RM = 2 * RP
EP = 20480
F32 = jnp.float32


def _mm(a, b):
    return jnp.dot(a, b, preferred_element_type=F32)


def _pad_nodes(nodes):
    G = nodes.shape[0]
    pad = jnp.broadcast_to(nodes[:, -1:], (G, STRIDE - NS))
    return jnp.concatenate([nodes, pad], axis=1).reshape(-1)


def _edge_idx(ei, S):
    G = ei.shape[0]
    g = jnp.arange(G, dtype=jnp.int32)[:, None]
    src = jnp.concatenate([ei[:, 0, :], jnp.zeros((G, EP - ES), jnp.int32)], axis=1)
    dst = jnp.concatenate([ei[:, 1, :], jnp.full((G, EP - ES), NS, jnp.int32)], axis=1)
    srcg = src + g * STRIDE
    dstl = dst + (g % S) * STRIDE
    nch = EP * S // 16 // 128
    return srcg.reshape(2, 16, nch, 128), dstl.reshape(2, 16, nch, 128)


def _deg_idx(eis):
    parts = []
    for k, ei in enumerate(eis):
        G = ei.shape[0]
        g = jnp.arange(G, dtype=jnp.int32)[:, None]
        d = (ei[:, 1, :] + g * STRIDE).reshape(-1)
        d = jnp.concatenate([d, jnp.full((G * EP - G * ES,), NS, jnp.int32)])
        parts.append(d + k * RP)
    return jnp.stack(parts).reshape(3, 2, 16, 40, 128)


@functools.lru_cache(maxsize=None)
def _mesh():
    return plsc.VectorSubcoreMesh(core_axis_name="c", subcore_axis_name="s")


@functools.lru_cache(maxsize=None)
def _get_gather_deg():
    return functools.partial(
        pl.kernel, mesh=_mesh(),
        out_type=[jax.ShapeDtypeStruct((RP, 128), F32),
                  jax.ShapeDtypeStruct((RP, 128), F32),
                  jax.ShapeDtypeStruct((RM, 128), F32),
                  jax.ShapeDtypeStruct((2, 3 * RP), F32)],
        scratch_types=[pltpu.VMEM((4, 80), jnp.int32),
                       pltpu.VMEM((8, 80), jnp.int32),
                       pltpu.VMEM((40, 128), jnp.int32),
                       pltpu.VMEM((640, 128), F32),
                       pltpu.VMEM((128,), F32),
                       pltpu.VMEM_SHARED((3 * RP,), F32),
                       pltpu.SemaphoreType.DMA,
                       pltpu.SemaphoreType.DMA],
    )(_sc_gather_deg_body)


def _sc_gather_deg_body(emb_h, feat_h, pidx_h, midx_h, didx_h, z1d_h,
                        o_pe, o_pf, o_mf, o_deg,
                        pidx_v, midx_v, didx_v, rows_v, ones_v, deg_acc,
                        sem_a, sem_b):
    c = lax.axis_index("c")
    s = lax.axis_index("s")
    w1d = pl.multiple_of(s * 1920, 8)
    pltpu.sync_copy(z1d_h, deg_acc.at[pl.ds(w1d, 1920)])
    for i in range(8):
        ones_v[pl.ds(i * 16, 16)] = jnp.ones((16,), F32)
    plsc.subcore_barrier()
    pltpu.sync_copy(pidx_h.at[c, s], pidx_v)
    base_p = pl.multiple_of((c * 16 + s) * 320, 8)
    for t in range(4):
        pltpu.async_copy(emb_h.at[pidx_v.at[t]], rows_v.at[pl.ds(t * 80, 80)], sem_a)
    for t in range(4):
        pltpu.async_copy(feat_h.at[pidx_v.at[t]], rows_v.at[pl.ds(320 + t * 80, 80)], sem_b)
    for br in range(3):
        pltpu.sync_copy(didx_h.at[br, c, s], didx_v)

        def dbody(ch, carry):
            pltpu.sync_copy(ones_v, deg_acc.at[didx_v.at[ch]], add=True)
            return carry

        lax.fori_loop(0, 40, dbody, 0)
    pltpu.make_async_copy(o_pe.at[pl.ds(0, 320)], rows_v.at[pl.ds(0, 320)], sem_a).wait()
    pltpu.sync_copy(rows_v.at[pl.ds(0, 320)], o_pe.at[pl.ds(base_p, 320)])
    pltpu.make_async_copy(o_pe.at[pl.ds(0, 320)], rows_v.at[pl.ds(320, 320)], sem_b).wait()
    pltpu.sync_copy(rows_v.at[pl.ds(320, 320)], o_pf.at[pl.ds(base_p, 320)])
    pltpu.sync_copy(midx_h.at[c, s], midx_v)
    base_m = pl.multiple_of((c * 16 + s) * 640, 8)
    for t in range(8):
        pltpu.async_copy(feat_h.at[midx_v.at[t]], rows_v.at[pl.ds(t * 80, 80)], sem_a)
    pltpu.make_async_copy(o_mf.at[pl.ds(0, 640)], rows_v, sem_a).wait()
    pltpu.sync_copy(rows_v, o_mf.at[pl.ds(base_m, 640)])
    plsc.subcore_barrier()
    pltpu.sync_copy(deg_acc.at[pl.ds(w1d, 1920)], o_deg.at[c, pl.ds(w1d, 1920)])


@functools.lru_cache(maxsize=None)
def _make_agg(G):
    S = G // 2
    acc_rows = S * STRIDE
    zw = acc_rows // 16
    nch = EP * S // 16 // 128

    @functools.partial(
        pl.kernel, mesh=_mesh(),
        out_type=jax.ShapeDtypeStruct((G * STRIDE, 128), F32),
        scratch_types=[pltpu.VMEM((nch, 128), jnp.int32),
                       pltpu.VMEM((nch, 128), jnp.int32),
                       pltpu.VMEM((128, 128), F32),
                       pltpu.VMEM_SHARED((acc_rows, 128), F32),
                       pltpu.SemaphoreType.DMA],
    )
    def agg(y_h, src_h, dst_h, zeros_h, z_out, src_v, dst_v, rows_v, acc, sem):
        c = lax.axis_index("c")
        s = lax.axis_index("s")
        w0 = pl.multiple_of(s * zw, 8)
        pltpu.sync_copy(zeros_h.at[pl.ds(0, zw)], acc.at[pl.ds(w0, zw)])
        pltpu.sync_copy(src_h.at[c, s], src_v)
        pltpu.sync_copy(dst_h.at[c, s], dst_v)
        plsc.subcore_barrier()

        def body(ch, carry):
            pltpu.async_copy(y_h.at[src_v.at[ch]], rows_v, sem).wait()
            pltpu.sync_copy(rows_v, acc.at[dst_v.at[ch]], add=True)
            return carry

        lax.fori_loop(0, nch, body, 0)
        plsc.subcore_barrier()
        zbase = pl.multiple_of(c * acc_rows + s * zw, 8)
        pltpu.sync_copy(acc.at[pl.ds(w0, zw)], z_out.at[pl.ds(zbase, zw)])

    return agg


@functools.lru_cache(maxsize=None)
def _get_pemb_gather():
    return functools.partial(
        pl.kernel, mesh=_mesh(),
        out_type=jax.ShapeDtypeStruct((RM, 128), F32),
        scratch_types=[pltpu.VMEM((8, 80), jnp.int32),
                       pltpu.VMEM((640, 128), F32),
                       pltpu.SemaphoreType.DMA],
    )(_sc_pemb_gather_body)


def _sc_pemb_gather_body(pemb_h, idx_h, o, idx_v, rows_v, sem):
    c = lax.axis_index("c")
    s = lax.axis_index("s")
    pltpu.sync_copy(idx_h.at[c, s], idx_v)
    base = pl.multiple_of((c * 16 + s) * 640, 8)
    for t in range(8):
        pltpu.async_copy(pemb_h.at[idx_v.at[t]], rows_v.at[pl.ds(t * 80, 80)], sem)
    pltpu.make_async_copy(o.at[pl.ds(0, 640)], rows_v, sem).wait()
    pltpu.sync_copy(rows_v, o.at[pl.ds(base, 640)])


def _dv(dp):
    return lax.rsqrt(dp[0] + dp[1] + 1.0)


def _tc_front(rows_e, rows_f, dp, W1a, W1b, b1, W2, b2, gW):
    R = rows_e.shape[0]

    def body(e_ref, f_ref, dp_ref, W1a_ref, W1b_ref, b1_ref, W2_ref, b2_ref,
             gW_ref, o_ref):
        x = _mm(e_ref[...], W1a_ref[...]) + _mm(f_ref[...], W1b_ref[...]) + b1_ref[...]
        x = _mm(jnp.maximum(x, 0.0), W2_ref[...]) + b2_ref[...]
        o_ref[...] = _dv(dp_ref[...]) * _mm(x, gW_ref[...])

    w = pl.BlockSpec((128, 128), lambda i: (0, 0))
    bspec = pl.BlockSpec((1, 128), lambda i: (0, 0))
    return pl.pallas_call(
        body,
        grid=(R // 256,),
        in_specs=[pl.BlockSpec((256, 128), lambda i: (i, 0)),
                  pl.BlockSpec((256, 128), lambda i: (i, 0)),
                  pl.BlockSpec((2, 256, 1), lambda i: (0, i, 0)),
                  w, w, bspec, w, bspec, w],
        out_specs=pl.BlockSpec((256, 128), lambda i: (i, 0)),
        out_shape=jax.ShapeDtypeStruct((R, 128), F32),
    )(rows_e, rows_f, dp, W1a, W1b, b1, W2, b2, gW)


def _tc_mid(z, y, dp, b1, gW):
    R = z.shape[0]

    def body(z_ref, y_ref, dp_ref, b1_ref, gW_ref, o_ref):
        dv = _dv(dp_ref[...])
        x = jnp.maximum(dv * (z_ref[...] + y_ref[...]) + b1_ref[...], 0.0)
        o_ref[...] = dv * _mm(x, gW_ref[...])

    return pl.pallas_call(
        body,
        grid=(R // 256,),
        in_specs=[pl.BlockSpec((256, 128), lambda i: (i, 0)),
                  pl.BlockSpec((256, 128), lambda i: (i, 0)),
                  pl.BlockSpec((2, 256, 1), lambda i: (0, i, 0)),
                  pl.BlockSpec((1, 128), lambda i: (0, 0)),
                  pl.BlockSpec((128, 128), lambda i: (0, 0))],
        out_specs=pl.BlockSpec((256, 128), lambda i: (i, 0)),
        out_shape=jax.ShapeDtypeStruct((R, 128), F32),
    )(z, y, dp, b1, gW)


def _tc_tail(z, y, dp, b2, roots, emit_emb):
    R = z.shape[0]
    G = R // STRIDE

    def body(z_ref, y_ref, dp_ref, b2_ref, root_ref, *outs):
        emb = _dv(dp_ref[...]) * (z_ref[...] + y_ref[...]) + b2_ref[...]
        rid = root_ref[pl.program_id(0), 0]
        iota = lax.broadcasted_iota(jnp.int32, (STRIDE, 1), 0)
        root_row = jnp.sum(jnp.where(iota == rid, emb, 0.0), axis=0, keepdims=True)
        root_blk = jnp.broadcast_to(root_row.reshape(1, 1, 128), (1, 8, 128))
        if emit_emb:
            outs[0][...] = emb
            outs[1][...] = root_blk
        else:
            outs[0][...] = root_blk

    out_specs = [pl.BlockSpec((1, 8, 128), lambda i: (i, 0, 0))]
    out_shape = [jax.ShapeDtypeStruct((G, 8, 128), F32)]
    if emit_emb:
        out_specs = [pl.BlockSpec((STRIDE, 128), lambda i: (i, 0))] + out_specs
        out_shape = [jax.ShapeDtypeStruct((R, 128), F32)] + out_shape
    return pl.pallas_call(
        body,
        grid=(G,),
        in_specs=[pl.BlockSpec((STRIDE, 128), lambda i: (i, 0)),
                  pl.BlockSpec((STRIDE, 128), lambda i: (i, 0)),
                  pl.BlockSpec((2, STRIDE, 1), lambda i: (0, i, 0)),
                  pl.BlockSpec((1, 128), lambda i: (0, 0)),
                  pl.BlockSpec(memory_space=pltpu.SMEM)],
        out_specs=out_specs,
        out_shape=out_shape,
    )(z, y, dp, b2, roots)


def _tc_score(pos_root, mal_roots, m_W1, m_b1, m_W2, m_b2,
              m1_W1, m1_b1, m1_W2, m1_b2):
    def body(pr, mr, W1, b1, W2, b2, V1, c1, V2, c2, o0, o1, o2, o3):
        def sc(x, A1, a1, A2, a2):
            h = jnp.maximum(_mm(x, A1[...]) + a1[...], 0.0)
            t = _mm(h, A2[...]) + a2[...]
            return 1.0 / (1.0 + jnp.exp(-t))

        p = pr[...]
        m1 = mr[pl.ds(0, 8), :]
        m2 = mr[pl.ds(8, 8), :]
        o0[...] = sc(p, W1, b1, W2, b2)
        o1[...] = sc(p, V1, c1, V2, c2)
        o2[...] = sc(m1, W1, b1, W2, b2)
        o3[...] = sc(m2, V1, c1, V2, c2)

    full = lambda shp: pl.BlockSpec(shp, lambda: tuple(0 for _ in shp))
    outs = [jax.ShapeDtypeStruct((8, 1), F32)] * 4
    return pl.pallas_call(
        body,
        in_specs=[full((8, 128)), full((16, 128)),
                  full((128, 128)), full((1, 128)), full((128, 1)), full((1, 1)),
                  full((128, 128)), full((1, 128)), full((128, 1)), full((1, 1))],
        out_specs=[full((8, 1))] * 4,
        out_shape=outs,
    )(pos_root, mal_roots, m_W1, m_b1.reshape(1, 128), m_W2, m_b2.reshape(1, 1),
      m1_W1, m1_b1.reshape(1, 128), m1_W2, m1_b2.reshape(1, 1))


def kernel(embeddings, features, pos_nodes, pos_edge_index, pos_root_local,
           mal1_nodes, mal1_edge_index, mal1_pos_map, mal1_root_local,
           mal2_nodes, mal2_edge_index, mal2_pos_map, mal2_root_local,
           fe_W1, fe_b1, fe_W2, fe_b2, g1_W, g1_b, g2_W, g2_b,
           m_W1, m_b1, m_W2, m_b2, m1_W1, m1_b1, m1_W2, m1_b2):
    i32 = jnp.int32
    pos_ei = pos_edge_index.astype(i32)
    m1_ei = mal1_edge_index.astype(i32)
    m2_ei = mal2_edge_index.astype(i32)

    pidx = _pad_nodes(pos_nodes.astype(i32)).reshape(2, 16, 4, 80)
    mal_nodes = jnp.concatenate([mal1_nodes, mal2_nodes]).astype(i32)
    midx = _pad_nodes(mal_nodes).reshape(2, 16, 8, 80)
    didx = _deg_idx([pos_ei, m1_ei, m2_ei])
    psrc, pdst = _edge_idx(pos_ei, 4)
    msrc, mdst = _edge_idx(jnp.concatenate([m1_ei, m2_ei]), 8)
    pmap = jnp.concatenate([mal1_pos_map, mal2_pos_map]).astype(i32)
    pmap = jnp.concatenate(
        [pmap, jnp.broadcast_to(pmap[:, -1:], (16, STRIDE - NS))], axis=1)
    pmap = pmap + (jnp.arange(16, dtype=i32) % 8)[:, None] * STRIDE
    pembi = pmap.reshape(2, 16, 8, 80)
    z1d = jnp.zeros((1920,), F32)
    z2d = jnp.zeros((640, 128), F32)
    pos_roots = pos_root_local.astype(i32).reshape(8, 1)
    mal_roots = jnp.concatenate(
        [mal1_root_local, mal2_root_local]).astype(i32).reshape(16, 1)
    W1a, W1b = fe_W1[:128], fe_W1[128:]
    b1 = fe_b1.reshape(1, 128)
    b2 = fe_b2.reshape(1, 128)
    g1b = g1_b.reshape(1, 128)
    g2b = g2_b.reshape(1, 128)

    pe, pf, mf, deg_part = _get_gather_deg()(embeddings, features, pidx, midx,
                                             didx, z1d)
    dp_all = deg_part.reshape(2, 3 * RP, 1)
    dp_pos = dp_all[:, :RP]
    dp_mal = dp_all[:, RP:]

    agg8 = _make_agg(8)
    agg16 = _make_agg(16)
    y1 = _tc_front(pe, pf, dp_pos, W1a, W1b, b1, fe_W2, b2, g1_W)
    zz1 = agg8(y1, psrc, pdst, z2d)
    y2 = _tc_mid(zz1, y1, dp_pos, g1b, g2_W)
    zz2 = agg8(y2, psrc, pdst, z2d)
    pos_emb, pos_root = _tc_tail(zz2, y2, dp_pos, g2b, pos_roots, True)
    pos_root = pos_root[:, 0, :]

    pr = _get_pemb_gather()(pos_emb, pembi)
    ym1 = _tc_front(pr, mf, dp_mal, W1a, W1b, b1, fe_W2, b2, g1_W)
    zm1 = agg16(ym1, msrc, mdst, z2d)
    ym2 = _tc_mid(zm1, ym1, dp_mal, g1b, g2_W)
    zm2 = agg16(ym2, msrc, mdst, z2d)
    (mal_root,) = _tc_tail(zm2, ym2, dp_mal, g2b, mal_roots, False)
    mal_root = mal_root[:, 0, :]

    return _tc_score(pos_root, mal_root, m_W1, m_b1, m_W2, m_b2,
                     m1_W1, m1_b1, m1_W2, m1_b2)

# --- scband reference (transcript-rebuilt; emitter-appended) ---
"""Pipeline reference for scband-adag-72438918414732 (READ-ONLY COPY).

The authoritative reference and input builder live on the scoring server;
editing this copy changes nothing except your own understanding.
"""

import jax, jax.numpy as jnp
import numpy as np

N_GLOBAL = 100000
D = 128
B = 8
NS = 1250
ES = 20000
H = 128
OUT = 128


def setup_inputs(seed: int = 0):
    key = jax.random.key(seed)
    ks = jax.random.split(key, 32)
    inp = {}
    inp["embeddings"] = jax.random.normal(ks[0], (N_GLOBAL, D), jnp.float32)
    inp["features"] = jax.random.normal(ks[1], (N_GLOBAL, D), jnp.float32)
    inp["pos_nodes"] = jax.random.randint(ks[2], (B, NS), 0, N_GLOBAL)
    inp["pos_edge_index"] = jax.random.randint(ks[3], (B, 2, ES), 0, NS)
    inp["pos_root_local"] = jax.random.randint(ks[4], (B,), 0, NS)
    inp["mal1_nodes"] = jax.random.randint(ks[5], (B, NS), 0, N_GLOBAL)
    inp["mal1_edge_index"] = jax.random.randint(ks[6], (B, 2, ES), 0, NS)
    inp["mal1_pos_map"] = jax.random.randint(ks[7], (B, NS), 0, NS)
    inp["mal1_root_local"] = jax.random.randint(ks[8], (B,), 0, NS)
    inp["mal2_nodes"] = jax.random.randint(ks[9], (B, NS), 0, N_GLOBAL)
    inp["mal2_edge_index"] = jax.random.randint(ks[10], (B, 2, ES), 0, NS)
    inp["mal2_pos_map"] = jax.random.randint(ks[11], (B, NS), 0, NS)
    inp["mal2_root_local"] = jax.random.randint(ks[12], (B,), 0, NS)
    s = 0.05
    inp["fe_W1"] = jax.random.normal(ks[13], (2 * D, H), jnp.float32) * s
    inp["fe_b1"] = jnp.zeros((H,), jnp.float32)
    inp["fe_W2"] = jax.random.normal(ks[14], (H, H), jnp.float32) * s
    inp["fe_b2"] = jnp.zeros((H,), jnp.float32)
    inp["g1_W"] = jax.random.normal(ks[15], (H, H), jnp.float32) * s
    inp["g1_b"] = jnp.zeros((H,), jnp.float32)
    inp["g2_W"] = jax.random.normal(ks[16], (H, OUT), jnp.float32) * s
    inp["g2_b"] = jnp.zeros((OUT,), jnp.float32)
    inp["m_W1"] = jax.random.normal(ks[17], (OUT, H), jnp.float32) * s
    inp["m_b1"] = jnp.zeros((H,), jnp.float32)
    inp["m_W2"] = jax.random.normal(ks[18], (H, 1), jnp.float32) * s
    inp["m_b2"] = jnp.zeros((1,), jnp.float32)
    inp["m1_W1"] = jax.random.normal(ks[19], (OUT, H), jnp.float32) * s
    inp["m1_b1"] = jnp.zeros((H,), jnp.float32)
    inp["m1_W2"] = jax.random.normal(ks[20], (H, 1), jnp.float32) * s
    inp["m1_b2"] = jnp.zeros((1,), jnp.float32)
    return inp


def _gcn_conv(x, edge_index, W, b):
    N = x.shape[0]
    loops = jnp.arange(N, dtype=edge_index.dtype)
    src = jnp.concatenate([edge_index[0], loops])
    dst = jnp.concatenate([edge_index[1], loops])
    x = x @ W
    deg = jax.ops.segment_sum(jnp.ones(src.shape, x.dtype), dst, num_segments=N)
    dinv = jnp.where(deg > 0, 1.0 / jnp.sqrt(deg), 0.0)
    norm = dinv[src] * dinv[dst]
    msgs = x[src] * norm[:, None]
    return jax.ops.segment_sum(msgs, dst, num_segments=N) + b


def reference(embeddings, features, pos_nodes, pos_edge_index, pos_root_local,
              mal1_nodes, mal1_edge_index, mal1_pos_map, mal1_root_local,
              mal2_nodes, mal2_edge_index, mal2_pos_map, mal2_root_local,
              fe_W1, fe_b1, fe_W2, fe_b2, g1_W, g1_b, g2_W, g2_b,
              m_W1, m_b1, m_W2, m_b2, m1_W1, m1_b1, m1_W2, m1_b2):
    def fe_mlp(x):
        return jax.nn.relu(x @ fe_W1 + fe_b1) @ fe_W2 + fe_b2

    def gnn(x, ei):
        x = jax.nn.relu(_gcn_conv(x, ei, g1_W, g1_b))
        return _gcn_conv(x, ei, g2_W, g2_b)

    def pos_one(nodes, ei, root):
        x = fe_mlp(jnp.concatenate([embeddings[nodes], features[nodes]], axis=1))
        x = gnn(x, ei)
        return x, x[root]

    pos_emb, pos_root = jax.vmap(pos_one)(pos_nodes, pos_edge_index, pos_root_local)

    def mal_one(pemb, pmap, nodes, ei, root):
        x = fe_mlp(jnp.concatenate([pemb[pmap], features[nodes]], axis=1))
        x = gnn(x, ei)
        return x[root]

    mal1_root = jax.vmap(mal_one)(pos_emb, mal1_pos_map, mal1_nodes, mal1_edge_index, mal1_root_local)
    mal2_root = jax.vmap(mal_one)(pos_emb, mal2_pos_map, mal2_nodes, mal2_edge_index, mal2_root_local)

    def score(x, W1, b1, W2, b2):
        return jax.nn.sigmoid(jax.nn.relu(x @ W1 + b1) @ W2 + b2)

    positive_scores = score(pos_root, m_W1, m_b1, m_W2, m_b2)
    positive_scores1 = score(pos_root, m1_W1, m1_b1, m1_W2, m1_b2)
    malicious_scores1 = score(mal1_root, m_W1, m_b1, m_W2, m_b2)
    malicious_scores2 = score(mal2_root, m1_W1, m1_b1, m1_W2, m1_b2)
    return (positive_scores, positive_scores1, malicious_scores1, malicious_scores2)

if __name__ == "__main__":
    import jax
    _d = setup_inputs()
    print(jax.jit(kernel)(*tuple(_d.values())))

</pallas_src>

<mosaic_0001>
#map = affine_map<(d0, d1) -> (0, 0)>
#map1 = affine_map<(d0, d1) -> (0, 0, 0, 0)>
module attributes {stable_mosaic.version = 14 : i64} {
  func.func @_sc_pemb_gather_body(%arg0: i32, %arg1: i32, %arg2: memref<10240x128xf32, #tpu.memory_space<hbm>>, %arg3: memref<2x16x8x80xi32, #tpu.memory_space<hbm>>, %arg4: memref<20480x128xf32, #tpu.memory_space<hbm>>, %arg5: memref<8x80xi32, #tpu.memory_space<vmem>>, %arg6: memref<640x128xf32, #tpu.memory_space<vmem>>, %arg7: memref<!tpu.dma_semaphore, #tpu.memory_space<semaphore_mem>>) attributes {dimension_semantics = [#tpu.dimension_semantics<core_parallel>, #tpu.dimension_semantics<subcore_parallel>], iteration_bounds = array<i64: 2, 16>, scalar_prefetch = 0 : i64, scratch_operands = 3 : i64, tpu.core_type = #tpu.core_type<sc_vector_subcore>, window_params = [{transform_indices = #map}, {transform_indices = #map1}, {transform_indices = #map}]} {
    "tpu.region"() ({
      %run_scoped3A = tpu.sem_alloc : memref<!tpu.dma_semaphore, #tpu.memory_space<semaphore_mem>>
      %dma_start3A_87 = arith.constant 0 : i32
      %dma_start3A_88 = arith.constant 0 : i32
      %dma_start3A_89 = tpu.memref_slice %arg3[%arg0, %arg1, %dma_start3A_87, %dma_start3A_88] : memref<2x16x8x80xi32, #tpu.memory_space<hbm>> -> memref<1x1x8x80xi32, #tpu.memory_space<hbm>>
      %dma_start3A_90 = tpu.memref_squeeze %dma_start3A_89 : memref<1x1x8x80xi32, #tpu.memory_space<hbm>> -> memref<8x80xi32, #tpu.memory_space<hbm>>
      %dma_start3A_91 = arith.constant 0 : i32
      %dma_start3A_92 = arith.constant 0 : i32
      %dma_start3A_93 = tpu.memref_slice %arg3[%arg0, %arg1, %dma_start3A_91, %dma_start3A_92] : memref<2x16x8x80xi32, #tpu.memory_space<hbm>> -> memref<1x1x8x80xi32, #tpu.memory_space<hbm>>
      %dma_start3A_94 = tpu.memref_squeeze %dma_start3A_93 : memref<1x1x8x80xi32, #tpu.memory_space<hbm>> -> memref<8x80xi32, #tpu.memory_space<hbm>>
      tpu.enqueue_dma source(%dma_start3A_94 : memref<8x80xi32, #tpu.memory_space<hbm>>) target(%arg5 : memref<8x80xi32, #tpu.memory_space<vmem>>) target_semaphore(%run_scoped3A : memref<!tpu.dma_semaphore, #tpu.memory_space<semaphore_mem>>)
      %dma_wait3A_95 = arith.constant 0 : i32
      %dma_wait3A_96 = arith.constant 0 : i32
      %dma_wait3A_97 = tpu.memref_slice %arg3[%arg0, %arg1, %dma_wait3A_95, %dma_wait3A_96] : memref<2x16x8x80xi32, #tpu.memory_space<hbm>> -> memref<1x1x8x80xi32, #tpu.memory_space<hbm>>
      %dma_wait3A_98 = tpu.memref_squeeze %dma_wait3A_97 : memref<1x1x8x80xi32, #tpu.memory_space<hbm>> -> memref<8x80xi32, #tpu.memory_space<hbm>>
      %dma_wait3A_99 = arith.constant 0 : i32
      %dma_wait3A_100 = arith.constant 0 : i32
      %dma_wait3A_101 = tpu.memref_slice %arg3[%arg0, %arg1, %dma_wait3A_99, %dma_wait3A_100] : memref<2x16x8x80xi32, #tpu.memory_space<hbm>> -> memref<1x1x8x80xi32, #tpu.memory_space<hbm>>
      %dma_wait3A_102 = tpu.memref_squeeze %dma_wait3A_101 : memref<1x1x8x80xi32, #tpu.memory_space<hbm>> -> memref<8x80xi32, #tpu.memory_space<hbm>>
      tpu.wait_dma2 semaphore(%run_scoped3A : memref<!tpu.dma_semaphore, #tpu.memory_space<semaphore_mem>>) src(%dma_wait3A_102 : memref<8x80xi32, #tpu.memory_space<hbm>>) dst(%arg5 : memref<8x80xi32, #tpu.memory_space<vmem>>)
      tpu.yield
    }) : () -> ()
    %mul3A = arith.constant 16 : i32
    %mul3A_0 = arith.muli %arg0, %mul3A : i32
    %add3A = arith.addi %mul3A_0, %arg1 : i32
    %mul3A_1 = arith.constant 640 : i32
    %mul3A_2 = arith.muli %add3A, %mul3A_1 : i32
    %multiple_of3A = tpu.assume_multiple %mul3A_2, 8 : i32
    %dma_start3A = arith.constant 0 : i32
    %dma_start3A_3 = arith.constant 0 : i32
    %dma_start3A_4 = arith.constant 0 : i32
    %dma_start3A_5 = tpu.memref_slice %arg6[%dma_start3A_3, %dma_start3A_4] : memref<640x128xf32, #tpu.memory_space<vmem>> -> memref<80x128xf32, #tpu.memory_space<vmem>>
    %dma_start3A_6 = arith.constant 0 : i32
    %dma_start3A_7 = tpu.memref_slice %arg5[%dma_start3A, %dma_start3A_6] : memref<8x80xi32, #tpu.memory_space<vmem>> -> memref<1x80xi32, #tpu.memory_space<vmem>>
    %dma_start3A_8 = tpu.memref_squeeze %dma_start3A_7 : memref<1x80xi32, #tpu.memory_space<vmem>> -> memref<80xi32, #tpu.memory_space<vmem>>
    %dma_start3A_9 = arith.constant 0 : i32
    %dma_start3A_10 = arith.constant 0 : i32
    %dma_start3A_11 = tpu.memref_slice %arg2[%dma_start3A_9, %dma_start3A_10] : memref<10240x128xf32, #tpu.memory_space<hbm>> -> memref<10240x128xf32, #tpu.memory_space<hbm>>
    tpu.enqueue_indirect_dma source(%dma_start3A_11 : memref<10240x128xf32, #tpu.memory_space<hbm>>) target(%dma_start3A_5 : memref<80x128xf32, #tpu.memory_space<vmem>>) offsets(%dma_start3A_8 : memref<80xi32, #tpu.memory_space<vmem>>) semaphore(%arg7 : memref<!tpu.dma_semaphore, #tpu.memory_space<semaphore_mem>>)
    %dma_start3A_12 = arith.constant 1 : i32
    %dma_start3A_13 = arith.constant 80 : i32
    %dma_start3A_14 = arith.constant 0 : i32
    %dma_start3A_15 = tpu.memref_slice %arg6[%dma_start3A_13, %dma_start3A_14] : memref<640x128xf32, #tpu.memory_space<vmem>> -> memref<80x128xf32, #tpu.memory_space<vmem>>
    %dma_start3A_16 = arith.constant 0 : i32
    %dma_start3A_17 = tpu.memref_slice %arg5[%dma_start3A_12, %dma_start3A_16] : memref<8x80xi32, #tpu.memory_space<vmem>> -> memref<1x80xi32, #tpu.memory_space<vmem>>
    %dma_start3A_18 = tpu.memref_squeeze %dma_start3A_17 : memref<1x80xi32, #tpu.memory_space<vmem>> -> memref<80xi32, #tpu.memory_space<vmem>>
    %dma_start3A_19 = arith.constant 0 : i32
    %dma_start3A_20 = arith.constant 0 : i32
    %dma_start3A_21 = tpu.memref_slice %arg2[%dma_start3A_19, %dma_start3A_20] : memref<10240x128xf32, #tpu.memory_space<hbm>> -> memref<10240x128xf32, #tpu.memory_space<hbm>>
    tpu.enqueue_indirect_dma source(%dma_start3A_21 : memref<10240x128xf32, #tpu.memory_space<hbm>>) target(%dma_start3A_15 : memref<80x128xf32, #tpu.memory_space<vmem>>) offsets(%dma_start3A_18 : memref<80xi32, #tpu.memory_space<vmem>>) semaphore(%arg7 : memref<!tpu.dma_semaphore, #tpu.memory_space<semaphore_mem>>)
    %dma_start3A_22 = arith.constant 2 : i32
    %dma_start3A_23 = arith.constant 160 : i32
    %dma_start3A_24 = arith.constant 0 : i32
    %dma_start3A_25 = tpu.memref_slice %arg6[%dma_start3A_23, %dma_start3A_24] : memref<640x128xf32, #tpu.memory_space<vmem>> -> memref<80x128xf32, #tpu.memory_space<vmem>>
    %dma_start3A_26 = arith.constant 0 : i32
    %dma_start3A_27 = tpu.memref_slice %arg5[%dma_start3A_22, %dma_start3A_26] : memref<8x80xi32, #tpu.memory_space<vmem>> -> memref<1x80xi32, #tpu.memory_space<vmem>>
    %dma_start3A_28 = tpu.memref_squeeze %dma_start3A_27 : memref<1x80xi32, #tpu.memory_space<vmem>> -> memref<80xi32, #tpu.memory_space<vmem>>
    %dma_start3A_29 = arith.constant 0 : i32
    %dma_start3A_30 = arith.constant 0 : i32
    %dma_start3A_31 = tpu.memref_slice %arg2[%dma_start3A_29, %dma_start3A_30] : memref<10240x128xf32, #tpu.memory_space<hbm>> -> memref<10240x128xf32, #tpu.memory_space<hbm>>
    tpu.enqueue_indirect_dma source(%dma_start3A_31 : memref<10240x128xf32, #tpu.memory_space<hbm>>) target(%dma_start3A_25 : memref<80x128xf32, #tpu.memory_space<vmem>>) offsets(%dma_start3A_28 : memref<80xi32, #tpu.memory_space<vmem>>) semaphore(%arg7 : memref<!tpu.dma_semaphore, #tpu.memory_space<semaphore_mem>>)
    %dma_start3A_32 = arith.constant 3 : i32
    %dma_start3A_33 = arith.constant 240 : i32
    %dma_start3A_34 = arith.constant 0 : i32
    %dma_start3A_35 = tpu.memref_slice %arg6[%dma_start3A_33, %dma_start3A_34] : memref<640x128xf32, #tpu.memory_space<vmem>> -> memref<80x128xf32, #tpu.memory_space<vmem>>
    %dma_start3A_36 = arith.constant 0 : i32
    %dma_start3A_37 = tpu.memref_slice %arg5[%dma_start3A_32, %dma_start3A_36] : memref<8x80xi32, #tpu.memory_space<vmem>> -> memref<1x80xi32, #tpu.memory_space<vmem>>
    %dma_start3A_38 = tpu.memref_squeeze %dma_start3A_37 : memref<1x80xi32, #tpu.memory_space<vmem>> -> memref<80xi32, #tpu.memory_space<vmem>>
    %dma_start3A_39 = arith.constant 0 : i32
    %dma_start3A_40 = arith.constant 0 : i32
    %dma_start3A_41 = tpu.memref_slice %arg2[%dma_start3A_39, %dma_start3A_40] : memref<10240x128xf32, #tpu.memory_space<hbm>> -> memref<10240x128xf32, #tpu.memory_space<hbm>>
    tpu.enqueue_indirect_dma source(%dma_start3A_41 : memref<10240x128xf32, #tpu.memory_space<hbm>>) target(%dma_start3A_35 : memref<80x128xf32, #tpu.memory_space<vmem>>) offsets(%dma_start3A_38 : memref<80xi32, #tpu.memory_space<vmem>>) semaphore(%arg7 : memref<!tpu.dma_semaphore, #tpu.memory_space<semaphore_mem>>)
    %dma_start3A_42 = arith.constant 4 : i32
    %dma_start3A_43 = arith.constant 320 : i32
    %dma_start3A_44 = arith.constant 0 : i32
    %dma_start3A_45 = tpu.memref_slice %arg6[%dma_start3A_43, %dma_start3A_44] : memref<640x128xf32, #tpu.memory_space<vmem>> -> memref<80x128xf32, #tpu.memory_space<vmem>>
    %dma_start3A_46 = arith.constant 0 : i32
    %dma_start3A_47 = tpu.memref_slice %arg5[%dma_start3A_42, %dma_start3A_46] : memref<8x80xi32, #tpu.memory_space<vmem>> -> memref<1x80xi32, #tpu.memory_space<vmem>>
    %dma_start3A_48 = tpu.memref_squeeze %dma_start3A_47 : memref<1x80xi32, #tpu.memory_space<vmem>> -> memref<80xi32, #tpu.memory_space<vmem>>
    %dma_start3A_49 = arith.constant 0 : i32
    %dma_start3A_50 = arith.constant 0 : i32
    %dma_start3A_51 = tpu.memref_slice %arg2[%dma_start3A_49, %dma_start3A_50] : memref<10240x128xf32, #tpu.memory_space<hbm>> -> memref<10240x128xf32, #tpu.memory_space<hbm>>
    tpu.enqueue_indirect_dma source(%dma_start3A_51 : memref<10240x128xf32, #tpu.memory_space<hbm>>) target(%dma_start3A_45 : memref<80x128xf32, #tpu.memory_space<vmem>>) offsets(%dma_start3A_48 : memref<80xi32, #tpu.memory_space<vmem>>) semaphore(%arg7 : memref<!tpu.dma_semaphore, #tpu.memory_space<semaphore_mem>>)
    %dma_start3A_52 = arith.constant 5 : i32
    %dma_start3A_53 = arith.constant 400 : i32
    %dma_start3A_54 = arith.constant 0 : i32
    %dma_start3A_55 = tpu.memref_slice %arg6[%dma_start3A_53, %dma_start3A_54] : memref<640x128xf32, #tpu.memory_space<vmem>> -> memref<80x128xf32, #tpu.memory_space<vmem>>
    %dma_start3A_56 = arith.constant 0 : i32
    %dma_start3A_57 = tpu.memref_slice %arg5[%dma_start3A_52, %dma_start3A_56] : memref<8x80xi32, #tpu.memory_space<vmem>> -> memref<1x80xi32, #tpu.memory_space<vmem>>
    %dma_start3A_58 = tpu.memref_squeeze %dma_start3A_57 : memref<1x80xi32, #tpu.memory_space<vmem>> -> memref<80xi32, #tpu.memory_space<vmem>>
    %dma_start3A_59 = arith.constant 0 : i32
    %dma_start3A_60 = arith.constant 0 : i32
    %dma_start3A_61 = tpu.memref_slice %arg2[%dma_start3A_59, %dma_start3A_60] : memref<10240x128xf32, #tpu.memory_space<hbm>> -> memref<10240x128xf32, #tpu.memory_space<hbm>>
    tpu.enqueue_indirect_dma source(%dma_start3A_61 : memref<10240x128xf32, #tpu.memory_space<hbm>>) target(%dma_start3A_55 : memref<80x128xf32, #tpu.memory_space<vmem>>) offsets(%dma_start3A_58 : memref<80xi32, #tpu.memory_space<vmem>>) semaphore(%arg7 : memref<!tpu.dma_semaphore, #tpu.memory_space<semaphore_mem>>)
    %dma_start3A_62 = arith.constant 6 : i32
    %dma_start3A_63 = arith.constant 480 : i32
    %dma_start3A_64 = arith.constant 0 : i32
    %dma_start3A_65 = tpu.memref_slice %arg6[%dma_start3A_63, %dma_start3A_64] : memref<640x128xf32, #tpu.memory_space<vmem>> -> memref<80x128xf32, #tpu.memory_space<vmem>>
    %dma_start3A_66 = arith.constant 0 : i32
    %dma_start3A_67 = tpu.memref_slice %arg5[%dma_start3A_62, %dma_start3A_66] : memref<8x80xi32, #tpu.memory_space<vmem>> -> memref<1x80xi32, #tpu.memory_space<vmem>>
    %dma_start3A_68 = tpu.memref_squeeze %dma_start3A_67 : memref<1x80xi32, #tpu.memory_space<vmem>> -> memref<80xi32, #tpu.memory_space<vmem>>
    %dma_start3A_69 = arith.constant 0 : i32
    %dma_start3A_70 = arith.constant 0 : i32
    %dma_start3A_71 = tpu.memref_slice %arg2[%dma_start3A_69, %dma_start3A_70] : memref<10240x128xf32, #tpu.memory_space<hbm>> -> memref<10240x128xf32, #tpu.memory_space<hbm>>
    tpu.enqueue_indirect_dma source(%dma_start3A_71 : memref<10240x128xf32, #tpu.memory_space<hbm>>) target(%dma_start3A_65 : memref<80x128xf32, #tpu.memory_space<vmem>>) offsets(%dma_start3A_68 : memref<80xi32, #tpu.memory_space<vmem>>) semaphore(%arg7 : memref<!tpu.dma_semaphore, #tpu.memory_space<semaphore_mem>>)
    %dma_start3A_72 = arith.constant 7 : i32
    %dma_start3A_73 = arith.constant 560 : i32
    %dma_start3A_74 = arith.constant 0 : i32
    %dma_start3A_75 = tpu.memref_slice %arg6[%dma_start3A_73, %dma_start3A_74] : memref<640x128xf32, #tpu.memory_space<vmem>> -> memref<80x128xf32, #tpu.memory_space<vmem>>
    %dma_start3A_76 = arith.constant 0 : i32
    %dma_start3A_77 = tpu.memref_slice %arg5[%dma_start3A_72, %dma_start3A_76] : memref<8x80xi32, #tpu.memory_space<vmem>> -> memref<1x80xi32, #tpu.memory_space<vmem>>
    %dma_start3A_78 = tpu.memref_squeeze %dma_start3A_77 : memref<1x80xi32, #tpu.memory_space<vmem>> -> memref<80xi32, #tpu.memory_space<vmem>>
    %dma_start3A_79 = arith.constant 0 : i32
    %dma_start3A_80 = arith.constant 0 : i32
    %dma_start3A_81 = tpu.memref_slice %arg2[%dma_start3A_79, %dma_start3A_80] : memref<10240x128xf32, #tpu.memory_space<hbm>> -> memref<10240x128xf32, #tpu.memory_space<hbm>>
    tpu.enqueue_indirect_dma source(%dma_start3A_81 : memref<10240x128xf32, #tpu.memory_space<hbm>>) target(%dma_start3A_75 : memref<80x128xf32, #tpu.memory_space<vmem>>) offsets(%dma_start3A_78 : memref<80xi32, #tpu.memory_space<vmem>>) semaphore(%arg7 : memref<!tpu.dma_semaphore, #tpu.memory_space<semaphore_mem>>)
    %dma_wait3A = arith.constant 0 : i32
    %dma_wait3A_82 = arith.constant 0 : i32
    %dma_wait3A_83 = tpu.memref_slice %arg4[%dma_wait3A, %dma_wait3A_82] : memref<20480x128xf32, #tpu.memory_space<hbm>> -> memref<640x128xf32, #tpu.memory_space<hbm>>
    %dma_wait3A_84 = arith.constant 0 : i32
    %dma_wait3A_85 = arith.constant 0 : i32
    %dma_wait3A_86 = tpu.memref_slice %arg4[%dma_wait3A_84, %dma_wait3A_85] : memref<20480x128xf32, #tpu.memory_space<hbm>> -> memref<640x128xf32, #tpu.memory_space<hbm>>
    tpu.wait_dma2 semaphore(%arg7 : memref<!tpu.dma_semaphore, #tpu.memory_space<semaphore_mem>>) src(%dma_wait3A_86 : memref<640x128xf32, #tpu.memory_space<hbm>>) dst(%arg6 : memref<640x128xf32, #tpu.memory_space<vmem>>)
    "tpu.region"() ({
      %run_scoped3A = tpu.sem_alloc : memref<!tpu.dma_semaphore, #tpu.memory_space<semaphore_mem>>
      %dma_start3A_87 = arith.constant 0 : i32
      %dma_start3A_88 = tpu.memref_slice %arg4[%multiple_of3A, %dma_start3A_87] : memref<20480x128xf32, #tpu.memory_space<hbm>> -> memref<640x128xf32, #tpu.memory_space<hbm>>
      %dma_start3A_89 = arith.constant 0 : i32
      %dma_start3A_90 = tpu.memref_slice %arg4[%multiple_of3A, %dma_start3A_89] : memref<20480x128xf32, #tpu.memory_space<hbm>> -> memref<640x128xf32, #tpu.memory_space<hbm>>
      tpu.enqueue_dma source(%arg6 : memref<640x128xf32, #tpu.memory_space<vmem>>) target(%dma_start3A_90 : memref<640x128xf32, #tpu.memory_space<hbm>>) target_semaphore(%run_scoped3A : memref<!tpu.dma_semaphore, #tpu.memory_space<semaphore_mem>>)
      %dma_wait3A_91 = arith.constant 0 : i32
      %dma_wait3A_92 = tpu.memref_slice %arg4[%multiple_of3A, %dma_wait3A_91] : memref<20480x128xf32, #tpu.memory_space<hbm>> -> memref<640x128xf32, #tpu.memory_space<hbm>>
      %dma_wait3A_93 = arith.constant 0 : i32
      %dma_wait3A_94 = tpu.memref_slice %arg4[%multiple_of3A, %dma_wait3A_93] : memref<20480x128xf32, #tpu.memory_space<hbm>> -> memref<640x128xf32, #tpu.memory_space<hbm>>
      tpu.wait_dma2 semaphore(%run_scoped3A : memref<!tpu.dma_semaphore, #tpu.memory_space<semaphore_mem>>) src(%arg6 : memref<640x128xf32, #tpu.memory_space<vmem>>) dst(%dma_wait3A_94 : memref<640x128xf32, #tpu.memory_space<hbm>>)
      tpu.yield
    }) : () -> ()
    return
  }
}

#map = affine_map<(d0, d1) -> (0, 0)>
#map1 = affine_map<(d0, d1) -> (0, 0, 0, 0)>
module attributes {stable_mosaic.version = 14 : i64} {
  func.func @agg(%arg0: i32, %arg1: i32, %arg2: memref<10240x128xf32, #tpu.memory_space<hbm>>, %arg3: memref<2x16x40x128xi32, #tpu.memory_space<hbm>>, %arg4: memref<2x16x40x128xi32, #tpu.memory_space<hbm>>, %arg5: memref<640x128xf32, #tpu.memory_space<hbm>>, %arg6: memref<10240x128xf32, #tpu.memory_space<hbm>>, %arg7: memref<40x128xi32, #tpu.memory_space<vmem>>, %arg8: memref<40x128xi32, #tpu.memory_space<vmem>>, %arg9: memref<128x128xf32, #tpu.memory_space<vmem>>, %arg10: memref<5120x128xf32, #tpu.memory_space<vmem_shared>>, %arg11: memref<!tpu.dma_semaphore, #tpu.memory_space<semaphore_mem>>) attributes {dimension_semantics = [#tpu.dimension_semantics<core_parallel>, #tpu.dimension_semantics<subcore_parallel>], iteration_bounds = array<i64: 2, 16>, scalar_prefetch = 0 : i64, scratch_operands = 5 : i64, tpu.core_type = #tpu.core_type<sc_vector_subcore>, window_params = [{transform_indices = #map}, {transform_indices = #map1}, {transform_indices = #map1}, {transform_indices = #map}, {transform_indices = #map}]} {
    %mul3A = arith.constant 320 : i32
    %mul3A_0 = arith.muli %arg1, %mul3A : i32
    %multiple_of3A = tpu.assume_multiple %mul3A_0, 8 : i32
    "tpu.region"() ({
      %run_scoped3A = tpu.sem_alloc : memref<!tpu.dma_semaphore, #tpu.memory_space<semaphore_mem>>
      %dma_start3A = arith.constant 0 : i32
      %dma_start3A_12 = tpu.memref_slice %arg10[%multiple_of3A, %dma_start3A] : memref<5120x128xf32, #tpu.memory_space<vmem_shared>> -> memref<320x128xf32, #tpu.memory_space<vmem_shared>>
      %dma_start3A_13 = arith.constant 0 : i32
      %dma_start3A_14 = arith.constant 0 : i32
      %dma_start3A_15 = tpu.memref_slice %arg5[%dma_start3A_13, %dma_start3A_14] : memref<640x128xf32, #tpu.memory_space<hbm>> -> memref<320x128xf32, #tpu.memory_space<hbm>>
      tpu.enqueue_dma source(%dma_start3A_15 : memref<320x128xf32, #tpu.memory_space<hbm>>) target(%dma_start3A_12 : memref<320x128xf32, #tpu.memory_space<vmem_shared>>) target_semaphore(%run_scoped3A : memref<!tpu.dma_semaphore, #tpu.memory_space<semaphore_mem>>)
      %dma_wait3A = arith.constant 0 : i32
      %dma_wait3A_16 = tpu.memref_slice %arg10[%multiple_of3A, %dma_wait3A] : memref<5120x128xf32, #tpu.memory_space<vmem_shared>> -> memref<320x128xf32, #tpu.memory_space<vmem_shared>>
      %dma_wait3A_17 = arith.constant 0 : i32
      %dma_wait3A_18 = arith.constant 0 : i32
      %dma_wait3A_19 = tpu.memref_slice %arg5[%dma_wait3A_17, %dma_wait3A_18] : memref<640x128xf32, #tpu.memory_space<hbm>> -> memref<320x128xf32, #tpu.memory_space<hbm>>
      tpu.wait_dma2 semaphore(%run_scoped3A : memref<!tpu.dma_semaphore, #tpu.memory_space<semaphore_mem>>) src(%dma_wait3A_19 : memref<320x128xf32, #tpu.memory_space<hbm>>) dst(%dma_wait3A_16 : memref<320x128xf32, #tpu.memory_space<vmem_shared>>)
      tpu.yield
    }) : () -> ()
    "tpu.region"() ({
      %run_scoped3A = tpu.sem_alloc : memref<!tpu.dma_semaphore, #tpu.memory_space<semaphore_mem>>
      %dma_start3A = arith.constant 0 : i32
      %dma_start3A_12 = arith.constant 0 : i32
      %dma_start3A_13 = tpu.memref_slice %arg3[%arg0, %arg1, %dma_start3A, %dma_start3A_12] : memref<2x16x40x128xi32, #tpu.memory_space<hbm>> -> memref<1x1x40x128xi32, #tpu.memory_space<hbm>>
      %dma_start3A_14 = tpu.memref_squeeze %dma_start3A_13 : memref<1x1x40x128xi32, #tpu.memory_space<hbm>> -> memref<40x128xi32, #tpu.memory_space<hbm>>
      %dma_start3A_15 = arith.constant 0 : i32
      %dma_start3A_16 = arith.constant 0 : i32
      %dma_start3A_17 = tpu.memref_slice %arg3[%arg0, %arg1, %dma_start3A_15, %dma_start3A_16] : memref<2x16x40x128xi32, #tpu.memory_space<hbm>> -> memref<1x1x40x128xi32, #tpu.memory_space<hbm>>
      %dma_start3A_18 = tpu.memref_squeeze %dma_start3A_17 : memref<1x1x40x128xi32, #tpu.memory_space<hbm>> -> memref<40x128xi32, #tpu.memory_space<hbm>>
      tpu.enqueue_dma source(%dma_start3A_18 : memref<40x128xi32, #tpu.memory_space<hbm>>) target(%arg7 : memref<40x128xi32, #tpu.memory_space<vmem>>) target_semaphore(%run_scoped3A : memref<!tpu.dma_semaphore, #tpu.memory_space<semaphore_mem>>)
      %dma_wait3A = arith.constant 0 : i32
      %dma_wait3A_19 = arith.constant 0 : i32
      %dma_wait3A_20 = tpu.memref_slice %arg3[%arg0, %arg1, %dma_wait3A, %dma_wait3A_19] : memref<2x16x40x128xi32, #tpu.memory_space<hbm>> -> memref<1x1x40x128xi32, #tpu.memory_space<hbm>>
      %dma_wait3A_21 = tpu.memref_squeeze %dma_wait3A_20 : memref<1x1x40x128xi32, #tpu.memory_space<hbm>> -> memref<40x128xi32, #tpu.memory_space<hbm>>
      %dma_wait3A_22 = arith.constant 0 : i32
      %dma_wait3A_23 = arith.constant 0 : i32
      %dma_wait3A_24 = tpu.memref_slice %arg3[%arg0, %arg1, %dma_wait3A_22, %dma_wait3A_23] : memref<2x16x40x128xi32, #tpu.memory_space<hbm>> -> memref<1x1x40x128xi32, #tpu.memory_space<hbm>>
      %dma_wait3A_25 = tpu.memref_squeeze %dma_wait3A_24 : memref<1x1x40x128xi32, #tpu.memory_space<hbm>> -> memref<40x128xi32, #tpu.memory_space<hbm>>
      tpu.wait_dma2 semaphore(%run_scoped3A : memref<!tpu.dma_semaphore, #tpu.memory_space<semaphore_mem>>) src(%dma_wait3A_25 : memref<40x128xi32, #tpu.memory_space<hbm>>) dst(%arg7 : memref<40x128xi32, #tpu.memory_space<vmem>>)
      tpu.yield
    }) : () -> ()
    "tpu.region"() ({
      %run_scoped3A = tpu.sem_alloc : memref<!tpu.dma_semaphore, #tpu.memory_space<semaphore_mem>>
      %dma_start3A = arith.constant 0 : i32
      %dma_start3A_12 = arith.constant 0 : i32
      %dma_start3A_13 = tpu.memref_slice %arg4[%arg0, %arg1, %dma_start3A, %dma_start3A_12] : memref<2x16x40x128xi32, #tpu.memory_space<hbm>> -> memref<1x1x40x128xi32, #tpu.memory_space<hbm>>
      %dma_start3A_14 = tpu.memref_squeeze %dma_start3A_13 : memref<1x1x40x128xi32, #tpu.memory_space<hbm>> -> memref<40x128xi32, #tpu.memory_space<hbm>>
      %dma_start3A_15 = arith.constant 0 : i32
      %dma_start3A_16 = arith.constant 0 : i32
      %dma_start3A_17 = tpu.memref_slice %arg4[%arg0, %arg1, %dma_start3A_15, %dma_start3A_16] : memref<2x16x40x128xi32, #tpu.memory_space<hbm>> -> memref<1x1x40x128xi32, #tpu.memory_space<hbm>>
      %dma_start3A_18 = tpu.memref_squeeze %dma_start3A_17 : memref<1x1x40x128xi32, #tpu.memory_space<hbm>> -> memref<40x128xi32, #tpu.memory_space<hbm>>
      tpu.enqueue_dma source(%dma_start3A_18 : memref<40x128xi32, #tpu.memory_space<hbm>>) target(%arg8 : memref<40x128xi32, #tpu.memory_space<vmem>>) target_semaphore(%run_scoped3A : memref<!tpu.dma_semaphore, #tpu.memory_space<semaphore_mem>>)
      %dma_wait3A = arith.constant 0 : i32
      %dma_wait3A_19 = arith.constant 0 : i32
      %dma_wait3A_20 = tpu.memref_slice %arg4[%arg0, %arg1, %dma_wait3A, %dma_wait3A_19] : memref<2x16x40x128xi32, #tpu.memory_space<hbm>> -> memref<1x1x40x128xi32, #tpu.memory_space<hbm>>
      %dma_wait3A_21 = tpu.memref_squeeze %dma_wait3A_20 : memref<1x1x40x128xi32, #tpu.memory_space<hbm>> -> memref<40x128xi32, #tpu.memory_space<hbm>>
      %dma_wait3A_22 = arith.constant 0 : i32
      %dma_wait3A_23 = arith.constant 0 : i32
      %dma_wait3A_24 = tpu.memref_slice %arg4[%arg0, %arg1, %dma_wait3A_22, %dma_wait3A_23] : memref<2x16x40x128xi32, #tpu.memory_space<hbm>> -> memref<1x1x40x128xi32, #tpu.memory_space<hbm>>
      %dma_wait3A_25 = tpu.memref_squeeze %dma_wait3A_24 : memref<1x1x40x128xi32, #tpu.memory_space<hbm>> -> memref<40x128xi32, #tpu.memory_space<hbm>>
      tpu.wait_dma2 semaphore(%run_scoped3A : memref<!tpu.dma_semaphore, #tpu.memory_space<semaphore_mem>>) src(%dma_wait3A_25 : memref<40x128xi32, #tpu.memory_space<hbm>>) dst(%arg8 : memref<40x128xi32, #tpu.memory_space<vmem>>)
      tpu.yield
    }) : () -> ()
    %barrier3A = arith.constant 0 : index
    tpu.barrier barrier_id(%barrier3A)
    %scan3A = arith.constant 0 : i32
    %scan3A_1 = arith.constant 0 : i32
    %scan3A_2 = arith.constant 40 : i32
    %scan3A_3 = arith.addi %scan3A_1, %scan3A_2 : i32
    %scan3A_4 = arith.constant 1 : i32
    scf.for %scan3A_12 = %scan3A_1 to %scan3A_3 step %scan3A_4  : i32 {
      %dma_start3A = arith.constant 0 : i32
      %dma_start3A_13 = tpu.memref_slice %arg7[%scan3A_12, %dma_start3A] : memref<40x128xi32, #tpu.memory_space<vmem>> -> memref<1x128xi32, #tpu.memory_space<vmem>>
      %dma_start3A_14 = tpu.memref_squeeze %dma_start3A_13 : memref<1x128xi32, #tpu.memory_space<vmem>> -> memref<128xi32, #tpu.memory_space<vmem>>
      %dma_start3A_15 = arith.constant 0 : i32
      %dma_start3A_16 = arith.constant 0 : i32
      %dma_start3A_17 = tpu.memref_slice %arg2[%dma_start3A_15, %dma_start3A_16] : memref<10240x128xf32, #tpu.memory_space<hbm>> -> memref<10240x128xf32, #tpu.memory_space<hbm>>
      tpu.enqueue_indirect_dma source(%dma_start3A_17 : memref<10240x128xf32, #tpu.memory_space<hbm>>) target(%arg9 : memref<128x128xf32, #tpu.memory_space<vmem>>) offsets(%dma_start3A_14 : memref<128xi32, #tpu.memory_space<vmem>>) semaphore(%arg11 : memref<!tpu.dma_semaphore, #tpu.memory_space<semaphore_mem>>)
      %dma_wait3A = arith.constant 0 : i32
      %dma_wait3A_18 = tpu.memref_slice %arg7[%scan3A_12, %dma_wait3A] : memref<40x128xi32, #tpu.memory_space<vmem>> -> memref<1x128xi32, #tpu.memory_space<vmem>>
      %dma_wait3A_19 = tpu.memref_squeeze %dma_wait3A_18 : memref<1x128xi32, #tpu.memory_space<vmem>> -> memref<128xi32, #tpu.memory_space<vmem>>
      %dma_wait3A_20 = arith.constant 0 : i32
      %dma_wait3A_21 = arith.constant 0 : i32
      %dma_wait3A_22 = tpu.memref_slice %arg2[%dma_wait3A_20, %dma_wait3A_21] : memref<10240x128xf32, #tpu.memory_space<hbm>> -> memref<10240x128xf32, #tpu.memory_space<hbm>>
      tpu.wait_indirect_dma semaphore(%arg11 : memref<!tpu.dma_semaphore, #tpu.memory_space<semaphore_mem>>) src(%dma_wait3A_22 : memref<10240x128xf32, #tpu.memory_space<hbm>>) dst(%arg9 : memref<128x128xf32, #tpu.memory_space<vmem>>)
      "tpu.region"() ({
        %run_scoped3A = tpu.sem_alloc : memref<!tpu.dma_semaphore, #tpu.memory_space<semaphore_mem>>
        %dma_start3A_23 = arith.constant 0 : i32
        %dma_start3A_24 = tpu.memref_slice %arg8[%scan3A_12, %dma_start3A_23] : memref<40x128xi32, #tpu.memory_space<vmem>> -> memref<1x128xi32, #tpu.memory_space<vmem>>
        %dma_start3A_25 = tpu.memref_squeeze %dma_start3A_24 : memref<1x128xi32, #tpu.memory_space<vmem>> -> memref<128xi32, #tpu.memory_space<vmem>>
        %dma_start3A_26 = arith.constant 0 : i32
        %dma_start3A_27 = arith.constant 0 : i32
        %dma_start3A_28 = tpu.memref_slice %arg10[%dma_start3A_26, %dma_start3A_27] : memref<5120x128xf32, #tpu.memory_space<vmem_shared>> -> memref<5120x128xf32, #tpu.memory_space<vmem_shared>>
        tpu.enqueue_indirect_dma source(%arg9 : memref<128x128xf32, #tpu.memory_space<vmem>>) target(%dma_start3A_28 : memref<5120x128xf32, #tpu.memory_space<vmem_shared>>) offsets(%dma_start3A_25 : memref<128xi32, #tpu.memory_space<vmem>>) semaphore(%run_scoped3A : memref<!tpu.dma_semaphore, #tpu.memory_space<semaphore_mem>>) {add = true}
        %dma_wait3A_29 = arith.constant 0 : i32
        %dma_wait3A_30 = tpu.memref_slice %arg8[%scan3A_12, %dma_wait3A_29] : memref<40x128xi32, #tpu.memory_space<vmem>> -> memref<1x128xi32, #tpu.memory_space<vmem>>
        %dma_wait3A_31 = tpu.memref_squeeze %dma_wait3A_30 : memref<1x128xi32, #tpu.memory_space<vmem>> -> memref<128xi32, #tpu.memory_space<vmem>>
        %dma_wait3A_32 = arith.constant 0 : i32
        %dma_wait3A_33 = arith.constant 0 : i32
        %dma_wait3A_34 = tpu.memref_slice %arg10[%dma_wait3A_32, %dma_wait3A_33] : memref<5120x128xf32, #tpu.memory_space<vmem_shared>> -> memref<5120x128xf32, #tpu.memory_space<vmem_shared>>
        tpu.wait_indirect_dma semaphore(%run_scoped3A : memref<!tpu.dma_semaphore, #tpu.memory_space<semaphore_mem>>) src(%arg9 : memref<128x128xf32, #tpu.memory_space<vmem>>) dst(%dma_wait3A_34 : memref<5120x128xf32, #tpu.memory_space<vmem_shared>>)
        tpu.yield
      }) : () -> ()
    }
    %scan3A_5 = arith.constant 40 : i32
    %barrier3A_6 = arith.constant 0 : index
    tpu.barrier barrier_id(%barrier3A_6)
    %mul3A_7 = arith.constant 5120 : i32
    %mul3A_8 = arith.muli %arg0, %mul3A_7 : i32
    %mul3A_9 = arith.constant 320 : i32
    %mul3A_10 = arith.muli %arg1, %mul3A_9 : i32
    %add3A = arith.addi %mul3A_8, %mul3A_10 : i32
    %multiple_of3A_11 = tpu.assume_multiple %add3A, 8 : i32
    "tpu.region"() ({
      %run_scoped3A = tpu.sem_alloc : memref<!tpu.dma_semaphore, #tpu.memory_space<semaphore_mem>>
      %dma_start3A = arith.constant 0 : i32
      %dma_start3A_12 = tpu.memref_slice %arg6[%multiple_of3A_11, %dma_start3A] : memref<10240x128xf32, #tpu.memory_space<hbm>> -> memref<320x128xf32, #tpu.memory_space<hbm>>
      %dma_start3A_13 = arith.constant 0 : i32
      %dma_start3A_14 = tpu.memref_slice %arg10[%multiple_of3A, %dma_start3A_13] : memref<5120x128xf32, #tpu.memory_space<vmem_shared>> -> memref<320x128xf32, #tpu.memory_space<vmem_shared>>
      tpu.enqueue_dma source(%dma_start3A_14 : memref<320x128xf32, #tpu.memory_space<vmem_shared>>) target(%dma_start3A_12 : memref<320x128xf32, #tpu.memory_space<hbm>>) target_semaphore(%run_scoped3A : memref<!tpu.dma_semaphore, #tpu.memory_space<semaphore_mem>>)
      %dma_wait3A = arith.constant 0 : i32
      %dma_wait3A_15 = tpu.memref_slice %arg6[%multiple_of3A_11, %dma_wait3A] : memref<10240x128xf32, #tpu.memory_space<hbm>> -> memref<320x128xf32, #tpu.memory_space<hbm>>
      %dma_wait3A_16 = arith.constant 0 : i32
      %dma_wait3A_17 = tpu.memref_slice %arg10[%multiple_of3A, %dma_wait3A_16] : memref<5120x128xf32, #tpu.memory_space<vmem_shared>> -> memref<320x128xf32, #tpu.memory_space<vmem_shared>>
      tpu.wait_dma2 semaphore(%run_scoped3A : memref<!tpu.dma_semaphore, #tpu.memory_space<semaphore_mem>>) src(%dma_wait3A_17 : memref<320x128xf32, #tpu.memory_space<vmem_shared>>) dst(%dma_wait3A_15 : memref<320x128xf32, #tpu.memory_space<hbm>>)
      tpu.yield
    }) : () -> ()
    return
  }
}

#map = affine_map<(d0, d1) -> (0, 0)>
#map1 = affine_map<(d0, d1) -> (0, 0, 0, 0)>
module attributes {stable_mosaic.version = 14 : i64} {
  func.func @agg(%arg0: i32, %arg1: i32, %arg2: memref<10240x128xf32, #tpu.memory_space<hbm>>, %arg3: memref<2x16x40x128xi32, #tpu.memory_space<hbm>>, %arg4: memref<2x16x40x128xi32, #tpu.memory_space<hbm>>, %arg5: memref<640x128xf32, #tpu.memory_space<hbm>>, %arg6: memref<10240x128xf32, #tpu.memory_space<hbm>>, %arg7: memref<40x128xi32, #tpu.memory_space<vmem>>, %arg8: memref<40x128xi32, #tpu.memory_space<vmem>>, %arg9: memref<128x128xf32, #tpu.memory_space<vmem>>, %arg10: memref<5120x128xf32, #tpu.memory_space<vmem_shared>>, %arg11: memref<!tpu.dma_semaphore, #tpu.memory_space<semaphore_mem>>) attributes {dimension_semantics = [#tpu.dimension_semantics<core_parallel>, #tpu.dimension_semantics<subcore_parallel>], iteration_bounds = array<i64: 2, 16>, scalar_prefetch = 0 : i64, scratch_operands = 5 : i64, tpu.core_type = #tpu.core_type<sc_vector_subcore>, window_params = [{transform_indices = #map}, {transform_indices = #map1}, {transform_indices = #map1}, {transform_indices = #map}, {transform_indices = #map}]} {
    %mul3A = arith.constant 320 : i32
    %mul3A_0 = arith.muli %arg1, %mul3A : i32
    %multiple_of3A = tpu.assume_multiple %mul3A_0, 8 : i32
    "tpu.region"() ({
      %run_scoped3A = tpu.sem_alloc : memref<!tpu.dma_semaphore, #tpu.memory_space<semaphore_mem>>
      %dma_start3A = arith.constant 0 : i32
      %dma_start3A_12 = tpu.memref_slice %arg10[%multiple_of3A, %dma_start3A] : memref<5120x128xf32, #tpu.memory_space<vmem_shared>> -> memref<320x128xf32, #tpu.memory_space<vmem_shared>>
      %dma_start3A_13 = arith.constant 0 : i32
      %dma_start3A_14 = arith.constant 0 : i32
      %dma_start3A_15 = tpu.memref_slice %arg5[%dma_start3A_13, %dma_start3A_14] : memref<640x128xf32, #tpu.memory_space<hbm>> -> memref<320x128xf32, #tpu.memory_space<hbm>>
      tpu.enqueue_dma source(%dma_start3A_15 : memref<320x128xf32, #tpu.memory_space<hbm>>) target(%dma_start3A_12 : memref<320x128xf32, #tpu.memory_space<vmem_shared>>) target_semaphore(%run_scoped3A : memref<!tpu.dma_semaphore, #tpu.memory_space<semaphore_mem>>)
      %dma_wait3A = arith.constant 0 : i32
      %dma_wait3A_16 = tpu.memref_slice %arg10[%multiple_of3A, %dma_wait3A] : memref<5120x128xf32, #tpu.memory_space<vmem_shared>> -> memref<320x128xf32, #tpu.memory_space<vmem_shared>>
      %dma_wait3A_17 = arith.constant 0 : i32
      %dma_wait3A_18 = arith.constant 0 : i32
      %dma_wait3A_19 = tpu.memref_slice %arg5[%dma_wait3A_17, %dma_wait3A_18] : memref<640x128xf32, #tpu.memory_space<hbm>> -> memref<320x128xf32, #tpu.memory_space<hbm>>
      tpu.wait_dma2 semaphore(%run_scoped3A : memref<!tpu.dma_semaphore, #tpu.memory_space<semaphore_mem>>) src(%dma_wait3A_19 : memref<320x128xf32, #tpu.memory_space<hbm>>) dst(%dma_wait3A_16 : memref<320x128xf32, #tpu.memory_space<vmem_shared>>)
      tpu.yield
    }) : () -> ()
    "tpu.region"() ({
      %run_scoped3A = tpu.sem_alloc : memref<!tpu.dma_semaphore, #tpu.memory_space<semaphore_mem>>
      %dma_start3A = arith.constant 0 : i32
      %dma_start3A_12 = arith.constant 0 : i32
      %dma_start3A_13 = tpu.memref_slice %arg3[%arg0, %arg1, %dma_start3A, %dma_start3A_12] : memref<2x16x40x128xi32, #tpu.memory_space<hbm>> -> memref<1x1x40x128xi32, #tpu.memory_space<hbm>>
      %dma_start3A_14 = tpu.memref_squeeze %dma_start3A_13 : memref<1x1x40x128xi32, #tpu.memory_space<hbm>> -> memref<40x128xi32, #tpu.memory_space<hbm>>
      %dma_start3A_15 = arith.constant 0 : i32
      %dma_start3A_16 = arith.constant 0 : i32
      %dma_start3A_17 = tpu.memref_slice %arg3[%arg0, %arg1, %dma_start3A_15, %dma_start3A_16] : memref<2x16x40x128xi32, #tpu.memory_space<hbm>> -> memref<1x1x40x128xi32, #tpu.memory_space<hbm>>
      %dma_start3A_18 = tpu.memref_squeeze %dma_start3A_17 : memref<1x1x40x128xi32, #tpu.memory_space<hbm>> -> memref<40x128xi32, #tpu.memory_space<hbm>>
      tpu.enqueue_dma source(%dma_start3A_18 : memref<40x128xi32, #tpu.memory_space<hbm>>) target(%arg7 : memref<40x128xi32, #tpu.memory_space<vmem>>) target_semaphore(%run_scoped3A : memref<!tpu.dma_semaphore, #tpu.memory_space<semaphore_mem>>)
      %dma_wait3A = arith.constant 0 : i32
      %dma_wait3A_19 = arith.constant 0 : i32
      %dma_wait3A_20 = tpu.memref_slice %arg3[%arg0, %arg1, %dma_wait3A, %dma_wait3A_19] : memref<2x16x40x128xi32, #tpu.memory_space<hbm>> -> memref<1x1x40x128xi32, #tpu.memory_space<hbm>>
      %dma_wait3A_21 = tpu.memref_squeeze %dma_wait3A_20 : memref<1x1x40x128xi32, #tpu.memory_space<hbm>> -> memref<40x128xi32, #tpu.memory_space<hbm>>
      %dma_wait3A_22 = arith.constant 0 : i32
      %dma_wait3A_23 = arith.constant 0 : i32
      %dma_wait3A_24 = tpu.memref_slice %arg3[%arg0, %arg1, %dma_wait3A_22, %dma_wait3A_23] : memref<2x16x40x128xi32, #tpu.memory_space<hbm>> -> memref<1x1x40x128xi32, #tpu.memory_space<hbm>>
      %dma_wait3A_25 = tpu.memref_squeeze %dma_wait3A_24 : memref<1x1x40x128xi32, #tpu.memory_space<hbm>> -> memref<40x128xi32, #tpu.memory_space<hbm>>
      tpu.wait_dma2 semaphore(%run_scoped3A : memref<!tpu.dma_semaphore, #tpu.memory_space<semaphore_mem>>) src(%dma_wait3A_25 : memref<40x128xi32, #tpu.memory_space<hbm>>) dst(%arg7 : memref<40x128xi32, #tpu.memory_space<vmem>>)
      tpu.yield
    }) : () -> ()
    "tpu.region"() ({
      %run_scoped3A = tpu.sem_alloc : memref<!tpu.dma_semaphore, #tpu.memory_space<semaphore_mem>>
      %dma_start3A = arith.constant 0 : i32
      %dma_start3A_12 = arith.constant 0 : i32
      %dma_start3A_13 = tpu.memref_slice %arg4[%arg0, %arg1, %dma_start3A, %dma_start3A_12] : memref<2x16x40x128xi32, #tpu.memory_space<hbm>> -> memref<1x1x40x128xi32, #tpu.memory_space<hbm>>
      %dma_start3A_14 = tpu.memref_squeeze %dma_start3A_13 : memref<1x1x40x128xi32, #tpu.memory_space<hbm>> -> memref<40x128xi32, #tpu.memory_space<hbm>>
      %dma_start3A_15 = arith.constant 0 : i32
      %dma_start3A_16 = arith.constant 0 : i32
      %dma_start3A_17 = tpu.memref_slice %arg4[%arg0, %arg1, %dma_start3A_15, %dma_start3A_16] : memref<2x16x40x128xi32, #tpu.memory_space<hbm>> -> memref<1x1x40x128xi32, #tpu.memory_space<hbm>>
      %dma_start3A_18 = tpu.memref_squeeze %dma_start3A_17 : memref<1x1x40x128xi32, #tpu.memory_space<hbm>> -> memref<40x128xi32, #tpu.memory_space<hbm>>
      tpu.enqueue_dma source(%dma_start3A_18 : memref<40x128xi32, #tpu.memory_space<hbm>>) target(%arg8 : memref<40x128xi32, #tpu.memory_space<vmem>>) target_semaphore(%run_scoped3A : memref<!tpu.dma_semaphore, #tpu.memory_space<semaphore_mem>>)
      %dma_wait3A = arith.constant 0 : i32
      %dma_wait3A_19 = arith.constant 0 : i32
      %dma_wait3A_20 = tpu.memref_slice %arg4[%arg0, %arg1, %dma_wait3A, %dma_wait3A_19] : memref<2x16x40x128xi32, #tpu.memory_space<hbm>> -> memref<1x1x40x128xi32, #tpu.memory_space<hbm>>
      %dma_wait3A_21 = tpu.memref_squeeze %dma_wait3A_20 : memref<1x1x40x128xi32, #tpu.memory_space<hbm>> -> memref<40x128xi32, #tpu.memory_space<hbm>>
      %dma_wait3A_22 = arith.constant 0 : i32
      %dma_wait3A_23 = arith.constant 0 : i32
      %dma_wait3A_24 = tpu.memref_slice %arg4[%arg0, %arg1, %dma_wait3A_22, %dma_wait3A_23] : memref<2x16x40x128xi32, #tpu.memory_space<hbm>> -> memref<1x1x40x128xi32, #tpu.memory_space<hbm>>
      %dma_wait3A_25 = tpu.memref_squeeze %dma_wait3A_24 : memref<1x1x40x128xi32, #tpu.memory_space<hbm>> -> memref<40x128xi32, #tpu.memory_space<hbm>>
      tpu.wait_dma2 semaphore(%run_scoped3A : memref<!tpu.dma_semaphore, #tpu.memory_space<semaphore_mem>>) src(%dma_wait3A_25 : memref<40x128xi32, #tpu.memory_space<hbm>>) dst(%arg8 : memref<40x128xi32, #tpu.memory_space<vmem>>)
      tpu.yield
    }) : () -> ()
    %barrier3A = arith.constant 0 : index
    tpu.barrier barrier_id(%barrier3A)
    %scan3A = arith.constant 0 : i32
    %scan3A_1 = arith.constant 0 : i32
    %scan3A_2 = arith.constant 40 : i32
    %scan3A_3 = arith.addi %scan3A_1, %scan3A_2 : i32
    %scan3A_4 = arith.constant 1 : i32
    scf.for %scan3A_12 = %scan3A_1 to %scan3A_3 step %scan3A_4  : i32 {
      %dma_start3A = arith.constant 0 : i32
      %dma_start3A_13 = tpu.memref_slice %arg7[%scan3A_12, %dma_start3A] : memref<40x128xi32, #tpu.memory_space<vmem>> -> memref<1x128xi32, #tpu.memory_space<vmem>>
      %dma_start3A_14 = tpu.memref_squeeze %dma_start3A_13 : memref<1x128xi32, #tpu.memory_space<vmem>> -> memref<128xi32, #tpu.memory_space<vmem>>
      %dma_start3A_15 = arith.constant 0 : i32
      %dma_start3A_16 = arith.constant 0 : i32
      %dma_start3A_17 = tpu.memref_slice %arg2[%dma_start3A_15, %dma_start3A_16] : memref<10240x128xf32, #tpu.memory_space<hbm>> -> memref<10240x128xf32, #tpu.memory_space<hbm>>
      tpu.enqueue_indirect_dma source(%dma_start3A_17 : memref<10240x128xf32, #tpu.memory_space<hbm>>) target(%arg9 : memref<128x128xf32, #tpu.memory_space<vmem>>) offsets(%dma_start3A_14 : memref<128xi32, #tpu.memory_space<vmem>>) semaphore(%arg11 : memref<!tpu.dma_semaphore, #tpu.memory_space<semaphore_mem>>)
      %dma_wait3A = arith.constant 0 : i32
      %dma_wait3A_18 = tpu.memref_slice %arg7[%scan3A_12, %dma_wait3A] : memref<40x128xi32, #tpu.memory_space<vmem>> -> memref<1x128xi32, #tpu.memory_space<vmem>>
      %dma_wait3A_19 = tpu.memref_squeeze %dma_wait3A_18 : memref<1x128xi32, #tpu.memory_space<vmem>> -> memref<128xi32, #tpu.memory_space<vmem>>
      %dma_wait3A_20 = arith.constant 0 : i32
      %dma_wait3A_21 = arith.constant 0 : i32
      %dma_wait3A_22 = tpu.memref_slice %arg2[%dma_wait3A_20, %dma_wait3A_21] : memref<10240x128xf32, #tpu.memory_space<hbm>> -> memref<10240x128xf32, #tpu.memory_space<hbm>>
      tpu.wait_indirect_dma semaphore(%arg11 : memref<!tpu.dma_semaphore, #tpu.memory_space<semaphore_mem>>) src(%dma_wait3A_22 : memref<10240x128xf32, #tpu.memory_space<hbm>>) dst(%arg9 : memref<128x128xf32, #tpu.memory_space<vmem>>)
      "tpu.region"() ({
        %run_scoped3A = tpu.sem_alloc : memref<!tpu.dma_semaphore, #tpu.memory_space<semaphore_mem>>
        %dma_start3A_23 = arith.constant 0 : i32
        %dma_start3A_24 = tpu.memref_slice %arg8[%scan3A_12, %dma_start3A_23] : memref<40x128xi32, #tpu.memory_space<vmem>> -> memref<1x128xi32, #tpu.memory_space<vmem>>
        %dma_start3A_25 = tpu.memref_squeeze %dma_start3A_24 : memref<1x128xi32, #tpu.memory_space<vmem>> -> memref<128xi32, #tpu.memory_space<vmem>>
        %dma_start3A_26 = arith.constant 0 : i32
        %dma_start3A_27 = arith.constant 0 : i32
        %dma_start3A_28 = tpu.memref_slice %arg10[%dma_start3A_26, %dma_start3A_27] : memref<5120x128xf32, #tpu.memory_space<vmem_shared>> -> memref<5120x128xf32, #tpu.memory_space<vmem_shared>>
        tpu.enqueue_indirect_dma source(%arg9 : memref<128x128xf32, #tpu.memory_space<vmem>>) target(%dma_start3A_28 : memref<5120x128xf32, #tpu.memory_space<vmem_shared>>) offsets(%dma_start3A_25 : memref<128xi32, #tpu.memory_space<vmem>>) semaphore(%run_scoped3A : memref<!tpu.dma_semaphore, #tpu.memory_space<semaphore_mem>>) {add = true}
        %dma_wait3A_29 = arith.constant 0 : i32
        %dma_wait3A_30 = tpu.memref_slice %arg8[%scan3A_12, %dma_wait3A_29] : memref<40x128xi32, #tpu.memory_space<vmem>> -> memref<1x128xi32, #tpu.memory_space<vmem>>
        %dma_wait3A_31 = tpu.memref_squeeze %dma_wait3A_30 : memref<1x128xi32, #tpu.memory_space<vmem>> -> memref<128xi32, #tpu.memory_space<vmem>>
        %dma_wait3A_32 = arith.constant 0 : i32
        %dma_wait3A_33 = arith.constant 0 : i32
        %dma_wait3A_34 = tpu.memref_slice %arg10[%dma_wait3A_32, %dma_wait3A_33] : memref<5120x128xf32, #tpu.memory_space<vmem_shared>> -> memref<5120x128xf32, #tpu.memory_space<vmem_shared>>
        tpu.wait_indirect_dma semaphore(%run_scoped3A : memref<!tpu.dma_semaphore, #tpu.memory_space<semaphore_mem>>) src(%arg9 : memref<128x128xf32, #tpu.memory_space<vmem>>) dst(%dma_wait3A_34 : memref<5120x128xf32, #tpu.memory_space<vmem_shared>>)
        tpu.yield
      }) : () -> ()
    }
    %scan3A_5 = arith.constant 40 : i32
    %barrier3A_6 = arith.constant 0 : index
    tpu.barrier barrier_id(%barrier3A_6)
    %mul3A_7 = arith.constant 5120 : i32
    %mul3A_8 = arith.muli %arg0, %mul3A_7 : i32
    %mul3A_9 = arith.constant 320 : i32
    %mul3A_10 = arith.muli %arg1, %mul3A_9 : i32
    %add3A = arith.addi %mul3A_8, %mul3A_10 : i32
    %multiple_of3A_11 = tpu.assume_multiple %add3A, 8 : i32
    "tpu.region"() ({
      %run_scoped3A = tpu.sem_alloc : memref<!tpu.dma_semaphore, #tpu.memory_space<semaphore_mem>>
      %dma_start3A = arith.constant 0 : i32
      %dma_start3A_12 = tpu.memref_slice %arg6[%multiple_of3A_11, %dma_start3A] : memref<10240x128xf32, #tpu.memory_space<hbm>> -> memref<320x128xf32, #tpu.memory_space<hbm>>
      %dma_start3A_13 = arith.constant 0 : i32
      %dma_start3A_14 = tpu.memref_slice %arg10[%multiple_of3A, %dma_start3A_13] : memref<5120x128xf32, #tpu.memory_space<vmem_shared>> -> memref<320x128xf32, #tpu.memory_space<vmem_shared>>
      tpu.enqueue_dma source(%dma_start3A_14 : memref<320x128xf32, #tpu.memory_space<vmem_shared>>) target(%dma_start3A_12 : memref<320x128xf32, #tpu.memory_space<hbm>>) target_semaphore(%run_scoped3A : memref<!tpu.dma_semaphore, #tpu.memory_space<semaphore_mem>>)
      %dma_wait3A = arith.constant 0 : i32
      %dma_wait3A_15 = tpu.memref_slice %arg6[%multiple_of3A_11, %dma_wait3A] : memref<10240x128xf32, #tpu.memory_space<hbm>> -> memref<320x128xf32, #tpu.memory_space<hbm>>
      %dma_wait3A_16 = arith.constant 0 : i32
      %dma_wait3A_17 = tpu.memref_slice %arg10[%multiple_of3A, %dma_wait3A_16] : memref<5120x128xf32, #tpu.memory_space<vmem_shared>> -> memref<320x128xf32, #tpu.memory_space<vmem_shared>>
      tpu.wait_dma2 semaphore(%run_scoped3A : memref<!tpu.dma_semaphore, #tpu.memory_space<semaphore_mem>>) src(%dma_wait3A_17 : memref<320x128xf32, #tpu.memory_space<vmem_shared>>) dst(%dma_wait3A_15 : memref<320x128xf32, #tpu.memory_space<hbm>>)
      tpu.yield
    }) : () -> ()
    return
  }
}

#map = affine_map<(d0, d1) -> (0, 0)>
#map1 = affine_map<(d0, d1) -> (0, 0, 0, 0)>
#map2 = affine_map<(d0, d1) -> (0, 0, 0, 0, 0)>
#map3 = affine_map<(d0, d1) -> (0)>
module attributes {stable_mosaic.version = 14 : i64} {
  func.func @_sc_gather_deg_body(%arg0: i32, %arg1: i32, %arg2: memref<100000x128xf32, #tpu.memory_space<hbm>>, %arg3: memref<100000x128xf32, #tpu.memory_space<hbm>>, %arg4: memref<2x16x4x80xi32, #tpu.memory_space<hbm>>, %arg5: memref<2x16x8x80xi32, #tpu.memory_space<hbm>>, %arg6: memref<3x2x16x40x128xi32, #tpu.memory_space<hbm>>, %arg7: memref<1920xf32, #tpu.memory_space<hbm>>, %arg8: memref<10240x128xf32, #tpu.memory_space<hbm>>, %arg9: memref<10240x128xf32, #tpu.memory_space<hbm>>, %arg10: memref<20480x128xf32, #tpu.memory_space<hbm>>, %arg11: memref<2x30720xf32, #tpu.memory_space<hbm>>, %arg12: memref<4x80xi32, #tpu.memory_space<vmem>>, %arg13: memref<8x80xi32, #tpu.memory_space<vmem>>, %arg14: memref<40x128xi32, #tpu.memory_space<vmem>>, %arg15: memref<640x128xf32, #tpu.memory_space<vmem>>, %arg16: memref<128xf32, #tpu.memory_space<vmem>>, %arg17: memref<30720xf32, #tpu.memory_space<vmem_shared>>, %arg18: memref<!tpu.dma_semaphore, #tpu.memory_space<semaphore_mem>>, %arg19: memref<!tpu.dma_semaphore, #tpu.memory_space<semaphore_mem>>) attributes {dimension_semantics = [#tpu.dimension_semantics<core_parallel>, #tpu.dimension_semantics<subcore_parallel>], iteration_bounds = array<i64: 2, 16>, scalar_prefetch = 0 : i64, scratch_operands = 8 : i64, tpu.core_type = #tpu.core_type<sc_vector_subcore>, window_params = [{transform_indices = #map}, {transform_indices = #map}, {transform_indices = #map1}, {transform_indices = #map1}, {transform_indices = #map2}, {transform_indices = #map3}, {transform_indices = #map}, {transform_indices = #map}, {transform_indices = #map}, {transform_indices = #map}]} {
    %mul3A = arith.constant 1920 : i32
    %mul3A_0 = arith.muli %arg1, %mul3A : i32
    %multiple_of3A = tpu.assume_multiple %mul3A_0, 8 : i32
    "tpu.region"() ({
      %run_scoped3A_266 = tpu.sem_alloc : memref<!tpu.dma_semaphore, #tpu.memory_space<semaphore_mem>>
      %dma_start3A_267 = tpu.memref_slice %arg17[%multiple_of3A] : memref<30720xf32, #tpu.memory_space<vmem_shared>> -> memref<1920xf32, #tpu.memory_space<vmem_shared>>
      tpu.enqueue_dma source(%arg7 : memref<1920xf32, #tpu.memory_space<hbm>>) target(%dma_start3A_267 : memref<1920xf32, #tpu.memory_space<vmem_shared>>) target_semaphore(%run_scoped3A_266 : memref<!tpu.dma_semaphore, #tpu.memory_space<semaphore_mem>>)
      %dma_wait3A_268 = tpu.memref_slice %arg17[%multiple_of3A] : memref<30720xf32, #tpu.memory_space<vmem_shared>> -> memref<1920xf32, #tpu.memory_space<vmem_shared>>
      tpu.wait_dma2 semaphore(%run_scoped3A_266 : memref<!tpu.dma_semaphore, #tpu.memory_space<semaphore_mem>>) src(%arg7 : memref<1920xf32, #tpu.memory_space<hbm>>) dst(%dma_wait3A_268 : memref<1920xf32, #tpu.memory_space<vmem_shared>>)
      tpu.yield
    }) : () -> ()
    %broadcast_in_dim3A = arith.constant 1.000000e+00 : f32
    %broadcast_in_dim3A_1 = vector.broadcast %broadcast_in_dim3A : f32 to vector<16xf32>
    %swap3A = arith.constant 0 : index
    %swap3A_2 = tpu.vector_load %arg16[%swap3A] {strides = array<i32>} : memref<128xf32, #tpu.memory_space<vmem>>, vector<16xf32>,
    %swap3A_3 = vector.shape_cast %swap3A_2 : vector<16xf32> to vector<16xf32>
    %swap3A_4 = vector.shape_cast %broadcast_in_dim3A_1 : vector<16xf32> to vector<16xf32>
    tpu.vector_store %arg16[%swap3A], %swap3A_4 {strides = array<i32>} : memref<128xf32, #tpu.memory_space<vmem>>, vector<16xf32>,
    %broadcast_in_dim3A_5 = arith.constant 1.000000e+00 : f32
    %broadcast_in_dim3A_6 = vector.broadcast %broadcast_in_dim3A_5 : f32 to vector<16xf32>
    %swap3A_7 = arith.constant 16 : index
    %swap3A_8 = tpu.vector_load %arg16[%swap3A_7] {strides = array<i32>} : memref<128xf32, #tpu.memory_space<vmem>>, vector<16xf32>,
    %swap3A_9 = vector.shape_cast %swap3A_8 : vector<16xf32> to vector<16xf32>
    %swap3A_10 = vector.shape_cast %broadcast_in_dim3A_6 : vector<16xf32> to vector<16xf32>
    tpu.vector_store %arg16[%swap3A_7], %swap3A_10 {strides = array<i32>} : memref<128xf32, #tpu.memory_space<vmem>>, vector<16xf32>,
    %broadcast_in_dim3A_11 = arith.constant 1.000000e+00 : f32
    %broadcast_in_dim3A_12 = vector.broadcast %broadcast_in_dim3A_11 : f32 to vector<16xf32>
    %swap3A_13 = arith.constant 32 : index
    %swap3A_14 = tpu.vector_load %arg16[%swap3A_13] {strides = array<i32>} : memref<128xf32, #tpu.memory_space<vmem>>, vector<16xf32>,
    %swap3A_15 = vector.shape_cast %swap3A_14 : vector<16xf32> to vector<16xf32>
    %swap3A_16 = vector.shape_cast %broadcast_in_dim3A_12 : vector<16xf32> to vector<16xf32>
    tpu.vector_store %arg16[%swap3A_13], %swap3A_16 {strides = array<i32>} : memref<128xf32, #tpu.memory_space<vmem>>, vector<16xf32>,
    %broadcast_in_dim3A_17 = arith.constant 1.000000e+00 : f32
    %broadcast_in_dim3A_18 = vector.broadcast %broadcast_in_dim3A_17 : f32 to vector<16xf32>
    %swap3A_19 = arith.constant 48 : index
    %swap3A_20 = tpu.vector_load %arg16[%swap3A_19] {strides = array<i32>} : memref<128xf32, #tpu.memory_space<vmem>>, vector<16xf32>,
    %swap3A_21 = vector.shape_cast %swap3A_20 : vector<16xf32> to vector<16xf32>
    %swap3A_22 = vector.shape_cast %broadcast_in_dim3A_18 : vector<16xf32> to vector<16xf32>
    tpu.vector_store %arg16[%swap3A_19], %swap3A_22 {strides = array<i32>} : memref<128xf32, #tpu.memory_space<vmem>>, vector<16xf32>,
    %broadcast_in_dim3A_23 = arith.constant 1.000000e+00 : f32
    %broadcast_in_dim3A_24 = vector.broadcast %broadcast_in_dim3A_23 : f32 to vector<16xf32>
    %swap3A_25 = arith.constant 64 : index
    %swap3A_26 = tpu.vector_load %arg16[%swap3A_25] {strides = array<i32>} : memref<128xf32, #tpu.memory_space<vmem>>, vector<16xf32>,
    %swap3A_27 = vector.shape_cast %swap3A_26 : vector<16xf32> to vector<16xf32>
    %swap3A_28 = vector.shape_cast %broadcast_in_dim3A_24 : vector<16xf32> to vector<16xf32>
    tpu.vector_store %arg16[%swap3A_25], %swap3A_28 {strides = array<i32>} : memref<128xf32, #tpu.memory_space<vmem>>, vector<16xf32>,
    %broadcast_in_dim3A_29 = arith.constant 1.000000e+00 : f32
    %broadcast_in_dim3A_30 = vector.broadcast %broadcast_in_dim3A_29 : f32 to vector<16xf32>
    %swap3A_31 = arith.constant 80 : index
    %swap3A_32 = tpu.vector_load %arg16[%swap3A_31] {strides = array<i32>} : memref<128xf32, #tpu.memory_space<vmem>>, vector<16xf32>,
    %swap3A_33 = vector.shape_cast %swap3A_32 : vector<16xf32> to vector<16xf32>
    %swap3A_34 = vector.shape_cast %broadcast_in_dim3A_30 : vector<16xf32> to vector<16xf32>
    tpu.vector_store %arg16[%swap3A_31], %swap3A_34 {strides = array<i32>} : memref<128xf32, #tpu.memory_space<vmem>>, vector<16xf32>,
    %broadcast_in_dim3A_35 = arith.constant 1.000000e+00 : f32
    %broadcast_in_dim3A_36 = vector.broadcast %broadcast_in_dim3A_35 : f32 to vector<16xf32>
    %swap3A_37 = arith.constant 96 : index
    %swap3A_38 = tpu.vector_load %arg16[%swap3A_37] {strides = array<i32>} : memref<128xf32, #tpu.memory_space<vmem>>, vector<16xf32>,
    %swap3A_39 = vector.shape_cast %swap3A_38 : vector<16xf32> to vector<16xf32>
    %swap3A_40 = vector.shape_cast %broadcast_in_dim3A_36 : vector<16xf32> to vector<16xf32>
    tpu.vector_store %arg16[%swap3A_37], %swap3A_40 {strides = array<i32>} : memref<128xf32, #tpu.memory_space<vmem>>, vector<16xf32>,
    %broadcast_in_dim3A_41 = arith.constant 1.000000e+00 : f32
    %broadcast_in_dim3A_42 = vector.broadcast %broadcast_in_dim3A_41 : f32 to vector<16xf32>
    %swap3A_43 = arith.constant 112 : index
    %swap3A_44 = tpu.vector_load %arg16[%swap3A_43] {strides = array<i32>} : memref<128xf32, #tpu.memory_space<vmem>>, vector<16xf32>,
    %swap3A_45 = vector.shape_cast %swap3A_44 : vector<16xf32> to vector<16xf32>
    %swap3A_46 = vector.shape_cast %broadcast_in_dim3A_42 : vector<16xf32> to vector<16xf32>
    tpu.vector_store %arg16[%swap3A_43], %swap3A_46 {strides = array<i32>} : memref<128xf32, #tpu.memory_space<vmem>>, vector<16xf32>,
    %barrier3A = arith.constant 0 : index
    tpu.barrier barrier_id(%barrier3A)
    "tpu.region"() ({
      %run_scoped3A_266 = tpu.sem_alloc : memref<!tpu.dma_semaphore, #tpu.memory_space<semaphore_mem>>
      %dma_start3A_267 = arith.constant 0 : i32
      %dma_start3A_268 = arith.constant 0 : i32
      %dma_start3A_269 = tpu.memref_slice %arg4[%arg0, %arg1, %dma_start3A_267, %dma_start3A_268] : memref<2x16x4x80xi32, #tpu.memory_space<hbm>> -> memref<1x1x4x80xi32, #tpu.memory_space<hbm>>
      %dma_start3A_270 = tpu.memref_squeeze %dma_start3A_269 : memref<1x1x4x80xi32, #tpu.memory_space<hbm>> -> memref<4x80xi32, #tpu.memory_space<hbm>>
      %dma_start3A_271 = arith.constant 0 : i32
      %dma_start3A_272 = arith.constant 0 : i32
      %dma_start3A_273 = tpu.memref_slice %arg4[%arg0, %arg1, %dma_start3A_271, %dma_start3A_272] : memref<2x16x4x80xi32, #tpu.memory_space<hbm>> -> memref<1x1x4x80xi32, #tpu.memory_space<hbm>>
      %dma_start3A_274 = tpu.memref_squeeze %dma_start3A_273 : memref<1x1x4x80xi32, #tpu.memory_space<hbm>> -> memref<4x80xi32, #tpu.memory_space<hbm>>
      tpu.enqueue_dma source(%dma_start3A_274 : memref<4x80xi32, #tpu.memory_space<hbm>>) target(%arg12 : memref<4x80xi32, #tpu.memory_space<vmem>>) target_semaphore(%run_scoped3A_266 : memref<!tpu.dma_semaphore, #tpu.memory_space<semaphore_mem>>)
      %dma_wait3A_275 = arith.constant 0 : i32
      %dma_wait3A_276 = arith.constant 0 : i32
      %dma_wait3A_277 = tpu.memref_slice %arg4[%arg0, %arg1, %dma_wait3A_275, %dma_wait3A_276] : memref<2x16x4x80xi32, #tpu.memory_space<hbm>> -> memref<1x1x4x80xi32, #tpu.memory_space<hbm>>
      %dma_wait3A_278 = tpu.memref_squeeze %dma_wait3A_277 : memref<1x1x4x80xi32, #tpu.memory_space<hbm>> -> memref<4x80xi32, #tpu.memory_space<hbm>>
      %dma_wait3A_279 = arith.constant 0 : i32
      %dma_wait3A_280 = arith.constant 0 : i32
      %dma_wait3A_281 = tpu.memref_slice %arg4[%arg0, %arg1, %dma_wait3A_279, %dma_wait3A_280] : memref<2x16x4x80xi32, #tpu.memory_space<hbm>> -> memref<1x1x4x80xi32, #tpu.memory_space<hbm>>
      %dma_wait3A_282 = tpu.memref_squeeze %dma_wait3A_281 : memref<1x1x4x80xi32, #tpu.memory_space<hbm>> -> memref<4x80xi32, #tpu.memory_space<hbm>>
      tpu.wait_dma2 semaphore(%run_scoped3A_266 : memref<!tpu.dma_semaphore, #tpu.memory_space<semaphore_mem>>) src(%dma_wait3A_282 : memref<4x80xi32, #tpu.memory_space<hbm>>) dst(%arg12 : memref<4x80xi32, #tpu.memory_space<vmem>>)
      tpu.yield
    }) : () -> ()
    %mul3A_47 = arith.constant 16 : i32
    %mul3A_48 = arith.muli %arg0, %mul3A_47 : i32
    %add3A = arith.addi %mul3A_48, %arg1 : i32
    %mul3A_49 = arith.constant 320 : i32
    %mul3A_50 = arith.muli %add3A, %mul3A_49 : i32
    %multiple_of3A_51 = tpu.assume_multiple %mul3A_50, 8 : i32
    %dma_start3A = arith.constant 0 : i32
    %dma_start3A_52 = arith.constant 0 : i32
    %dma_start3A_53 = arith.constant 0 : i32
    %dma_start3A_54 = tpu.memref_slice %arg15[%dma_start3A_52, %dma_start3A_53] : memref<640x128xf32, #tpu.memory_space<vmem>> -> memref<80x128xf32, #tpu.memory_space<vmem>>
    %dma_start3A_55 = arith.constant 0 : i32
    %dma_start3A_56 = tpu.memref_slice %arg12[%dma_start3A, %dma_start3A_55] : memref<4x80xi32, #tpu.memory_space<vmem>> -> memref<1x80xi32, #tpu.memory_space<vmem>>
    %dma_start3A_57 = tpu.memref_squeeze %dma_start3A_56 : memref<1x80xi32, #tpu.memory_space<vmem>> -> memref<80xi32, #tpu.memory_space<vmem>>
    %dma_start3A_58 = arith.constant 0 : i32
    %dma_start3A_59 = arith.constant 0 : i32
    %dma_start3A_60 = tpu.memref_slice %arg2[%dma_start3A_58, %dma_start3A_59] : memref<100000x128xf32, #tpu.memory_space<hbm>> -> memref<100000x128xf32, #tpu.memory_space<hbm>>
    tpu.enqueue_indirect_dma source(%dma_start3A_60 : memref<100000x128xf32, #tpu.memory_space<hbm>>) target(%dma_start3A_54 : memref<80x128xf32, #tpu.memory_space<vmem>>) offsets(%dma_start3A_57 : memref<80xi32, #tpu.memory_space<vmem>>) semaphore(%arg18 : memref<!tpu.dma_semaphore, #tpu.memory_space<semaphore_mem>>)
    %dma_start3A_61 = arith.constant 1 : i32
    %dma_start3A_62 = arith.constant 80 : i32
    %dma_start3A_63 = arith.constant 0 : i32
    %dma_start3A_64 = tpu.memref_slice %arg15[%dma_start3A_62, %dma_start3A_63] : memref<640x128xf32, #tpu.memory_space<vmem>> -> memref<80x128xf32, #tpu.memory_space<vmem>>
    %dma_start3A_65 = arith.constant 0 : i32
    %dma_start3A_66 = tpu.memref_slice %arg12[%dma_start3A_61, %dma_start3A_65] : memref<4x80xi32, #tpu.memory_space<vmem>> -> memref<1x80xi32, #tpu.memory_space<vmem>>
    %dma_start3A_67 = tpu.memref_squeeze %dma_start3A_66 : memref<1x80xi32, #tpu.memory_space<vmem>> -> memref<80xi32, #tpu.memory_space<vmem>>
    %dma_start3A_68 = arith.constant 0 : i32
    %dma_start3A_69 = arith.constant 0 : i32
    %dma_start3A_70 = tpu.memref_slice %arg2[%dma_start3A_68, %dma_start3A_69] : memref<100000x128xf32, #tpu.memory_space<hbm>> -> memref<100000x128xf32, #tpu.memory_space<hbm>>
    tpu.enqueue_indirect_dma source(%dma_start3A_70 : memref<100000x128xf32, #tpu.memory_space<hbm>>) target(%dma_start3A_64 : memref<80x128xf32, #tpu.memory_space<vmem>>) offsets(%dma_start3A_67 : memref<80xi32, #tpu.memory_space<vmem>>) semaphore(%arg18 : memref<!tpu.dma_semaphore, #tpu.memory_space<semaphore_mem>>)
    %dma_start3A_71 = arith.constant 2 : i32
    %dma_start3A_72 = arith.constant 160 : i32
    %dma_start3A_73 = arith.constant 0 : i32
    %dma_start3A_74 = tpu.memref_slice %arg15[%dma_start3A_72, %dma_start3A_73] : memref<640x128xf32, #tpu.memory_space<vmem>> -> memref<80x128xf32, #tpu.memory_space<vmem>>
    %dma_start3A_75 = arith.constant 0 : i32
    %dma_start3A_76 = tpu.memref_slice %arg12[%dma_start3A_71, %dma_start3A_75] : memref<4x80xi32, #tpu.memory_space<vmem>> -> memref<1x80xi32, #tpu.memory_space<vmem>>
    %dma_start3A_77 = tpu.memref_squeeze %dma_start3A_76 : memref<1x80xi32, #tpu.memory_space<vmem>> -> memref<80xi32, #tpu.memory_space<vmem>>
    %dma_start3A_78 = arith.constant 0 : i32
    %dma_start3A_79 = arith.constant 0 : i32
    %dma_start3A_80 = tpu.memref_slice %arg2[%dma_start3A_78, %dma_start3A_79] : memref<100000x128xf32, #tpu.memory_space<hbm>> -> memref<100000x128xf32, #tpu.memory_space<hbm>>
    tpu.enqueue_indirect_dma source(%dma_start3A_80 : memref<100000x128xf32, #tpu.memory_space<hbm>>) target(%dma_start3A_74 : memref<80x128xf32, #tpu.memory_space<vmem>>) offsets(%dma_start3A_77 : memref<80xi32, #tpu.memory_space<vmem>>) semaphore(%arg18 : memref<!tpu.dma_semaphore, #tpu.memory_space<semaphore_mem>>)
    %dma_start3A_81 = arith.constant 3 : i32
    %dma_start3A_82 = arith.constant 240 : i32
    %dma_start3A_83 = arith.constant 0 : i32
    %dma_start3A_84 = tpu.memref_slice %arg15[%dma_start3A_82, %dma_start3A_83] : memref<640x128xf32, #tpu.memory_space<vmem>> -> memref<80x128xf32, #tpu.memory_space<vmem>>
    %dma_start3A_85 = arith.constant 0 : i32
    %dma_start3A_86 = tpu.memref_slice %arg12[%dma_start3A_81, %dma_start3A_85] : memref<4x80xi32, #tpu.memory_space<vmem>> -> memref<1x80xi32, #tpu.memory_space<vmem>>
    %dma_start3A_87 = tpu.memref_squeeze %dma_start3A_86 : memref<1x80xi32, #tpu.memory_space<vmem>> -> memref<80xi32, #tpu.memory_space<vmem>>
    %dma_start3A_88 = arith.constant 0 : i32
    %dma_start3A_89 = arith.constant 0 : i32
    %dma_start3A_90 = tpu.memref_slice %arg2[%dma_start3A_88, %dma_start3A_89] : memref<100000x128xf32, #tpu.memory_space<hbm>> -> memref<100000x128xf32, #tpu.memory_space<hbm>>
    tpu.enqueue_indirect_dma source(%dma_start3A_90 : memref<100000x128xf32, #tpu.memory_space<hbm>>) target(%dma_start3A_84 : memref<80x128xf32, #tpu.memory_space<vmem>>) offsets(%dma_start3A_87 : memref<80xi32, #tpu.memory_space<vmem>>) semaphore(%arg18 : memref<!tpu.dma_semaphore, #tpu.memory_space<semaphore_mem>>)
    %dma_start3A_91 = arith.constant 0 : i32
    %dma_start3A_92 = arith.constant 320 : i32
    %dma_start3A_93 = arith.constant 0 : i32
    %dma_start3A_94 = tpu.memref_slice %arg15[%dma_start3A_92, %dma_start3A_93] : memref<640x128xf32, #tpu.memory_space<vmem>> -> memref<80x128xf32, #tpu.memory_space<vmem>>
    %dma_start3A_95 = arith.constant 0 : i32
    %dma_start3A_96 = tpu.memref_slice %arg12[%dma_start3A_91, %dma_start3A_95] : memref<4x80xi32, #tpu.memory_space<vmem>> -> memref<1x80xi32, #tpu.memory_space<vmem>>
    %dma_start3A_97 = tpu.memref_squeeze %dma_start3A_96 : memref<1x80xi32, #tpu.memory_space<vmem>> -> memref<80xi32, #tpu.memory_space<vmem>>
    %dma_start3A_98 = arith.constant 0 : i32
    %dma_start3A_99 = arith.constant 0 : i32
    %dma_start3A_100 = tpu.memref_slice %arg3[%dma_start3A_98, %dma_start3A_99] : memref<100000x128xf32, #tpu.memory_space<hbm>> -> memref<100000x128xf32, #tpu.memory_space<hbm>>
    tpu.enqueue_indirect_dma source(%dma_start3A_100 : memref<100000x128xf32, #tpu.memory_space<hbm>>) target(%dma_start3A_94 : memref<80x128xf32, #tpu.memory_space<vmem>>) offsets(%dma_start3A_97 : memref<80xi32, #tpu.memory_space<vmem>>) semaphore(%arg19 : memref<!tpu.dma_semaphore, #tpu.memory_space<semaphore_mem>>)
    %dma_start3A_101 = arith.constant 1 : i32
    %dma_start3A_102 = arith.constant 400 : i32
    %dma_start3A_103 = arith.constant 0 : i32
    %dma_start3A_104 = tpu.memref_slice %arg15[%dma_start3A_102, %dma_start3A_103] : memref<640x128xf32, #tpu.memory_space<vmem>> -> memref<80x128xf32, #tpu.memory_space<vmem>>
    %dma_start3A_105 = arith.constant 0 : i32
    %dma_start3A_106 = tpu.memref_slice %arg12[%dma_start3A_101, %dma_start3A_105] : memref<4x80xi32, #tpu.memory_space<vmem>> -> memref<1x80xi32, #tpu.memory_space<vmem>>
    %dma_start3A_107 = tpu.memref_squeeze %dma_start3A_106 : memref<1x80xi32, #tpu.memory_space<vmem>> -> memref<80xi32, #tpu.memory_space<vmem>>
    %dma_start3A_108 = arith.constant 0 : i32
    %dma_start3A_109 = arith.constant 0 : i32
    %dma_start3A_110 = tpu.memref_slice %arg3[%dma_start3A_108, %dma_start3A_109] : memref<100000x128xf32, #tpu.memory_space<hbm>> -> memref<100000x128xf32, #tpu.memory_space<hbm>>
    tpu.enqueue_indirect_dma source(%dma_start3A_110 : memref<100000x128xf32, #tpu.memory_space<hbm>>) target(%dma_start3A_104 : memref<80x128xf32, #tpu.memory_space<vmem>>) offsets(%dma_start3A_107 : memref<80xi32, #tpu.memory_space<vmem>>) semaphore(%arg19 : memref<!tpu.dma_semaphore, #tpu.memory_space<semaphore_mem>>)
    %dma_start3A_111 = arith.constant 2 : i32
    %dma_start3A_112 = arith.constant 480 : i32
    %dma_start3A_113 = arith.constant 0 : i32
    %dma_start3A_114 = tpu.memref_slice %arg15[%dma_start3A_112, %dma_start3A_113] : memref<640x128xf32, #tpu.memory_space<vmem>> -> memref<80x128xf32, #tpu.memory_space<vmem>>
    %dma_start3A_115 = arith.constant 0 : i32
    %dma_start3A_116 = tpu.memref_slice %arg12[%dma_start3A_111, %dma_start3A_115] : memref<4x80xi32, #tpu.memory_space<vmem>> -> memref<1x80xi32, #tpu.memory_space<vmem>>
    %dma_start3A_117 = tpu.memref_squeeze %dma_start3A_116 : memref<1x80xi32, #tpu.memory_space<vmem>> -> memref<80xi32, #tpu.memory_space<vmem>>
    %dma_start3A_118 = arith.constant 0 : i32
    %dma_start3A_119 = arith.constant 0 : i32
    %dma_start3A_120 = tpu.memref_slice %arg3[%dma_start3A_118, %dma_start3A_119] : memref<100000x128xf32, #tpu.memory_space<hbm>> -> memref<100000x128xf32, #tpu.memory_space<hbm>>
    tpu.enqueue_indirect_dma source(%dma_start3A_120 : memref<100000x128xf32, #tpu.memory_space<hbm>>) target(%dma_start3A_114 : memref<80x128xf32, #tpu.memory_space<vmem>>) offsets(%dma_start3A_117 : memref<80xi32, #tpu.memory_space<vmem>>) semaphore(%arg19 : memref<!tpu.dma_semaphore, #tpu.memory_space<semaphore_mem>>)
    %dma_start3A_121 = arith.constant 3 : i32
    %dma_start3A_122 = arith.constant 560 : i32
    %dma_start3A_123 = arith.constant 0 : i32
    %dma_start3A_124 = tpu.memref_slice %arg15[%dma_start3A_122, %dma_start3A_123] : memref<640x128xf32, #tpu.memory_space<vmem>> -> memref<80x128xf32, #tpu.memory_space<vmem>>
    %dma_start3A_125 = arith.constant 0 : i32
    %dma_start3A_126 = tpu.memref_slice %arg12[%dma_start3A_121, %dma_start3A_125] : memref<4x80xi32, #tpu.memory_space<vmem>> -> memref<1x80xi32, #tpu.memory_space<vmem>>
    %dma_start3A_127 = tpu.memref_squeeze %dma_start3A_126 : memref<1x80xi32, #tpu.memory_space<vmem>> -> memref<80xi32, #tpu.memory_space<vmem>>
    %dma_start3A_128 = arith.constant 0 : i32
    %dma_start3A_129 = arith.constant 0 : i32
    %dma_start3A_130 = tpu.memref_slice %arg3[%dma_start3A_128, %dma_start3A_129] : memref<100000x128xf32, #tpu.memory_space<hbm>> -> memref<100000x128xf32, #tpu.memory_space<hbm>>
    tpu.enqueue_indirect_dma source(%dma_start3A_130 : memref<100000x128xf32, #tpu.memory_space<hbm>>) target(%dma_start3A_124 : memref<80x128xf32, #tpu.memory_space<vmem>>) offsets(%dma_start3A_127 : memref<80xi32, #tpu.memory_space<vmem>>) semaphore(%arg19 : memref<!tpu.dma_semaphore, #tpu.memory_space<semaphore_mem>>)
    %run_scoped3A = arith.constant 0 : i32
    "tpu.region"() ({
      %run_scoped3A_266 = tpu.sem_alloc : memref<!tpu.dma_semaphore, #tpu.memory_space<semaphore_mem>>
      %dma_start3A_267 = arith.constant 0 : i32
      %dma_start3A_268 = arith.constant 0 : i32
      %dma_start3A_269 = tpu.memref_slice %arg6[%run_scoped3A, %arg0, %arg1, %dma_start3A_267, %dma_start3A_268] : memref<3x2x16x40x128xi32, #tpu.memory_space<hbm>> -> memref<1x1x1x40x128xi32, #tpu.memory_space<hbm>>
      %dma_start3A_270 = tpu.memref_squeeze %dma_start3A_269 : memref<1x1x1x40x128xi32, #tpu.memory_space<hbm>> -> memref<40x128xi32, #tpu.memory_space<hbm>>
      %dma_start3A_271 = arith.constant 0 : i32
      %dma_start3A_272 = arith.constant 0 : i32
      %dma_start3A_273 = tpu.memref_slice %arg6[%run_scoped3A, %arg0, %arg1, %dma_start3A_271, %dma_start3A_272] : memref<3x2x16x40x128xi32, #tpu.memory_space<hbm>> -> memref<1x1x1x40x128xi32, #tpu.memory_space<hbm>>
      %dma_start3A_274 = tpu.memref_squeeze %dma_start3A_273 : memref<1x1x1x40x128xi32, #tpu.memory_space<hbm>> -> memref<40x128xi32, #tpu.memory_space<hbm>>
      tpu.enqueue_dma source(%dma_start3A_274 : memref<40x128xi32, #tpu.memory_space<hbm>>) target(%arg14 : memref<40x128xi32, #tpu.memory_space<vmem>>) target_semaphore(%run_scoped3A_266 : memref<!tpu.dma_semaphore, #tpu.memory_space<semaphore_mem>>)
      %dma_wait3A_275 = arith.constant 0 : i32
      %dma_wait3A_276 = arith.constant 0 : i32
      %dma_wait3A_277 = tpu.memref_slice %arg6[%run_scoped3A, %arg0, %arg1, %dma_wait3A_275, %dma_wait3A_276] : memref<3x2x16x40x128xi32, #tpu.memory_space<hbm>> -> memref<1x1x1x40x128xi32, #tpu.memory_space<hbm>>
      %dma_wait3A_278 = tpu.memref_squeeze %dma_wait3A_277 : memref<1x1x1x40x128xi32, #tpu.memory_space<hbm>> -> memref<40x128xi32, #tpu.memory_space<hbm>>
      %dma_wait3A_279 = arith.constant 0 : i32
      %dma_wait3A_280 = arith.constant 0 : i32
      %dma_wait3A_281 = tpu.memref_slice %arg6[%run_scoped3A, %arg0, %arg1, %dma_wait3A_279, %dma_wait3A_280] : memref<3x2x16x40x128xi32, #tpu.memory_space<hbm>> -> memref<1x1x1x40x128xi32, #tpu.memory_space<hbm>>
      %dma_wait3A_282 = tpu.memref_squeeze %dma_wait3A_281 : memref<1x1x1x40x128xi32, #tpu.memory_space<hbm>> -> memref<40x128xi32, #tpu.memory_space<hbm>>
      tpu.wait_dma2 semaphore(%run_scoped3A_266 : memref<!tpu.dma_semaphore, #tpu.memory_space<semaphore_mem>>) src(%dma_wait3A_282 : memref<40x128xi32, #tpu.memory_space<hbm>>) dst(%arg14 : memref<40x128xi32, #tpu.memory_space<vmem>>)
      tpu.yield
    }) : () -> ()
    %scan3A = arith.constant 0 : i32
    %scan3A_131 = arith.constant 0 : i32
    %scan3A_132 = arith.constant 40 : i32
    %scan3A_133 = arith.addi %scan3A_131, %scan3A_132 : i32
    %scan3A_134 = arith.constant 1 : i32
    scf.for %scan3A_266 = %scan3A_131 to %scan3A_133 step %scan3A_134  : i32 {
      "tpu.region"() ({
        %run_scoped3A_267 = tpu.sem_alloc : memref<!tpu.dma_semaphore, #tpu.memory_space<semaphore_mem>>
        %dma_start3A_268 = arith.constant 0 : i32
        %dma_start3A_269 = tpu.memref_slice %arg14[%scan3A_266, %dma_start3A_268] : memref<40x128xi32, #tpu.memory_space<vmem>> -> memref<1x128xi32, #tpu.memory_space<vmem>>
        %dma_start3A_270 = tpu.memref_squeeze %dma_start3A_269 : memref<1x128xi32, #tpu.memory_space<vmem>> -> memref<128xi32, #tpu.memory_space<vmem>>
        %dma_start3A_271 = arith.constant 0 : i32
        %dma_start3A_272 = tpu.memref_slice %arg17[%dma_start3A_271] : memref<30720xf32, #tpu.memory_space<vmem_shared>> -> memref<30720xf32, #tpu.memory_space<vmem_shared>>
        tpu.enqueue_indirect_dma source(%arg16 : memref<128xf32, #tpu.memory_space<vmem>>) target(%dma_start3A_272 : memref<30720xf32, #tpu.memory_space<vmem_shared>>) offsets(%dma_start3A_270 : memref<128xi32, #tpu.memory_space<vmem>>) semaphore(%run_scoped3A_267 : memref<!tpu.dma_semaphore, #tpu.memory_space<semaphore_mem>>) {add = true}
        %dma_wait3A_273 = arith.constant 0 : i32
        %dma_wait3A_274 = tpu.memref_slice %arg14[%scan3A_266, %dma_wait3A_273] : memref<40x128xi32, #tpu.memory_space<vmem>> -> memref<1x128xi32, #tpu.memory_space<vmem>>
        %dma_wait3A_275 = tpu.memref_squeeze %dma_wait3A_274 : memref<1x128xi32, #tpu.memory_space<vmem>> -> memref<128xi32, #tpu.memory_space<vmem>>
        %dma_wait3A_276 = arith.constant 0 : i32
        %dma_wait3A_277 = tpu.memref_slice %arg17[%dma_wait3A_276] : memref<30720xf32, #tpu.memory_space<vmem_shared>> -> memref<30720xf32, #tpu.memory_space<vmem_shared>>
        tpu.wait_indirect_dma semaphore(%run_scoped3A_267 : memref<!tpu.dma_semaphore, #tpu.memory_space<semaphore_mem>>) src(%arg16 : memref<128xf32, #tpu.memory_space<vmem>>) dst(%dma_wait3A_277 : memref<30720xf32, #tpu.memory_space<vmem_shared>>)
        tpu.yield
      }) : () -> ()
    }
    %scan3A_135 = arith.constant 40 : i32
    %run_scoped3A_136 = arith.constant 1 : i32
    "tpu.region"() ({
      %run_scoped3A_266 = tpu.sem_alloc : memref<!tpu.dma_semaphore, #tpu.memory_space<semaphore_mem>>
      %dma_start3A_267 = arith.constant 0 : i32
      %dma_start3A_268 = arith.constant 0 : i32
      %dma_start3A_269 = tpu.memref_slice %arg6[%run_scoped3A_136, %arg0, %arg1, %dma_start3A_267, %dma_start3A_268] : memref<3x2x16x40x128xi32, #tpu.memory_space<hbm>> -> memref<1x1x1x40x128xi32, #tpu.memory_space<hbm>>
      %dma_start3A_270 = tpu.memref_squeeze %dma_start3A_269 : memref<1x1x1x40x128xi32, #tpu.memory_space<hbm>> -> memref<40x128xi32, #tpu.memory_space<hbm>>
      %dma_start3A_271 = arith.constant 0 : i32
      %dma_start3A_272 = arith.constant 0 : i32
      %dma_start3A_273 = tpu.memref_slice %arg6[%run_scoped3A_136, %arg0, %arg1, %dma_start3A_271, %dma_start3A_272] : memref<3x2x16x40x128xi32, #tpu.memory_space<hbm>> -> memref<1x1x1x40x128xi32, #tpu.memory_space<hbm>>
      %dma_start3A_274 = tpu.memref_squeeze %dma_start3A_273 : memref<1x1x1x40x128xi32, #tpu.memory_space<hbm>> -> memref<40x128xi32, #tpu.memory_space<hbm>>
      tpu.enqueue_dma source(%dma_start3A_274 : memref<40x128xi32, #tpu.memory_space<hbm>>) target(%arg14 : memref<40x128xi32, #tpu.memory_space<vmem>>) target_semaphore(%run_scoped3A_266 : memref<!tpu.dma_semaphore, #tpu.memory_space<semaphore_mem>>)
      %dma_wait3A_275 = arith.constant 0 : i32
      %dma_wait3A_276 = arith.constant 0 : i32
      %dma_wait3A_277 = tpu.memref_slice %arg6[%run_scoped3A_136, %arg0, %arg1, %dma_wait3A_275, %dma_wait3A_276] : memref<3x2x16x40x128xi32, #tpu.memory_space<hbm>> -> memref<1x1x1x40x128xi32, #tpu.memory_space<hbm>>
      %dma_wait3A_278 = tpu.memref_squeeze %dma_wait3A_277 : memref<1x1x1x40x128xi32, #tpu.memory_space<hbm>> -> memref<40x128xi32, #tpu.memory_space<hbm>>
      %dma_wait3A_279 = arith.constant 0 : i32
      %dma_wait3A_280 = arith.constant 0 : i32
      %dma_wait3A_281 = tpu.memref_slice %arg6[%run_scoped3A_136, %arg0, %arg1, %dma_wait3A_279, %dma_wait3A_280] : memref<3x2x16x40x128xi32, #tpu.memory_space<hbm>> -> memref<1x1x1x40x128xi32, #tpu.memory_space<hbm>>
      %dma_wait3A_282 = tpu.memref_squeeze %dma_wait3A_281 : memref<1x1x1x40x128xi32, #tpu.memory_space<hbm>> -> memref<40x128xi32, #tpu.memory_space<hbm>>
      tpu.wait_dma2 semaphore(%run_scoped3A_266 : memref<!tpu.dma_semaphore, #tpu.memory_space<semaphore_mem>>) src(%dma_wait3A_282 : memref<40x128xi32, #tpu.memory_space<hbm>>) dst(%arg14 : memref<40x128xi32, #tpu.memory_space<vmem>>)
      tpu.yield
    }) : () -> ()
    %scan3A_137 = arith.constant 0 : i32
    %scan3A_138 = arith.constant 0 : i32
    %scan3A_139 = arith.constant 40 : i32
    %scan3A_140 = arith.addi %scan3A_138, %scan3A_139 : i32
    %scan3A_141 = arith.constant 1 : i32
    scf.for %scan3A_266 = %scan3A_138 to %scan3A_140 step %scan3A_141  : i32 {
      "tpu.region"() ({
        %run_scoped3A_267 = tpu.sem_alloc : memref<!tpu.dma_semaphore, #tpu.memory_space<semaphore_mem>>
        %dma_start3A_268 = arith.constant 0 : i32
        %dma_start3A_269 = tpu.memref_slice %arg14[%scan3A_266, %dma_start3A_268] : memref<40x128xi32, #tpu.memory_space<vmem>> -> memref<1x128xi32, #tpu.memory_space<vmem>>
        %dma_start3A_270 = tpu.memref_squeeze %dma_start3A_269 : memref<1x128xi32, #tpu.memory_space<vmem>> -> memref<128xi32, #tpu.memory_space<vmem>>
        %dma_start3A_271 = arith.constant 0 : i32
        %dma_start3A_272 = tpu.memref_slice %arg17[%dma_start3A_271] : memref<30720xf32, #tpu.memory_space<vmem_shared>> -> memref<30720xf32, #tpu.memory_space<vmem_shared>>
        tpu.enqueue_indirect_dma source(%arg16 : memref<128xf32, #tpu.memory_space<vmem>>) target(%dma_start3A_272 : memref<30720xf32, #tpu.memory_space<vmem_shared>>) offsets(%dma_start3A_270 : memref<128xi32, #tpu.memory_space<vmem>>) semaphore(%run_scoped3A_267 : memref<!tpu.dma_semaphore, #tpu.memory_space<semaphore_mem>>) {add = true}
        %dma_wait3A_273 = arith.constant 0 : i32
        %dma_wait3A_274 = tpu.memref_slice %arg14[%scan3A_266, %dma_wait3A_273] : memref<40x128xi32, #tpu.memory_space<vmem>> -> memref<1x128xi32, #tpu.memory_space<vmem>>
        %dma_wait3A_275 = tpu.memref_squeeze %dma_wait3A_274 : memref<1x128xi32, #tpu.memory_space<vmem>> -> memref<128xi32, #tpu.memory_space<vmem>>
        %dma_wait3A_276 = arith.constant 0 : i32
        %dma_wait3A_277 = tpu.memref_slice %arg17[%dma_wait3A_276] : memref<30720xf32, #tpu.memory_space<vmem_shared>> -> memref<30720xf32, #tpu.memory_space<vmem_shared>>
        tpu.wait_indirect_dma semaphore(%run_scoped3A_267 : memref<!tpu.dma_semaphore, #tpu.memory_space<semaphore_mem>>) src(%arg16 : memref<128xf32, #tpu.memory_space<vmem>>) dst(%dma_wait3A_277 : memref<30720xf32, #tpu.memory_space<vmem_shared>>)
        tpu.yield
      }) : () -> ()
    }
    %scan3A_142 = arith.constant 40 : i32
    %run_scoped3A_143 = arith.constant 2 : i32
    "tpu.region"() ({
      %run_scoped3A_266 = tpu.sem_alloc : memref<!tpu.dma_semaphore, #tpu.memory_space<semaphore_mem>>
      %dma_start3A_267 = arith.constant 0 : i32
      %dma_start3A_268 = arith.constant 0 : i32
      %dma_start3A_269 = tpu.memref_slice %arg6[%run_scoped3A_143, %arg0, %arg1, %dma_start3A_267, %dma_start3A_268] : memref<3x2x16x40x128xi32, #tpu.memory_space<hbm>> -> memref<1x1x1x40x128xi32, #tpu.memory_space<hbm>>
      %dma_start3A_270 = tpu.memref_squeeze %dma_start3A_269 : memref<1x1x1x40x128xi32, #tpu.memory_space<hbm>> -> memref<40x128xi32, #tpu.memory_space<hbm>>
      %dma_start3A_271 = arith.constant 0 : i32
      %dma_start3A_272 = arith.constant 0 : i32
      %dma_start3A_273 = tpu.memref_slice %arg6[%run_scoped3A_143, %arg0, %arg1, %dma_start3A_271, %dma_start3A_272] : memref<3x2x16x40x128xi32, #tpu.memory_space<hbm>> -> memref<1x1x1x40x128xi32, #tpu.memory_space<hbm>>
      %dma_start3A_274 = tpu.memref_squeeze %dma_start3A_273 : memref<1x1x1x40x128xi32, #tpu.memory_space<hbm>> -> memref<40x128xi32, #tpu.memory_space<hbm>>
      tpu.enqueue_dma source(%dma_start3A_274 : memref<40x128xi32, #tpu.memory_space<hbm>>) target(%arg14 : memref<40x128xi32, #tpu.memory_space<vmem>>) target_semaphore(%run_scoped3A_266 : memref<!tpu.dma_semaphore, #tpu.memory_space<semaphore_mem>>)
      %dma_wait3A_275 = arith.constant 0 : i32
      %dma_wait3A_276 = arith.constant 0 : i32
      %dma_wait3A_277 = tpu.memref_slice %arg6[%run_scoped3A_143, %arg0, %arg1, %dma_wait3A_275, %dma_wait3A_276] : memref<3x2x16x40x128xi32, #tpu.memory_space<hbm>> -> memref<1x1x1x40x128xi32, #tpu.memory_space<hbm>>
      %dma_wait3A_278 = tpu.memref_squeeze %dma_wait3A_277 : memref<1x1x1x40x128xi32, #tpu.memory_space<hbm>> -> memref<40x128xi32, #tpu.memory_space<hbm>>
      %dma_wait3A_279 = arith.constant 0 : i32
      %dma_wait3A_280 = arith.constant 0 : i32
      %dma_wait3A_281 = tpu.memref_slice %arg6[%run_scoped3A_143, %arg0, %arg1, %dma_wait3A_279, %dma_wait3A_280] : memref<3x2x16x40x128xi32, #tpu.memory_space<hbm>> -> memref<1x1x1x40x128xi32, #tpu.memory_space<hbm>>
      %dma_wait3A_282 = tpu.memref_squeeze %dma_wait3A_281 : memref<1x1x1x40x128xi32, #tpu.memory_space<hbm>> -> memref<40x128xi32, #tpu.memory_space<hbm>>
      tpu.wait_dma2 semaphore(%run_scoped3A_266 : memref<!tpu.dma_semaphore, #tpu.memory_space<semaphore_mem>>) src(%dma_wait3A_282 : memref<40x128xi32, #tpu.memory_space<hbm>>) dst(%arg14 : memref<40x128xi32, #tpu.memory_space<vmem>>)
      tpu.yield
    }) : () -> ()
    %scan3A_144 = arith.constant 0 : i32
    %scan3A_145 = arith.constant 0 : i32
    %scan3A_146 = arith.constant 40 : i32
    %scan3A_147 = arith.addi %scan3A_145, %scan3A_146 : i32
    %scan3A_148 = arith.constant 1 : i32
    scf.for %scan3A_266 = %scan3A_145 to %scan3A_147 step %scan3A_148  : i32 {
      "tpu.region"() ({
        %run_scoped3A_267 = tpu.sem_alloc : memref<!tpu.dma_semaphore, #tpu.memory_space<semaphore_mem>>
        %dma_start3A_268 = arith.constant 0 : i32
        %dma_start3A_269 = tpu.memref_slice %arg14[%scan3A_266, %dma_start3A_268] : memref<40x128xi32, #tpu.memory_space<vmem>> -> memref<1x128xi32, #tpu.memory_space<vmem>>
        %dma_start3A_270 = tpu.memref_squeeze %dma_start3A_269 : memref<1x128xi32, #tpu.memory_space<vmem>> -> memref<128xi32, #tpu.memory_space<vmem>>
        %dma_start3A_271 = arith.constant 0 : i32
        %dma_start3A_272 = tpu.memref_slice %arg17[%dma_start3A_271] : memref<30720xf32, #tpu.memory_space<vmem_shared>> -> memref<30720xf32, #tpu.memory_space<vmem_shared>>
        tpu.enqueue_indirect_dma source(%arg16 : memref<128xf32, #tpu.memory_space<vmem>>) target(%dma_start3A_272 : memref<30720xf32, #tpu.memory_space<vmem_shared>>) offsets(%dma_start3A_270 : memref<128xi32, #tpu.memory_space<vmem>>) semaphore(%run_scoped3A_267 : memref<!tpu.dma_semaphore, #tpu.memory_space<semaphore_mem>>) {add = true}
        %dma_wait3A_273 = arith.constant 0 : i32
        %dma_wait3A_274 = tpu.memref_slice %arg14[%scan3A_266, %dma_wait3A_273] : memref<40x128xi32, #tpu.memory_space<vmem>> -> memref<1x128xi32, #tpu.memory_space<vmem>>
        %dma_wait3A_275 = tpu.memref_squeeze %dma_wait3A_274 : memref<1x128xi32, #tpu.memory_space<vmem>> -> memref<128xi32, #tpu.memory_space<vmem>>
        %dma_wait3A_276 = arith.constant 0 : i32
        %dma_wait3A_277 = tpu.memref_slice %arg17[%dma_wait3A_276] : memref<30720xf32, #tpu.memory_space<vmem_shared>> -> memref<30720xf32, #tpu.memory_space<vmem_shared>>
        tpu.wait_indirect_dma semaphore(%run_scoped3A_267 : memref<!tpu.dma_semaphore, #tpu.memory_space<semaphore_mem>>) src(%arg16 : memref<128xf32, #tpu.memory_space<vmem>>) dst(%dma_wait3A_277 : memref<30720xf32, #tpu.memory_space<vmem_shared>>)
        tpu.yield
      }) : () -> ()
    }
    %scan3A_149 = arith.constant 40 : i32
    %dma_wait3A = arith.constant 0 : i32
    %dma_wait3A_150 = arith.constant 0 : i32
    %dma_wait3A_151 = tpu.memref_slice %arg15[%dma_wait3A, %dma_wait3A_150] : memref<640x128xf32, #tpu.memory_space<vmem>> -> memref<320x128xf32, #tpu.memory_space<vmem>>
    %dma_wait3A_152 = arith.constant 0 : i32
    %dma_wait3A_153 = arith.constant 0 : i32
    %dma_wait3A_154 = tpu.memref_slice %arg8[%dma_wait3A_152, %dma_wait3A_153] : memref<10240x128xf32, #tpu.memory_space<hbm>> -> memref<320x128xf32, #tpu.memory_space<hbm>>
    %dma_wait3A_155 = arith.constant 0 : i32
    %dma_wait3A_156 = arith.constant 0 : i32
    %dma_wait3A_157 = tpu.memref_slice %arg15[%dma_wait3A_155, %dma_wait3A_156] : memref<640x128xf32, #tpu.memory_space<vmem>> -> memref<320x128xf32, #tpu.memory_space<vmem>>
    %dma_wait3A_158 = arith.constant 0 : i32
    %dma_wait3A_159 = arith.constant 0 : i32
    %dma_wait3A_160 = tpu.memref_slice %arg8[%dma_wait3A_158, %dma_wait3A_159] : memref<10240x128xf32, #tpu.memory_space<hbm>> -> memref<320x128xf32, #tpu.memory_space<hbm>>
    tpu.wait_dma2 semaphore(%arg18 : memref<!tpu.dma_semaphore, #tpu.memory_space<semaphore_mem>>) src(%dma_wait3A_160 : memref<320x128xf32, #tpu.memory_space<hbm>>) dst(%dma_wait3A_157 : memref<320x128xf32, #tpu.memory_space<vmem>>)
    "tpu.region"() ({
      %run_scoped3A_266 = tpu.sem_alloc : memref<!tpu.dma_semaphore, #tpu.memory_space<semaphore_mem>>
      %dma_start3A_267 = arith.constant 0 : i32
      %dma_start3A_268 = arith.constant 0 : i32
      %dma_start3A_269 = tpu.memref_slice %arg15[%dma_start3A_267, %dma_start3A_268] : memref<640x128xf32, #tpu.memory_space<vmem>> -> memref<320x128xf32, #tpu.memory_space<vmem>>
      %dma_start3A_270 = arith.constant 0 : i32
      %dma_start3A_271 = tpu.memref_slice %arg8[%multiple_of3A_51, %dma_start3A_270] : memref<10240x128xf32, #tpu.memory_space<hbm>> -> memref<320x128xf32, #tpu.memory_space<hbm>>
      %dma_start3A_272 = arith.constant 0 : i32
      %dma_start3A_273 = tpu.memref_slice %arg8[%multiple_of3A_51, %dma_start3A_272] : memref<10240x128xf32, #tpu.memory_space<hbm>> -> memref<320x128xf32, #tpu.memory_space<hbm>>
      %dma_start3A_274 = arith.constant 0 : i32
      %dma_start3A_275 = arith.constant 0 : i32
      %dma_start3A_276 = tpu.memref_slice %arg15[%dma_start3A_274, %dma_start3A_275] : memref<640x128xf32, #tpu.memory_space<vmem>> -> memref<320x128xf32, #tpu.memory_space<vmem>>
      tpu.enqueue_dma source(%dma_start3A_276 : memref<320x128xf32, #tpu.memory_space<vmem>>) target(%dma_start3A_273 : memref<320x128xf32, #tpu.memory_space<hbm>>) target_semaphore(%run_scoped3A_266 : memref<!tpu.dma_semaphore, #tpu.memory_space<semaphore_mem>>)
      %dma_wait3A_277 = arith.constant 0 : i32
      %dma_wait3A_278 = arith.constant 0 : i32
      %dma_wait3A_279 = tpu.memref_slice %arg15[%dma_wait3A_277, %dma_wait3A_278] : memref<640x128xf32, #tpu.memory_space<vmem>> -> memref<320x128xf32, #tpu.memory_space<vmem>>
      %dma_wait3A_280 = arith.constant 0 : i32
      %dma_wait3A_281 = tpu.memref_slice %arg8[%multiple_of3A_51, %dma_wait3A_280] : memref<10240x128xf32, #tpu.memory_space<hbm>> -> memref<320x128xf32, #tpu.memory_space<hbm>>
      %dma_wait3A_282 = arith.constant 0 : i32
      %dma_wait3A_283 = tpu.memref_slice %arg8[%multiple_of3A_51, %dma_wait3A_282] : memref<10240x128xf32, #tpu.memory_space<hbm>> -> memref<320x128xf32, #tpu.memory_space<hbm>>
      %dma_wait3A_284 = arith.constant 0 : i32
      %dma_wait3A_285 = arith.constant 0 : i32
      %dma_wait3A_286 = tpu.memref_slice %arg15[%dma_wait3A_284, %dma_wait3A_285] : memref<640x128xf32, #tpu.memory_space<vmem>> -> memref<320x128xf32, #tpu.memory_space<vmem>>
      tpu.wait_dma2 semaphore(%run_scoped3A_266 : memref<!tpu.dma_semaphore, #tpu.memory_space<semaphore_mem>>) src(%dma_wait3A_286 : memref<320x128xf32, #tpu.memory_space<vmem>>) dst(%dma_wait3A_283 : memref<320x128xf32, #tpu.memory_space<hbm>>)
      tpu.yield
    }) : () -> ()
    %dma_wait3A_161 = arith.constant 320 : i32
    %dma_wait3A_162 = arith.constant 0 : i32
    %dma_wait3A_163 = tpu.memref_slice %arg15[%dma_wait3A_161, %dma_wait3A_162] : memref<640x128xf32, #tpu.memory_space<vmem>> -> memref<320x128xf32, #tpu.memory_space<vmem>>
    %dma_wait3A_164 = arith.constant 0 : i32
    %dma_wait3A_165 = arith.constant 0 : i32
    %dma_wait3A_166 = tpu.memref_slice %arg8[%dma_wait3A_164, %dma_wait3A_165] : memref<10240x128xf32, #tpu.memory_space<hbm>> -> memref<320x128xf32, #tpu.memory_space<hbm>>
    %dma_wait3A_167 = arith.constant 320 : i32
    %dma_wait3A_168 = arith.constant 0 : i32
    %dma_wait3A_169 = tpu.memref_slice %arg15[%dma_wait3A_167, %dma_wait3A_168] : memref<640x128xf32, #tpu.memory_space<vmem>> -> memref<320x128xf32, #tpu.memory_space<vmem>>
    %dma_wait3A_170 = arith.constant 0 : i32
    %dma_wait3A_171 = arith.constant 0 : i32
    %dma_wait3A_172 = tpu.memref_slice %arg8[%dma_wait3A_170, %dma_wait3A_171] : memref<10240x128xf32, #tpu.memory_space<hbm>> -> memref<320x128xf32, #tpu.memory_space<hbm>>
    tpu.wait_dma2 semaphore(%arg19 : memref<!tpu.dma_semaphore, #tpu.memory_space<semaphore_mem>>) src(%dma_wait3A_172 : memref<320x128xf32, #tpu.memory_space<hbm>>) dst(%dma_wait3A_169 : memref<320x128xf32, #tpu.memory_space<vmem>>)
    "tpu.region"() ({
      %run_scoped3A_266 = tpu.sem_alloc : memref<!tpu.dma_semaphore, #tpu.memory_space<semaphore_mem>>
      %dma_start3A_267 = arith.constant 320 : i32
      %dma_start3A_268 = arith.constant 0 : i32
      %dma_start3A_269 = tpu.memref_slice %arg15[%dma_start3A_267, %dma_start3A_268] : memref<640x128xf32, #tpu.memory_space<vmem>> -> memref<320x128xf32, #tpu.memory_space<vmem>>
      %dma_start3A_270 = arith.constant 0 : i32
      %dma_start3A_271 = tpu.memref_slice %arg9[%multiple_of3A_51, %dma_start3A_270] : memref<10240x128xf32, #tpu.memory_space<hbm>> -> memref<320x128xf32, #tpu.memory_space<hbm>>
      %dma_start3A_272 = arith.constant 0 : i32
      %dma_start3A_273 = tpu.memref_slice %arg9[%multiple_of3A_51, %dma_start3A_272] : memref<10240x128xf32, #tpu.memory_space<hbm>> -> memref<320x128xf32, #tpu.memory_space<hbm>>
      %dma_start3A_274 = arith.constant 320 : i32
      %dma_start3A_275 = arith.constant 0 : i32
      %dma_start3A_276 = tpu.memref_slice %arg15[%dma_start3A_274, %dma_start3A_275] : memref<640x128xf32, #tpu.memory_space<vmem>> -> memref<320x128xf32, #tpu.memory_space<vmem>>
      tpu.enqueue_dma source(%dma_start3A_276 : memref<320x128xf32, #tpu.memory_space<vmem>>) target(%dma_start3A_273 : memref<320x128xf32, #tpu.memory_space<hbm>>) target_semaphore(%run_scoped3A_266 : memref<!tpu.dma_semaphore, #tpu.memory_space<semaphore_mem>>)
      %dma_wait3A_277 = arith.constant 320 : i32
      %dma_wait3A_278 = arith.constant 0 : i32
      %dma_wait3A_279 = tpu.memref_slice %arg15[%dma_wait3A_277, %dma_wait3A_278] : memref<640x128xf32, #tpu.memory_space<vmem>> -> memref<320x128xf32, #tpu.memory_space<vmem>>
      %dma_wait3A_280 = arith.constant 0 : i32
      %dma_wait3A_281 = tpu.memref_slice %arg9[%multiple_of3A_51, %dma_wait3A_280] : memref<10240x128xf32, #tpu.memory_space<hbm>> -> memref<320x128xf32, #tpu.memory_space<hbm>>
      %dma_wait3A_282 = arith.constant 0 : i32
      %dma_wait3A_283 = tpu.memref_slice %arg9[%multiple_of3A_51, %dma_wait3A_282] : memref<10240x128xf32, #tpu.memory_space<hbm>> -> memref<320x128xf32, #tpu.memory_space<hbm>>
      %dma_wait3A_284 = arith.constant 320 : i32
      %dma_wait3A_285 = arith.constant 0 : i32
      %dma_wait3A_286 = tpu.memref_slice %arg15[%dma_wait3A_284, %dma_wait3A_285] : memref<640x128xf32, #tpu.memory_space<vmem>> -> memref<320x128xf32, #tpu.memory_space<vmem>>
      tpu.wait_dma2 semaphore(%run_scoped3A_266 : memref<!tpu.dma_semaphore, #tpu.memory_space<semaphore_mem>>) src(%dma_wait3A_286 : memref<320x128xf32, #tpu.memory_space<vmem>>) dst(%dma_wait3A_283 : memref<320x128xf32, #tpu.memory_space<hbm>>)
      tpu.yield
    }) : () -> ()
    "tpu.region"() ({
      %run_scoped3A_266 = tpu.sem_alloc : memref<!tpu.dma_semaphore, #tpu.memory_space<semaphore_mem>>
      %dma_start3A_267 = arith.constant 0 : i32
      %dma_start3A_268 = arith.constant 0 : i32
      %dma_start3A_269 = tpu.memref_slice %arg5[%arg0, %arg1, %dma_start3A_267, %dma_start3A_268] : memref<2x16x8x80xi32, #tpu.memory_space<hbm>> -> memref<1x1x8x80xi32, #tpu.memory_space<hbm>>
      %dma_start3A_270 = tpu.memref_squeeze %dma_start3A_269 : memref<1x1x8x80xi32, #tpu.memory_space<hbm>> -> memref<8x80xi32, #tpu.memory_space<hbm>>
      %dma_start3A_271 = arith.constant 0 : i32
      %dma_start3A_272 = arith.constant 0 : i32
      %dma_start3A_273 = tpu.memref_slice %arg5[%arg0, %arg1, %dma_start3A_271, %dma_start3A_272] : memref<2x16x8x80xi32, #tpu.memory_space<hbm>> -> memref<1x1x8x80xi32, #tpu.memory_space<hbm>>
      %dma_start3A_274 = tpu.memref_squeeze %dma_start3A_273 : memref<1x1x8x80xi32, #tpu.memory_space<hbm>> -> memref<8x80xi32, #tpu.memory_space<hbm>>
      tpu.enqueue_dma source(%dma_start3A_274 : memref<8x80xi32, #tpu.memory_space<hbm>>) target(%arg13 : memref<8x80xi32, #tpu.memory_space<vmem>>) target_semaphore(%run_scoped3A_266 : memref<!tpu.dma_semaphore, #tpu.memory_space<semaphore_mem>>)
      %dma_wait3A_275 = arith.constant 0 : i32
      %dma_wait3A_276 = arith.constant 0 : i32
      %dma_wait3A_277 = tpu.memref_slice %arg5[%arg0, %arg1, %dma_wait3A_275, %dma_wait3A_276] : memref<2x16x8x80xi32, #tpu.memory_space<hbm>> -> memref<1x1x8x80xi32, #tpu.memory_space<hbm>>
      %dma_wait3A_278 = tpu.memref_squeeze %dma_wait3A_277 : memref<1x1x8x80xi32, #tpu.memory_space<hbm>> -> memref<8x80xi32, #tpu.memory_space<hbm>>
      %dma_wait3A_279 = arith.constant 0 : i32
      %dma_wait3A_280 = arith.constant 0 : i32
      %dma_wait3A_281 = tpu.memref_slice %arg5[%arg0, %arg1, %dma_wait3A_279, %dma_wait3A_280] : memref<2x16x8x80xi32, #tpu.memory_space<hbm>> -> memref<1x1x8x80xi32, #tpu.memory_space<hbm>>
      %dma_wait3A_282 = tpu.memref_squeeze %dma_wait3A_281 : memref<1x1x8x80xi32, #tpu.memory_space<hbm>> -> memref<8x80xi32, #tpu.memory_space<hbm>>
      tpu.wait_dma2 semaphore(%run_scoped3A_266 : memref<!tpu.dma_semaphore, #tpu.memory_space<semaphore_mem>>) src(%dma_wait3A_282 : memref<8x80xi32, #tpu.memory_space<hbm>>) dst(%arg13 : memref<8x80xi32, #tpu.memory_space<vmem>>)
      tpu.yield
    }) : () -> ()
    %mul3A_173 = arith.constant 16 : i32
    %mul3A_174 = arith.muli %arg0, %mul3A_173 : i32
    %add3A_175 = arith.addi %mul3A_174, %arg1 : i32
    %mul3A_176 = arith.constant 640 : i32
    %mul3A_177 = arith.muli %add3A_175, %mul3A_176 : i32
    %multiple_of3A_178 = tpu.assume_multiple %mul3A_177, 8 : i32
    %dma_start3A_179 = arith.constant 0 : i32
    %dma_start3A_180 = arith.constant 0 : i32
    %dma_start3A_181 = arith.constant 0 : i32
    %dma_start3A_182 = tpu.memref_slice %arg15[%dma_start3A_180, %dma_start3A_181] : memref<640x128xf32, #tpu.memory_space<vmem>> -> memref<80x128xf32, #tpu.memory_space<vmem>>
    %dma_start3A_183 = arith.constant 0 : i32
    %dma_start3A_184 = tpu.memref_slice %arg13[%dma_start3A_179, %dma_start3A_183] : memref<8x80xi32, #tpu.memory_space<vmem>> -> memref<1x80xi32, #tpu.memory_space<vmem>>
    %dma_start3A_185 = tpu.memref_squeeze %dma_start3A_184 : memref<1x80xi32, #tpu.memory_space<vmem>> -> memref<80xi32, #tpu.memory_space<vmem>>
    %dma_start3A_186 = arith.constant 0 : i32
    %dma_start3A_187 = arith.constant 0 : i32
    %dma_start3A_188 = tpu.memref_slice %arg3[%dma_start3A_186, %dma_start3A_187] : memref<100000x128xf32, #tpu.memory_space<hbm>> -> memref<100000x128xf32, #tpu.memory_space<hbm>>
    tpu.enqueue_indirect_dma source(%dma_start3A_188 : memref<100000x128xf32, #tpu.memory_space<hbm>>) target(%dma_start3A_182 : memref<80x128xf32, #tpu.memory_space<vmem>>) offsets(%dma_start3A_185 : memref<80xi32, #tpu.memory_space<vmem>>) semaphore(%arg18 : memref<!tpu.dma_semaphore, #tpu.memory_space<semaphore_mem>>)
    %dma_start3A_189 = arith.constant 1 : i32
    %dma_start3A_190 = arith.constant 80 : i32
    %dma_start3A_191 = arith.constant 0 : i32
    %dma_start3A_192 = tpu.memref_slice %arg15[%dma_start3A_190, %dma_start3A_191] : memref<640x128xf32, #tpu.memory_space<vmem>> -> memref<80x128xf32, #tpu.memory_space<vmem>>
    %dma_start3A_193 = arith.constant 0 : i32
    %dma_start3A_194 = tpu.memref_slice %arg13[%dma_start3A_189, %dma_start3A_193] : memref<8x80xi32, #tpu.memory_space<vmem>> -> memref<1x80xi32, #tpu.memory_space<vmem>>
    %dma_start3A_195 = tpu.memref_squeeze %dma_start3A_194 : memref<1x80xi32, #tpu.memory_space<vmem>> -> memref<80xi32, #tpu.memory_space<vmem>>
    %dma_start3A_196 = arith.constant 0 : i32
    %dma_start3A_197 = arith.constant 0 : i32
    %dma_start3A_198 = tpu.memref_slice %arg3[%dma_start3A_196, %dma_start3A_197] : memref<100000x128xf32, #tpu.memory_space<hbm>> -> memref<100000x128xf32, #tpu.memory_space<hbm>>
    tpu.enqueue_indirect_dma source(%dma_start3A_198 : memref<100000x128xf32, #tpu.memory_space<hbm>>) target(%dma_start3A_192 : memref<80x128xf32, #tpu.memory_space<vmem>>) offsets(%dma_start3A_195 : memref<80xi32, #tpu.memory_space<vmem>>) semaphore(%arg18 : memref<!tpu.dma_semaphore, #tpu.memory_space<semaphore_mem>>)
    %dma_start3A_199 = arith.constant 2 : i32
    %dma_start3A_200 = arith.constant 160 : i32
    %dma_start3A_201 = arith.constant 0 : i32
    %dma_start3A_202 = tpu.memref_slice %arg15[%dma_start3A_200, %dma_start3A_201] : memref<640x128xf32, #tpu.memory_space<vmem>> -> memref<80x128xf32, #tpu.memory_space<vmem>>
    %dma_start3A_203 = arith.constant 0 : i32
    %dma_start3A_204 = tpu.memref_slice %arg13[%dma_start3A_199, %dma_start3A_203] : memref<8x80xi32, #tpu.memory_space<vmem>> -> memref<1x80xi32, #tpu.memory_space<vmem>>
    %dma_start3A_205 = tpu.memref_squeeze %dma_start3A_204 : memref<1x80xi32, #tpu.memory_space<vmem>> -> memref<80xi32, #tpu.memory_space<vmem>>
    %dma_start3A_206 = arith.constant 0 : i32
    %dma_start3A_207 = arith.constant 0 : i32
    %dma_start3A_208 = tpu.memref_slice %arg3[%dma_start3A_206, %dma_start3A_207] : memref<100000x128xf32, #tpu.memory_space<hbm>> -> memref<100000x128xf32, #tpu.memory_space<hbm>>
    tpu.enqueue_indirect_dma source(%dma_start3A_208 : memref<100000x128xf32, #tpu.memory_space<hbm>>) target(%dma_start3A_202 : memref<80x128xf32, #tpu.memory_space<vmem>>) offsets(%dma_start3A_205 : memref<80xi32, #tpu.memory_space<vmem>>) semaphore(%arg18 : memref<!tpu.dma_semaphore, #tpu.memory_space<semaphore_mem>>)
    %dma_start3A_209 = arith.constant 3 : i32
    %dma_start3A_210 = arith.constant 240 : i32
    %dma_start3A_211 = arith.constant 0 : i32
    %dma_start3A_212 = tpu.memref_slice %arg15[%dma_start3A_210, %dma_start3A_211] : memref<640x128xf32, #tpu.memory_space<vmem>> -> memref<80x128xf32, #tpu.memory_space<vmem>>
    %dma_start3A_213 = arith.constant 0 : i32
    %dma_start3A_214 = tpu.memref_slice %arg13[%dma_start3A_209, %dma_start3A_213] : memref<8x80xi32, #tpu.memory_space<vmem>> -> memref<1x80xi32, #tpu.memory_space<vmem>>
    %dma_start3A_215 = tpu.memref_squeeze %dma_start3A_214 : memref<1x80xi32, #tpu.memory_space<vmem>> -> memref<80xi32, #tpu.memory_space<vmem>>
    %dma_start3A_216 = arith.constant 0 : i32
    %dma_start3A_217 = arith.constant 0 : i32
    %dma_start3A_218 = tpu.memref_slice %arg3[%dma_start3A_216, %dma_start3A_217] : memref<100000x128xf32, #tpu.memory_space<hbm>> -> memref<100000x128xf32, #tpu.memory_space<hbm>>
    tpu.enqueue_indirect_dma source(%dma_start3A_218 : memref<100000x128xf32, #tpu.memory_space<hbm>>) target(%dma_start3A_212 : memref<80x128xf32, #tpu.memory_space<vmem>>) offsets(%dma_start3A_215 : memref<80xi32, #tpu.memory_space<vmem>>) semaphore(%arg18 : memref<!tpu.dma_semaphore, #tpu.memory_space<semaphore_mem>>)
    %dma_start3A_219 = arith.constant 4 : i32
    %dma_start3A_220 = arith.constant 320 : i32
    %dma_start3A_221 = arith.constant 0 : i32
    %dma_start3A_222 = tpu.memref_slice %arg15[%dma_start3A_220, %dma_start3A_221] : memref<640x128xf32, #tpu.memory_space<vmem>> -> memref<80x128xf32, #tpu.memory_space<vmem>>
    %dma_start3A_223 = arith.constant 0 : i32
    %dma_start3A_224 = tpu.memref_slice %arg13[%dma_start3A_219, %dma_start3A_223] : memref<8x80xi32, #tpu.memory_space<vmem>> -> memref<1x80xi32, #tpu.memory_space<vmem>>
    %dma_start3A_225 = tpu.memref_squeeze %dma_start3A_224 : memref<1x80xi32, #tpu.memory_space<vmem>> -> memref<80xi32, #tpu.memory_space<vmem>>
    %dma_start3A_226 = arith.constant 0 : i32
    %dma_start3A_227 = arith.constant 0 : i32
    %dma_start3A_228 = tpu.memref_slice %arg3[%dma_start3A_226, %dma_start3A_227] : memref<100000x128xf32, #tpu.memory_space<hbm>> -> memref<100000x128xf32, #tpu.memory_space<hbm>>
    tpu.enqueue_indirect_dma source(%dma_start3A_228 : memref<100000x128xf32, #tpu.memory_space<hbm>>) target(%dma_start3A_222 : memref<80x128xf32, #tpu.memory_space<vmem>>) offsets(%dma_start3A_225 : memref<80xi32, #tpu.memory_space<vmem>>) semaphore(%arg18 : memref<!tpu.dma_semaphore, #tpu.memory_space<semaphore_mem>>)
    %dma_start3A_229 = arith.constant 5 : i32
    %dma_start3A_230 = arith.constant 400 : i32
    %dma_start3A_231 = arith.constant 0 : i32
    %dma_start3A_232 = tpu.memref_slice %arg15[%dma_start3A_230, %dma_start3A_231] : memref<640x128xf32, #tpu.memory_space<vmem>> -> memref<80x128xf32, #tpu.memory_space<vmem>>
    %dma_start3A_233 = arith.constant 0 : i32
    %dma_start3A_234 = tpu.memref_slice %arg13[%dma_start3A_229, %dma_start3A_233] : memref<8x80xi32, #tpu.memory_space<vmem>> -> memref<1x80xi32, #tpu.memory_space<vmem>>
    %dma_start3A_235 = tpu.memref_squeeze %dma_start3A_234 : memref<1x80xi32, #tpu.memory_space<vmem>> -> memref<80xi32, #tpu.memory_space<vmem>>
    %dma_start3A_236 = arith.constant 0 : i32
    %dma_start3A_237 = arith.constant 0 : i32
    %dma_start3A_238 = tpu.memref_slice %arg3[%dma_start3A_236, %dma_start3A_237] : memref<100000x128xf32, #tpu.memory_space<hbm>> -> memref<100000x128xf32, #tpu.memory_space<hbm>>
    tpu.enqueue_indirect_dma source(%dma_start3A_238 : memref<100000x128xf32, #tpu.memory_space<hbm>>) target(%dma_start3A_232 : memref<80x128xf32, #tpu.memory_space<vmem>>) offsets(%dma_start3A_235 : memref<80xi32, #tpu.memory_space<vmem>>) semaphore(%arg18 : memref<!tpu.dma_semaphore, #tpu.memory_space<semaphore_mem>>)
    %dma_start3A_239 = arith.constant 6 : i32
    %dma_start3A_240 = arith.constant 480 : i32
    %dma_start3A_241 = arith.constant 0 : i32
    %dma_start3A_242 = tpu.memref_slice %arg15[%dma_start3A_240, %dma_start3A_241] : memref<640x128xf32, #tpu.memory_space<vmem>> -> memref<80x128xf32, #tpu.memory_space<vmem>>
    %dma_start3A_243 = arith.constant 0 : i32
    %dma_start3A_244 = tpu.memref_slice %arg13[%dma_start3A_239, %dma_start3A_243] : memref<8x80xi32, #tpu.memory_space<vmem>> -> memref<1x80xi32, #tpu.memory_space<vmem>>
    %dma_start3A_245 = tpu.memref_squeeze %dma_start3A_244 : memref<1x80xi32, #tpu.memory_space<vmem>> -> memref<80xi32, #tpu.memory_space<vmem>>
    %dma_start3A_246 = arith.constant 0 : i32
    %dma_start3A_247 = arith.constant 0 : i32
    %dma_start3A_248 = tpu.memref_slice %arg3[%dma_start3A_246, %dma_start3A_247] : memref<100000x128xf32, #tpu.memory_space<hbm>> -> memref<100000x128xf32, #tpu.memory_space<hbm>>
    tpu.enqueue_indirect_dma source(%dma_start3A_248 : memref<100000x128xf32, #tpu.memory_space<hbm>>) target(%dma_start3A_242 : memref<80x128xf32, #tpu.memory_space<vmem>>) offsets(%dma_start3A_245 : memref<80xi32, #tpu.memory_space<vmem>>) semaphore(%arg18 : memref<!tpu.dma_semaphore, #tpu.memory_space<semaphore_mem>>)
    %dma_start3A_249 = arith.constant 7 : i32
    %dma_start3A_250 = arith.constant 560 : i32
    %dma_start3A_251 = arith.constant 0 : i32
    %dma_start3A_252 = tpu.memref_slice %arg15[%dma_start3A_250, %dma_start3A_251] : memref<640x128xf32, #tpu.memory_space<vmem>> -> memref<80x128xf32, #tpu.memory_space<vmem>>
    %dma_start3A_253 = arith.constant 0 : i32
    %dma_start3A_254 = tpu.memref_slice %arg13[%dma_start3A_249, %dma_start3A_253] : memref<8x80xi32, #tpu.memory_space<vmem>> -> memref<1x80xi32, #tpu.memory_space<vmem>>
    %dma_start3A_255 = tpu.memref_squeeze %dma_start3A_254 : memref<1x80xi32, #tpu.memory_space<vmem>> -> memref<80xi32, #tpu.memory_space<vmem>>
    %dma_start3A_256 = arith.constant 0 : i32
    %dma_start3A_257 = arith.constant 0 : i32
    %dma_start3A_258 = tpu.memref_slice %arg3[%dma_start3A_256, %dma_start3A_257] : memref<100000x128xf32, #tpu.memory_space<hbm>> -> memref<100000x128xf32, #tpu.memory_space<hbm>>
    tpu.enqueue_indirect_dma source(%dma_start3A_258 : memref<100000x128xf32, #tpu.memory_space<hbm>>) target(%dma_start3A_252 : memref<80x128xf32, #tpu.memory_space<vmem>>) offsets(%dma_start3A_255 : memref<80xi32, #tpu.memory_space<vmem>>) semaphore(%arg18 : memref<!tpu.dma_semaphore, #tpu.memory_space<semaphore_mem>>)
    %dma_wait3A_259 = arith.constant 0 : i32
    %dma_wait3A_260 = arith.constant 0 : i32
    %dma_wait3A_261 = tpu.memref_slice %arg10[%dma_wait3A_259, %dma_wait3A_260] : memref<20480x128xf32, #tpu.memory_space<hbm>> -> memref<640x128xf32, #tpu.memory_space<hbm>>
    %dma_wait3A_262 = arith.constant 0 : i32
    %dma_wait3A_263 = arith.constant 0 : i32
    %dma_wait3A_264 = tpu.memref_slice %arg10[%dma_wait3A_262, %dma_wait3A_263] : memref<20480x128xf32, #tpu.memory_space<hbm>> -> memref<640x128xf32, #tpu.memory_space<hbm>>
    tpu.wait_dma2 semaphore(%arg18 : memref<!tpu.dma_semaphore, #tpu.memory_space<semaphore_mem>>) src(%dma_wait3A_264 : memref<640x128xf32, #tpu.memory_space<hbm>>) dst(%arg15 : memref<640x128xf32, #tpu.memory_space<vmem>>)
    "tpu.region"() ({
      %run_scoped3A_266 = tpu.sem_alloc : memref<!tpu.dma_semaphore, #tpu.memory_space<semaphore_mem>>
      %dma_start3A_267 = arith.constant 0 : i32
      %dma_start3A_268 = tpu.memref_slice %arg10[%multiple_of3A_178, %dma_start3A_267] : memref<20480x128xf32, #tpu.memory_space<hbm>> -> memref<640x128xf32, #tpu.memory_space<hbm>>
      %dma_start3A_269 = arith.constant 0 : i32
      %dma_start3A_270 = tpu.memref_slice %arg10[%multiple_of3A_178, %dma_start3A_269] : memref<20480x128xf32, #tpu.memory_space<hbm>> -> memref<640x128xf32, #tpu.memory_space<hbm>>
      tpu.enqueue_dma source(%arg15 : memref<640x128xf32, #tpu.memory_space<vmem>>) target(%dma_start3A_270 : memref<640x128xf32, #tpu.memory_space<hbm>>) target_semaphore(%run_scoped3A_266 : memref<!tpu.dma_semaphore, #tpu.memory_space<semaphore_mem>>)
      %dma_wait3A_271 = arith.constant 0 : i32
      %dma_wait3A_272 = tpu.memref_slice %arg10[%multiple_of3A_178, %dma_wait3A_271] : memref<20480x128xf32, #tpu.memory_space<hbm>> -> memref<640x128xf32, #tpu.memory_space<hbm>>
      %dma_wait3A_273 = arith.constant 0 : i32
      %dma_wait3A_274 = tpu.memref_slice %arg10[%multiple_of3A_178, %dma_wait3A_273] : memref<20480x128xf32, #tpu.memory_space<hbm>> -> memref<640x128xf32, #tpu.memory_space<hbm>>
      tpu.wait_dma2 semaphore(%run_scoped3A_266 : memref<!tpu.dma_semaphore, #tpu.memory_space<semaphore_mem>>) src(%arg15 : memref<640x128xf32, #tpu.memory_space<vmem>>) dst(%dma_wait3A_274 : memref<640x128xf32, #tpu.memory_space<hbm>>)
      tpu.yield
    }) : () -> ()
    %barrier3A_265 = arith.constant 0 : index
    tpu.barrier barrier_id(%barrier3A_265)
    "tpu.region"() ({
      %run_scoped3A_266 = tpu.sem_alloc : memref<!tpu.dma_semaphore, #tpu.memory_space<semaphore_mem>>
      %dma_start3A_267 = tpu.memref_slice %arg11[%arg0, %multiple_of3A] : memref<2x30720xf32, #tpu.memory_space<hbm>> -> memref<1x1920xf32, #tpu.memory_space<hbm>>
      %dma_start3A_268 = tpu.memref_squeeze %dma_start3A_267 : memref<1x1920xf32, #tpu.memory_space<hbm>> -> memref<1920xf32, #tpu.memory_space<hbm>>
      %dma_start3A_269 = tpu.memref_slice %arg17[%multiple_of3A] : memref<30720xf32, #tpu.memory_space<vmem_shared>> -> memref<1920xf32, #tpu.memory_space<vmem_shared>>
      tpu.enqueue_dma source(%dma_start3A_269 : memref<1920xf32, #tpu.memory_space<vmem_shared>>) target(%dma_start3A_268 : memref<1920xf32, #tpu.memory_space<hbm>>) target_semaphore(%run_scoped3A_266 : memref<!tpu.dma_semaphore, #tpu.memory_space<semaphore_mem>>)
      %dma_wait3A_270 = tpu.memref_slice %arg11[%arg0, %multiple_of3A] : memref<2x30720xf32, #tpu.memory_space<hbm>> -> memref<1x1920xf32, #tpu.memory_space<hbm>>
      %dma_wait3A_271 = tpu.memref_squeeze %dma_wait3A_270 : memref<1x1920xf32, #tpu.memory_space<hbm>> -> memref<1920xf32, #tpu.memory_space<hbm>>
      %dma_wait3A_272 = tpu.memref_slice %arg17[%multiple_of3A] : memref<30720xf32, #tpu.memory_space<vmem_shared>> -> memref<1920xf32, #tpu.memory_space<vmem_shared>>
      tpu.wait_dma2 semaphore(%run_scoped3A_266 : memref<!tpu.dma_semaphore, #tpu.memory_space<semaphore_mem>>) src(%dma_wait3A_272 : memref<1920xf32, #tpu.memory_space<vmem_shared>>) dst(%dma_wait3A_271 : memref<1920xf32, #tpu.memory_space<hbm>>)
      tpu.yield
    }) : () -> ()
    return
  }
}

#map = affine_map<(d0, d1) -> (0, 0)>
#map1 = affine_map<(d0, d1) -> (0, 0, 0, 0)>
module attributes {stable_mosaic.version = 14 : i64} {
  func.func @agg(%arg0: i32, %arg1: i32, %arg2: memref<20480x128xf32, #tpu.memory_space<hbm>>, %arg3: memref<2x16x80x128xi32, #tpu.memory_space<hbm>>, %arg4: memref<2x16x80x128xi32, #tpu.memory_space<hbm>>, %arg5: memref<640x128xf32, #tpu.memory_space<hbm>>, %arg6: memref<20480x128xf32, #tpu.memory_space<hbm>>, %arg7: memref<80x128xi32, #tpu.memory_space<vmem>>, %arg8: memref<80x128xi32, #tpu.memory_space<vmem>>, %arg9: memref<128x128xf32, #tpu.memory_space<vmem>>, %arg10: memref<10240x128xf32, #tpu.memory_space<vmem_shared>>, %arg11: memref<!tpu.dma_semaphore, #tpu.memory_space<semaphore_mem>>) attributes {dimension_semantics = [#tpu.dimension_semantics<core_parallel>, #tpu.dimension_semantics<subcore_parallel>], iteration_bounds = array<i64: 2, 16>, scalar_prefetch = 0 : i64, scratch_operands = 5 : i64, tpu.core_type = #tpu.core_type<sc_vector_subcore>, window_params = [{transform_indices = #map}, {transform_indices = #map1}, {transform_indices = #map1}, {transform_indices = #map}, {transform_indices = #map}]} {
    %mul3A = arith.constant 640 : i32
    %mul3A_0 = arith.muli %arg1, %mul3A : i32
    %multiple_of3A = tpu.assume_multiple %mul3A_0, 8 : i32
    "tpu.region"() ({
      %run_scoped3A = tpu.sem_alloc : memref<!tpu.dma_semaphore, #tpu.memory_space<semaphore_mem>>
      %dma_start3A = arith.constant 0 : i32
      %dma_start3A_12 = tpu.memref_slice %arg10[%multiple_of3A, %dma_start3A] : memref<10240x128xf32, #tpu.memory_space<vmem_shared>> -> memref<640x128xf32, #tpu.memory_space<vmem_shared>>
      %dma_start3A_13 = arith.constant 0 : i32
      %dma_start3A_14 = arith.constant 0 : i32
      %dma_start3A_15 = tpu.memref_slice %arg5[%dma_start3A_13, %dma_start3A_14] : memref<640x128xf32, #tpu.memory_space<hbm>> -> memref<640x128xf32, #tpu.memory_space<hbm>>
      tpu.enqueue_dma source(%dma_start3A_15 : memref<640x128xf32, #tpu.memory_space<hbm>>) target(%dma_start3A_12 : memref<640x128xf32, #tpu.memory_space<vmem_shared>>) target_semaphore(%run_scoped3A : memref<!tpu.dma_semaphore, #tpu.memory_space<semaphore_mem>>)
      %dma_wait3A = arith.constant 0 : i32
      %dma_wait3A_16 = tpu.memref_slice %arg10[%multiple_of3A, %dma_wait3A] : memref<10240x128xf32, #tpu.memory_space<vmem_shared>> -> memref<640x128xf32, #tpu.memory_space<vmem_shared>>
      %dma_wait3A_17 = arith.constant 0 : i32
      %dma_wait3A_18 = arith.constant 0 : i32
      %dma_wait3A_19 = tpu.memref_slice %arg5[%dma_wait3A_17, %dma_wait3A_18] : memref<640x128xf32, #tpu.memory_space<hbm>> -> memref<640x128xf32, #tpu.memory_space<hbm>>
      tpu.wait_dma2 semaphore(%run_scoped3A : memref<!tpu.dma_semaphore, #tpu.memory_space<semaphore_mem>>) src(%dma_wait3A_19 : memref<640x128xf32, #tpu.memory_space<hbm>>) dst(%dma_wait3A_16 : memref<640x128xf32, #tpu.memory_space<vmem_shared>>)
      tpu.yield
    }) : () -> ()
    "tpu.region"() ({
      %run_scoped3A = tpu.sem_alloc : memref<!tpu.dma_semaphore, #tpu.memory_space<semaphore_mem>>
      %dma_start3A = arith.constant 0 : i32
      %dma_start3A_12 = arith.constant 0 : i32
      %dma_start3A_13 = tpu.memref_slice %arg3[%arg0, %arg1, %dma_start3A, %dma_start3A_12] : memref<2x16x80x128xi32, #tpu.memory_space<hbm>> -> memref<1x1x80x128xi32, #tpu.memory_space<hbm>>
      %dma_start3A_14 = tpu.memref_squeeze %dma_start3A_13 : memref<1x1x80x128xi32, #tpu.memory_space<hbm>> -> memref<80x128xi32, #tpu.memory_space<hbm>>
      %dma_start3A_15 = arith.constant 0 : i32
      %dma_start3A_16 = arith.constant 0 : i32
      %dma_start3A_17 = tpu.memref_slice %arg3[%arg0, %arg1, %dma_start3A_15, %dma_start3A_16] : memref<2x16x80x128xi32, #tpu.memory_space<hbm>> -> memref<1x1x80x128xi32, #tpu.memory_space<hbm>>
      %dma_start3A_18 = tpu.memref_squeeze %dma_start3A_17 : memref<1x1x80x128xi32, #tpu.memory_space<hbm>> -> memref<80x128xi32, #tpu.memory_space<hbm>>
      tpu.enqueue_dma source(%dma_start3A_18 : memref<80x128xi32, #tpu.memory_space<hbm>>) target(%arg7 : memref<80x128xi32, #tpu.memory_space<vmem>>) target_semaphore(%run_scoped3A : memref<!tpu.dma_semaphore, #tpu.memory_space<semaphore_mem>>)
      %dma_wait3A = arith.constant 0 : i32
      %dma_wait3A_19 = arith.constant 0 : i32
      %dma_wait3A_20 = tpu.memref_slice %arg3[%arg0, %arg1, %dma_wait3A, %dma_wait3A_19] : memref<2x16x80x128xi32, #tpu.memory_space<hbm>> -> memref<1x1x80x128xi32, #tpu.memory_space<hbm>>
      %dma_wait3A_21 = tpu.memref_squeeze %dma_wait3A_20 : memref<1x1x80x128xi32, #tpu.memory_space<hbm>> -> memref<80x128xi32, #tpu.memory_space<hbm>>
      %dma_wait3A_22 = arith.constant 0 : i32
      %dma_wait3A_23 = arith.constant 0 : i32
      %dma_wait3A_24 = tpu.memref_slice %arg3[%arg0, %arg1, %dma_wait3A_22, %dma_wait3A_23] : memref<2x16x80x128xi32, #tpu.memory_space<hbm>> -> memref<1x1x80x128xi32, #tpu.memory_space<hbm>>
      %dma_wait3A_25 = tpu.memref_squeeze %dma_wait3A_24 : memref<1x1x80x128xi32, #tpu.memory_space<hbm>> -> memref<80x128xi32, #tpu.memory_space<hbm>>
      tpu.wait_dma2 semaphore(%run_scoped3A : memref<!tpu.dma_semaphore, #tpu.memory_space<semaphore_mem>>) src(%dma_wait3A_25 : memref<80x128xi32, #tpu.memory_space<hbm>>) dst(%arg7 : memref<80x128xi32, #tpu.memory_space<vmem>>)
      tpu.yield
    }) : () -> ()
    "tpu.region"() ({
      %run_scoped3A = tpu.sem_alloc : memref<!tpu.dma_semaphore, #tpu.memory_space<semaphore_mem>>
      %dma_start3A = arith.constant 0 : i32
      %dma_start3A_12 = arith.constant 0 : i32
      %dma_start3A_13 = tpu.memref_slice %arg4[%arg0, %arg1, %dma_start3A, %dma_start3A_12] : memref<2x16x80x128xi32, #tpu.memory_space<hbm>> -> memref<1x1x80x128xi32, #tpu.memory_space<hbm>>
      %dma_start3A_14 = tpu.memref_squeeze %dma_start3A_13 : memref<1x1x80x128xi32, #tpu.memory_space<hbm>> -> memref<80x128xi32, #tpu.memory_space<hbm>>
      %dma_start3A_15 = arith.constant 0 : i32
      %dma_start3A_16 = arith.constant 0 : i32
      %dma_start3A_17 = tpu.memref_slice %arg4[%arg0, %arg1, %dma_start3A_15, %dma_start3A_16] : memref<2x16x80x128xi32, #tpu.memory_space<hbm>> -> memref<1x1x80x128xi32, #tpu.memory_space<hbm>>
      %dma_start3A_18 = tpu.memref_squeeze %dma_start3A_17 : memref<1x1x80x128xi32, #tpu.memory_space<hbm>> -> memref<80x128xi32, #tpu.memory_space<hbm>>
      tpu.enqueue_dma source(%dma_start3A_18 : memref<80x128xi32, #tpu.memory_space<hbm>>) target(%arg8 : memref<80x128xi32, #tpu.memory_space<vmem>>) target_semaphore(%run_scoped3A : memref<!tpu.dma_semaphore, #tpu.memory_space<semaphore_mem>>)
      %dma_wait3A = arith.constant 0 : i32
      %dma_wait3A_19 = arith.constant 0 : i32
      %dma_wait3A_20 = tpu.memref_slice %arg4[%arg0, %arg1, %dma_wait3A, %dma_wait3A_19] : memref<2x16x80x128xi32, #tpu.memory_space<hbm>> -> memref<1x1x80x128xi32, #tpu.memory_space<hbm>>
      %dma_wait3A_21 = tpu.memref_squeeze %dma_wait3A_20 : memref<1x1x80x128xi32, #tpu.memory_space<hbm>> -> memref<80x128xi32, #tpu.memory_space<hbm>>
      %dma_wait3A_22 = arith.constant 0 : i32
      %dma_wait3A_23 = arith.constant 0 : i32
      %dma_wait3A_24 = tpu.memref_slice %arg4[%arg0, %arg1, %dma_wait3A_22, %dma_wait3A_23] : memref<2x16x80x128xi32, #tpu.memory_space<hbm>> -> memref<1x1x80x128xi32, #tpu.memory_space<hbm>>
      %dma_wait3A_25 = tpu.memref_squeeze %dma_wait3A_24 : memref<1x1x80x128xi32, #tpu.memory_space<hbm>> -> memref<80x128xi32, #tpu.memory_space<hbm>>
      tpu.wait_dma2 semaphore(%run_scoped3A : memref<!tpu.dma_semaphore, #tpu.memory_space<semaphore_mem>>) src(%dma_wait3A_25 : memref<80x128xi32, #tpu.memory_space<hbm>>) dst(%arg8 : memref<80x128xi32, #tpu.memory_space<vmem>>)
      tpu.yield
    }) : () -> ()
    %barrier3A = arith.constant 0 : index
    tpu.barrier barrier_id(%barrier3A)
    %scan3A = arith.constant 0 : i32
    %scan3A_1 = arith.constant 0 : i32
    %scan3A_2 = arith.constant 80 : i32
    %scan3A_3 = arith.addi %scan3A_1, %scan3A_2 : i32
    %scan3A_4 = arith.constant 1 : i32
    scf.for %scan3A_12 = %scan3A_1 to %scan3A_3 step %scan3A_4  : i32 {
      %dma_start3A = arith.constant 0 : i32
      %dma_start3A_13 = tpu.memref_slice %arg7[%scan3A_12, %dma_start3A] : memref<80x128xi32, #tpu.memory_space<vmem>> -> memref<1x128xi32, #tpu.memory_space<vmem>>
      %dma_start3A_14 = tpu.memref_squeeze %dma_start3A_13 : memref<1x128xi32, #tpu.memory_space<vmem>> -> memref<128xi32, #tpu.memory_space<vmem>>
      %dma_start3A_15 = arith.constant 0 : i32
      %dma_start3A_16 = arith.constant 0 : i32
      %dma_start3A_17 = tpu.memref_slice %arg2[%dma_start3A_15, %dma_start3A_16] : memref<20480x128xf32, #tpu.memory_space<hbm>> -> memref<20480x128xf32, #tpu.memory_space<hbm>>
      tpu.enqueue_indirect_dma source(%dma_start3A_17 : memref<20480x128xf32, #tpu.memory_space<hbm>>) target(%arg9 : memref<128x128xf32, #tpu.memory_space<vmem>>) offsets(%dma_start3A_14 : memref<128xi32, #tpu.memory_space<vmem>>) semaphore(%arg11 : memref<!tpu.dma_semaphore, #tpu.memory_space<semaphore_mem>>)
      %dma_wait3A = arith.constant 0 : i32
      %dma_wait3A_18 = tpu.memref_slice %arg7[%scan3A_12, %dma_wait3A] : memref<80x128xi32, #tpu.memory_space<vmem>> -> memref<1x128xi32, #tpu.memory_space<vmem>>
      %dma_wait3A_19 = tpu.memref_squeeze %dma_wait3A_18 : memref<1x128xi32, #tpu.memory_space<vmem>> -> memref<128xi32, #tpu.memory_space<vmem>>
      %dma_wait3A_20 = arith.constant 0 : i32
      %dma_wait3A_21 = arith.constant 0 : i32
      %dma_wait3A_22 = tpu.memref_slice %arg2[%dma_wait3A_20, %dma_wait3A_21] : memref<20480x128xf32, #tpu.memory_space<hbm>> -> memref<20480x128xf32, #tpu.memory_space<hbm>>
      tpu.wait_indirect_dma semaphore(%arg11 : memref<!tpu.dma_semaphore, #tpu.memory_space<semaphore_mem>>) src(%dma_wait3A_22 : memref<20480x128xf32, #tpu.memory_space<hbm>>) dst(%arg9 : memref<128x128xf32, #tpu.memory_space<vmem>>)
      "tpu.region"() ({
        %run_scoped3A = tpu.sem_alloc : memref<!tpu.dma_semaphore, #tpu.memory_space<semaphore_mem>>
        %dma_start3A_23 = arith.constant 0 : i32
        %dma_start3A_24 = tpu.memref_slice %arg8[%scan3A_12, %dma_start3A_23] : memref<80x128xi32, #tpu.memory_space<vmem>> -> memref<1x128xi32, #tpu.memory_space<vmem>>
        %dma_start3A_25 = tpu.memref_squeeze %dma_start3A_24 : memref<1x128xi32, #tpu.memory_space<vmem>> -> memref<128xi32, #tpu.memory_space<vmem>>
        %dma_start3A_26 = arith.constant 0 : i32
        %dma_start3A_27 = arith.constant 0 : i32
        %dma_start3A_28 = tpu.memref_slice %arg10[%dma_start3A_26, %dma_start3A_27] : memref<10240x128xf32, #tpu.memory_space<vmem_shared>> -> memref<10240x128xf32, #tpu.memory_space<vmem_shared>>
        tpu.enqueue_indirect_dma source(%arg9 : memref<128x128xf32, #tpu.memory_space<vmem>>) target(%dma_start3A_28 : memref<10240x128xf32, #tpu.memory_space<vmem_shared>>) offsets(%dma_start3A_25 : memref<128xi32, #tpu.memory_space<vmem>>) semaphore(%run_scoped3A : memref<!tpu.dma_semaphore, #tpu.memory_space<semaphore_mem>>) {add = true}
        %dma_wait3A_29 = arith.constant 0 : i32
        %dma_wait3A_30 = tpu.memref_slice %arg8[%scan3A_12, %dma_wait3A_29] : memref<80x128xi32, #tpu.memory_space<vmem>> -> memref<1x128xi32, #tpu.memory_space<vmem>>
        %dma_wait3A_31 = tpu.memref_squeeze %dma_wait3A_30 : memref<1x128xi32, #tpu.memory_space<vmem>> -> memref<128xi32, #tpu.memory_space<vmem>>
        %dma_wait3A_32 = arith.constant 0 : i32
        %dma_wait3A_33 = arith.constant 0 : i32
        %dma_wait3A_34 = tpu.memref_slice %arg10[%dma_wait3A_32, %dma_wait3A_33] : memref<10240x128xf32, #tpu.memory_space<vmem_shared>> -> memref<10240x128xf32, #tpu.memory_space<vmem_shared>>
        tpu.wait_indirect_dma semaphore(%run_scoped3A : memref<!tpu.dma_semaphore, #tpu.memory_space<semaphore_mem>>) src(%arg9 : memref<128x128xf32, #tpu.memory_space<vmem>>) dst(%dma_wait3A_34 : memref<10240x128xf32, #tpu.memory_space<vmem_shared>>)
        tpu.yield
      }) : () -> ()
    }
    %scan3A_5 = arith.constant 80 : i32
    %barrier3A_6 = arith.constant 0 : index
    tpu.barrier barrier_id(%barrier3A_6)
    %mul3A_7 = arith.constant 10240 : i32
    %mul3A_8 = arith.muli %arg0, %mul3A_7 : i32
    %mul3A_9 = arith.constant 640 : i32
    %mul3A_10 = arith.muli %arg1, %mul3A_9 : i32
    %add3A = arith.addi %mul3A_8, %mul3A_10 : i32
    %multiple_of3A_11 = tpu.assume_multiple %add3A, 8 : i32
    "tpu.region"() ({
      %run_scoped3A = tpu.sem_alloc : memref<!tpu.dma_semaphore, #tpu.memory_space<semaphore_mem>>
      %dma_start3A = arith.constant 0 : i32
      %dma_start3A_12 = tpu.memref_slice %arg6[%multiple_of3A_11, %dma_start3A] : memref<20480x128xf32, #tpu.memory_space<hbm>> -> memref<640x128xf32, #tpu.memory_space<hbm>>
      %dma_start3A_13 = arith.constant 0 : i32
      %dma_start3A_14 = tpu.memref_slice %arg10[%multiple_of3A, %dma_start3A_13] : memref<10240x128xf32, #tpu.memory_space<vmem_shared>> -> memref<640x128xf32, #tpu.memory_space<vmem_shared>>
      tpu.enqueue_dma source(%dma_start3A_14 : memref<640x128xf32, #tpu.memory_space<vmem_shared>>) target(%dma_start3A_12 : memref<640x128xf32, #tpu.memory_space<hbm>>) target_semaphore(%run_scoped3A : memref<!tpu.dma_semaphore, #tpu.memory_space<semaphore_mem>>)
      %dma_wait3A = arith.constant 0 : i32
      %dma_wait3A_15 = tpu.memref_slice %arg6[%multiple_of3A_11, %dma_wait3A] : memref<20480x128xf32, #tpu.memory_space<hbm>> -> memref<640x128xf32, #tpu.memory_space<hbm>>
      %dma_wait3A_16 = arith.constant 0 : i32
      %dma_wait3A_17 = tpu.memref_slice %arg10[%multiple_of3A, %dma_wait3A_16] : memref<10240x128xf32, #tpu.memory_space<vmem_shared>> -> memref<640x128xf32, #tpu.memory_space<vmem_shared>>
      tpu.wait_dma2 semaphore(%run_scoped3A : memref<!tpu.dma_semaphore, #tpu.memory_space<semaphore_mem>>) src(%dma_wait3A_17 : memref<640x128xf32, #tpu.memory_space<vmem_shared>>) dst(%dma_wait3A_15 : memref<640x128xf32, #tpu.memory_space<hbm>>)
      tpu.yield
    }) : () -> ()
    return
  }
}

#map = affine_map<(d0, d1) -> (0, 0)>
#map1 = affine_map<(d0, d1) -> (0, 0, 0, 0)>
module attributes {stable_mosaic.version = 14 : i64} {
  func.func @agg(%arg0: i32, %arg1: i32, %arg2: memref<20480x128xf32, #tpu.memory_space<hbm>>, %arg3: memref<2x16x80x128xi32, #tpu.memory_space<hbm>>, %arg4: memref<2x16x80x128xi32, #tpu.memory_space<hbm>>, %arg5: memref<640x128xf32, #tpu.memory_space<hbm>>, %arg6: memref<20480x128xf32, #tpu.memory_space<hbm>>, %arg7: memref<80x128xi32, #tpu.memory_space<vmem>>, %arg8: memref<80x128xi32, #tpu.memory_space<vmem>>, %arg9: memref<128x128xf32, #tpu.memory_space<vmem>>, %arg10: memref<10240x128xf32, #tpu.memory_space<vmem_shared>>, %arg11: memref<!tpu.dma_semaphore, #tpu.memory_space<semaphore_mem>>) attributes {dimension_semantics = [#tpu.dimension_semantics<core_parallel>, #tpu.dimension_semantics<subcore_parallel>], iteration_bounds = array<i64: 2, 16>, scalar_prefetch = 0 : i64, scratch_operands = 5 : i64, tpu.core_type = #tpu.core_type<sc_vector_subcore>, window_params = [{transform_indices = #map}, {transform_indices = #map1}, {transform_indices = #map1}, {transform_indices = #map}, {transform_indices = #map}]} {
    %mul3A = arith.constant 640 : i32
    %mul3A_0 = arith.muli %arg1, %mul3A : i32
    %multiple_of3A = tpu.assume_multiple %mul3A_0, 8 : i32
    "tpu.region"() ({
      %run_scoped3A = tpu.sem_alloc : memref<!tpu.dma_semaphore, #tpu.memory_space<semaphore_mem>>
      %dma_start3A = arith.constant 0 : i32
      %dma_start3A_12 = tpu.memref_slice %arg10[%multiple_of3A, %dma_start3A] : memref<10240x128xf32, #tpu.memory_space<vmem_shared>> -> memref<640x128xf32, #tpu.memory_space<vmem_shared>>
      %dma_start3A_13 = arith.constant 0 : i32
      %dma_start3A_14 = arith.constant 0 : i32
      %dma_start3A_15 = tpu.memref_slice %arg5[%dma_start3A_13, %dma_start3A_14] : memref<640x128xf32, #tpu.memory_space<hbm>> -> memref<640x128xf32, #tpu.memory_space<hbm>>
      tpu.enqueue_dma source(%dma_start3A_15 : memref<640x128xf32, #tpu.memory_space<hbm>>) target(%dma_start3A_12 : memref<640x128xf32, #tpu.memory_space<vmem_shared>>) target_semaphore(%run_scoped3A : memref<!tpu.dma_semaphore, #tpu.memory_space<semaphore_mem>>)
      %dma_wait3A = arith.constant 0 : i32
      %dma_wait3A_16 = tpu.memref_slice %arg10[%multiple_of3A, %dma_wait3A] : memref<10240x128xf32, #tpu.memory_space<vmem_shared>> -> memref<640x128xf32, #tpu.memory_space<vmem_shared>>
      %dma_wait3A_17 = arith.constant 0 : i32
      %dma_wait3A_18 = arith.constant 0 : i32
      %dma_wait3A_19 = tpu.memref_slice %arg5[%dma_wait3A_17, %dma_wait3A_18] : memref<640x128xf32, #tpu.memory_space<hbm>> -> memref<640x128xf32, #tpu.memory_space<hbm>>
      tpu.wait_dma2 semaphore(%run_scoped3A : memref<!tpu.dma_semaphore, #tpu.memory_space<semaphore_mem>>) src(%dma_wait3A_19 : memref<640x128xf32, #tpu.memory_space<hbm>>) dst(%dma_wait3A_16 : memref<640x128xf32, #tpu.memory_space<vmem_shared>>)
      tpu.yield
    }) : () -> ()
    "tpu.region"() ({
      %run_scoped3A = tpu.sem_alloc : memref<!tpu.dma_semaphore, #tpu.memory_space<semaphore_mem>>
      %dma_start3A = arith.constant 0 : i32
      %dma_start3A_12 = arith.constant 0 : i32
      %dma_start3A_13 = tpu.memref_slice %arg3[%arg0, %arg1, %dma_start3A, %dma_start3A_12] : memref<2x16x80x128xi32, #tpu.memory_space<hbm>> -> memref<1x1x80x128xi32, #tpu.memory_space<hbm>>
      %dma_start3A_14 = tpu.memref_squeeze %dma_start3A_13 : memref<1x1x80x128xi32, #tpu.memory_space<hbm>> -> memref<80x128xi32, #tpu.memory_space<hbm>>
      %dma_start3A_15 = arith.constant 0 : i32
      %dma_start3A_16 = arith.constant 0 : i32
      %dma_start3A_17 = tpu.memref_slice %arg3[%arg0, %arg1, %dma_start3A_15, %dma_start3A_16] : memref<2x16x80x128xi32, #tpu.memory_space<hbm>> -> memref<1x1x80x128xi32, #tpu.memory_space<hbm>>
      %dma_start3A_18 = tpu.memref_squeeze %dma_start3A_17 : memref<1x1x80x128xi32, #tpu.memory_space<hbm>> -> memref<80x128xi32, #tpu.memory_space<hbm>>
      tpu.enqueue_dma source(%dma_start3A_18 : memref<80x128xi32, #tpu.memory_space<hbm>>) target(%arg7 : memref<80x128xi32, #tpu.memory_space<vmem>>) target_semaphore(%run_scoped3A : memref<!tpu.dma_semaphore, #tpu.memory_space<semaphore_mem>>)
      %dma_wait3A = arith.constant 0 : i32
      %dma_wait3A_19 = arith.constant 0 : i32
      %dma_wait3A_20 = tpu.memref_slice %arg3[%arg0, %arg1, %dma_wait3A, %dma_wait3A_19] : memref<2x16x80x128xi32, #tpu.memory_space<hbm>> -> memref<1x1x80x128xi32, #tpu.memory_space<hbm>>
      %dma_wait3A_21 = tpu.memref_squeeze %dma_wait3A_20 : memref<1x1x80x128xi32, #tpu.memory_space<hbm>> -> memref<80x128xi32, #tpu.memory_space<hbm>>
      %dma_wait3A_22 = arith.constant 0 : i32
      %dma_wait3A_23 = arith.constant 0 : i32
      %dma_wait3A_24 = tpu.memref_slice %arg3[%arg0, %arg1, %dma_wait3A_22, %dma_wait3A_23] : memref<2x16x80x128xi32, #tpu.memory_space<hbm>> -> memref<1x1x80x128xi32, #tpu.memory_space<hbm>>
      %dma_wait3A_25 = tpu.memref_squeeze %dma_wait3A_24 : memref<1x1x80x128xi32, #tpu.memory_space<hbm>> -> memref<80x128xi32, #tpu.memory_space<hbm>>
      tpu.wait_dma2 semaphore(%run_scoped3A : memref<!tpu.dma_semaphore, #tpu.memory_space<semaphore_mem>>) src(%dma_wait3A_25 : memref<80x128xi32, #tpu.memory_space<hbm>>) dst(%arg7 : memref<80x128xi32, #tpu.memory_space<vmem>>)
      tpu.yield
    }) : () -> ()
    "tpu.region"() ({
      %run_scoped3A = tpu.sem_alloc : memref<!tpu.dma_semaphore, #tpu.memory_space<semaphore_mem>>
      %dma_start3A = arith.constant 0 : i32
      %dma_start3A_12 = arith.constant 0 : i32
      %dma_start3A_13 = tpu.memref_slice %arg4[%arg0, %arg1, %dma_start3A, %dma_start3A_12] : memref<2x16x80x128xi32, #tpu.memory_space<hbm>> -> memref<1x1x80x128xi32, #tpu.memory_space<hbm>>
      %dma_start3A_14 = tpu.memref_squeeze %dma_start3A_13 : memref<1x1x80x128xi32, #tpu.memory_space<hbm>> -> memref<80x128xi32, #tpu.memory_space<hbm>>
      %dma_start3A_15 = arith.constant 0 : i32
      %dma_start3A_16 = arith.constant 0 : i32
      %dma_start3A_17 = tpu.memref_slice %arg4[%arg0, %arg1, %dma_start3A_15, %dma_start3A_16] : memref<2x16x80x128xi32, #tpu.memory_space<hbm>> -> memref<1x1x80x128xi32, #tpu.memory_space<hbm>>
      %dma_start3A_18 = tpu.memref_squeeze %dma_start3A_17 : memref<1x1x80x128xi32, #tpu.memory_space<hbm>> -> memref<80x128xi32, #tpu.memory_space<hbm>>
      tpu.enqueue_dma source(%dma_start3A_18 : memref<80x128xi32, #tpu.memory_space<hbm>>) target(%arg8 : memref<80x128xi32, #tpu.memory_space<vmem>>) target_semaphore(%run_scoped3A : memref<!tpu.dma_semaphore, #tpu.memory_space<semaphore_mem>>)
      %dma_wait3A = arith.constant 0 : i32
      %dma_wait3A_19 = arith.constant 0 : i32
      %dma_wait3A_20 = tpu.memref_slice %arg4[%arg0, %arg1, %dma_wait3A, %dma_wait3A_19] : memref<2x16x80x128xi32, #tpu.memory_space<hbm>> -> memref<1x1x80x128xi32, #tpu.memory_space<hbm>>
      %dma_wait3A_21 = tpu.memref_squeeze %dma_wait3A_20 : memref<1x1x80x128xi32, #tpu.memory_space<hbm>> -> memref<80x128xi32, #tpu.memory_space<hbm>>
      %dma_wait3A_22 = arith.constant 0 : i32
      %dma_wait3A_23 = arith.constant 0 : i32
      %dma_wait3A_24 = tpu.memref_slice %arg4[%arg0, %arg1, %dma_wait3A_22, %dma_wait3A_23] : memref<2x16x80x128xi32, #tpu.memory_space<hbm>> -> memref<1x1x80x128xi32, #tpu.memory_space<hbm>>
      %dma_wait3A_25 = tpu.memref_squeeze %dma_wait3A_24 : memref<1x1x80x128xi32, #tpu.memory_space<hbm>> -> memref<80x128xi32, #tpu.memory_space<hbm>>
      tpu.wait_dma2 semaphore(%run_scoped3A : memref<!tpu.dma_semaphore, #tpu.memory_space<semaphore_mem>>) src(%dma_wait3A_25 : memref<80x128xi32, #tpu.memory_space<hbm>>) dst(%arg8 : memref<80x128xi32, #tpu.memory_space<vmem>>)
      tpu.yield
    }) : () -> ()
    %barrier3A = arith.constant 0 : index
    tpu.barrier barrier_id(%barrier3A)
    %scan3A = arith.constant 0 : i32
    %scan3A_1 = arith.constant 0 : i32
    %scan3A_2 = arith.constant 80 : i32
    %scan3A_3 = arith.addi %scan3A_1, %scan3A_2 : i32
    %scan3A_4 = arith.constant 1 : i32
    scf.for %scan3A_12 = %scan3A_1 to %scan3A_3 step %scan3A_4  : i32 {
      %dma_start3A = arith.constant 0 : i32
      %dma_start3A_13 = tpu.memref_slice %arg7[%scan3A_12, %dma_start3A] : memref<80x128xi32, #tpu.memory_space<vmem>> -> memref<1x128xi32, #tpu.memory_space<vmem>>
      %dma_start3A_14 = tpu.memref_squeeze %dma_start3A_13 : memref<1x128xi32, #tpu.memory_space<vmem>> -> memref<128xi32, #tpu.memory_space<vmem>>
      %dma_start3A_15 = arith.constant 0 : i32
      %dma_start3A_16 = arith.constant 0 : i32
      %dma_start3A_17 = tpu.memref_slice %arg2[%dma_start3A_15, %dma_start3A_16] : memref<20480x128xf32, #tpu.memory_space<hbm>> -> memref<20480x128xf32, #tpu.memory_space<hbm>>
      tpu.enqueue_indirect_dma source(%dma_start3A_17 : memref<20480x128xf32, #tpu.memory_space<hbm>>) target(%arg9 : memref<128x128xf32, #tpu.memory_space<vmem>>) offsets(%dma_start3A_14 : memref<128xi32, #tpu.memory_space<vmem>>) semaphore(%arg11 : memref<!tpu.dma_semaphore, #tpu.memory_space<semaphore_mem>>)
      %dma_wait3A = arith.constant 0 : i32
      %dma_wait3A_18 = tpu.memref_slice %arg7[%scan3A_12, %dma_wait3A] : memref<80x128xi32, #tpu.memory_space<vmem>> -> memref<1x128xi32, #tpu.memory_space<vmem>>
      %dma_wait3A_19 = tpu.memref_squeeze %dma_wait3A_18 : memref<1x128xi32, #tpu.memory_space<vmem>> -> memref<128xi32, #tpu.memory_space<vmem>>
      %dma_wait3A_20 = arith.constant 0 : i32
      %dma_wait3A_21 = arith.constant 0 : i32
      %dma_wait3A_22 = tpu.memref_slice %arg2[%dma_wait3A_20, %dma_wait3A_21] : memref<20480x128xf32, #tpu.memory_space<hbm>> -> memref<20480x128xf32, #tpu.memory_space<hbm>>
      tpu.wait_indirect_dma semaphore(%arg11 : memref<!tpu.dma_semaphore, #tpu.memory_space<semaphore_mem>>) src(%dma_wait3A_22 : memref<20480x128xf32, #tpu.memory_space<hbm>>) dst(%arg9 : memref<128x128xf32, #tpu.memory_space<vmem>>)
      "tpu.region"() ({
        %run_scoped3A = tpu.sem_alloc : memref<!tpu.dma_semaphore, #tpu.memory_space<semaphore_mem>>
        %dma_start3A_23 = arith.constant 0 : i32
        %dma_start3A_24 = tpu.memref_slice %arg8[%scan3A_12, %dma_start3A_23] : memref<80x128xi32, #tpu.memory_space<vmem>> -> memref<1x128xi32, #tpu.memory_space<vmem>>
        %dma_start3A_25 = tpu.memref_squeeze %dma_start3A_24 : memref<1x128xi32, #tpu.memory_space<vmem>> -> memref<128xi32, #tpu.memory_space<vmem>>
        %dma_start3A_26 = arith.constant 0 : i32
        %dma_start3A_27 = arith.constant 0 : i32
        %dma_start3A_28 = tpu.memref_slice %arg10[%dma_start3A_26, %dma_start3A_27] : memref<10240x128xf32, #tpu.memory_space<vmem_shared>> -> memref<10240x128xf32, #tpu.memory_space<vmem_shared>>
        tpu.enqueue_indirect_dma source(%arg9 : memref<128x128xf32, #tpu.memory_space<vmem>>) target(%dma_start3A_28 : memref<10240x128xf32, #tpu.memory_space<vmem_shared>>) offsets(%dma_start3A_25 : memref<128xi32, #tpu.memory_space<vmem>>) semaphore(%run_scoped3A : memref<!tpu.dma_semaphore, #tpu.memory_space<semaphore_mem>>) {add = true}
        %dma_wait3A_29 = arith.constant 0 : i32
        %dma_wait3A_30 = tpu.memref_slice %arg8[%scan3A_12, %dma_wait3A_29] : memref<80x128xi32, #tpu.memory_space<vmem>> -> memref<1x128xi32, #tpu.memory_space<vmem>>
        %dma_wait3A_31 = tpu.memref_squeeze %dma_wait3A_30 : memref<1x128xi32, #tpu.memory_space<vmem>> -> memref<128xi32, #tpu.memory_space<vmem>>
        %dma_wait3A_32 = arith.constant 0 : i32
        %dma_wait3A_33 = arith.constant 0 : i32
        %dma_wait3A_34 = tpu.memref_slice %arg10[%dma_wait3A_32, %dma_wait3A_33] : memref<10240x128xf32, #tpu.memory_space<vmem_shared>> -> memref<10240x128xf32, #tpu.memory_space<vmem_shared>>
        tpu.wait_indirect_dma semaphore(%run_scoped3A : memref<!tpu.dma_semaphore, #tpu.memory_space<semaphore_mem>>) src(%arg9 : memref<128x128xf32, #tpu.memory_space<vmem>>) dst(%dma_wait3A_34 : memref<10240x128xf32, #tpu.memory_space<vmem_shared>>)
        tpu.yield
      }) : () -> ()
    }
    %scan3A_5 = arith.constant 80 : i32
    %barrier3A_6 = arith.constant 0 : index
    tpu.barrier barrier_id(%barrier3A_6)
    %mul3A_7 = arith.constant 10240 : i32
    %mul3A_8 = arith.muli %arg0, %mul3A_7 : i32
    %mul3A_9 = arith.constant 640 : i32
    %mul3A_10 = arith.muli %arg1, %mul3A_9 : i32
    %add3A = arith.addi %mul3A_8, %mul3A_10 : i32
    %multiple_of3A_11 = tpu.assume_multiple %add3A, 8 : i32
    "tpu.region"() ({
      %run_scoped3A = tpu.sem_alloc : memref<!tpu.dma_semaphore, #tpu.memory_space<semaphore_mem>>
      %dma_start3A = arith.constant 0 : i32
      %dma_start3A_12 = tpu.memref_slice %arg6[%multiple_of3A_11, %dma_start3A] : memref<20480x128xf32, #tpu.memory_space<hbm>> -> memref<640x128xf32, #tpu.memory_space<hbm>>
      %dma_start3A_13 = arith.constant 0 : i32
      %dma_start3A_14 = tpu.memref_slice %arg10[%multiple_of3A, %dma_start3A_13] : memref<10240x128xf32, #tpu.memory_space<vmem_shared>> -> memref<640x128xf32, #tpu.memory_space<vmem_shared>>
      tpu.enqueue_dma source(%dma_start3A_14 : memref<640x128xf32, #tpu.memory_space<vmem_shared>>) target(%dma_start3A_12 : memref<640x128xf32, #tpu.memory_space<hbm>>) target_semaphore(%run_scoped3A : memref<!tpu.dma_semaphore, #tpu.memory_space<semaphore_mem>>)
      %dma_wait3A = arith.constant 0 : i32
      %dma_wait3A_15 = tpu.memref_slice %arg6[%multiple_of3A_11, %dma_wait3A] : memref<20480x128xf32, #tpu.memory_space<hbm>> -> memref<640x128xf32, #tpu.memory_space<hbm>>
      %dma_wait3A_16 = arith.constant 0 : i32
      %dma_wait3A_17 = tpu.memref_slice %arg10[%multiple_of3A, %dma_wait3A_16] : memref<10240x128xf32, #tpu.memory_space<vmem_shared>> -> memref<640x128xf32, #tpu.memory_space<vmem_shared>>
      tpu.wait_dma2 semaphore(%run_scoped3A : memref<!tpu.dma_semaphore, #tpu.memory_space<semaphore_mem>>) src(%dma_wait3A_17 : memref<640x128xf32, #tpu.memory_space<vmem_shared>>) dst(%dma_wait3A_15 : memref<640x128xf32, #tpu.memory_space<hbm>>)
      tpu.yield
    }) : () -> ()
    return
  }
}

module attributes {stable_mosaic.version = 14 : i64} {
  func.func @body(%arg0: i32, %arg1: memref<256x128xf32, #tpu.memory_space<vmem>>, %arg2: memref<256x128xf32, #tpu.memory_space<vmem>>, %arg3: memref<2x256x1xf32, #tpu.memory_space<vmem>>, %arg4: memref<128x128xf32, #tpu.memory_space<vmem>>, %arg5: memref<128x128xf32, #tpu.memory_space<vmem>>, %arg6: memref<1x128xf32, #tpu.memory_space<vmem>>, %arg7: memref<128x128xf32, #tpu.memory_space<vmem>>, %arg8: memref<1x128xf32, #tpu.memory_space<vmem>>, %arg9: memref<128x128xf32, #tpu.memory_space<vmem>>, %arg10: memref<256x128xf32, #tpu.memory_space<vmem>>) attributes {dimension_semantics = [#tpu.dimension_semantics<arbitrary>], iteration_bounds = array<i64: 40>, scalar_prefetch = 0 : i64, scratch_operands = 0 : i64, tpu.core_type = #tpu.core_type<tc>, window_params = [{transform_indices = @transform_0, window_bounds = array<i64: 256, 128>}, {transform_indices = @transform_1, window_bounds = array<i64: 256, 128>}, {transform_indices = @transform_2, window_bounds = array<i64: 2, 256, 1>}, {pipeline_mode = #tpu.pipeline_mode<synchronous>, transform_indices = @transform_3, window_bounds = array<i64: 128, 128>}, {pipeline_mode = #tpu.pipeline_mode<synchronous>, transform_indices = @transform_4, window_bounds = array<i64: 128, 128>}, {pipeline_mode = #tpu.pipeline_mode<synchronous>, transform_indices = @transform_5, window_bounds = array<i64: 1, 128>}, {pipeline_mode = #tpu.pipeline_mode<synchronous>, transform_indices = @transform_6, window_bounds = array<i64: 128, 128>}, {pipeline_mode = #tpu.pipeline_mode<synchronous>, transform_indices = @transform_7, window_bounds = array<i64: 1, 128>}, {pipeline_mode = #tpu.pipeline_mode<synchronous>, transform_indices = @transform_8, window_bounds = array<i64: 128, 128>}, {transform_indices = @transform_9, window_bounds = array<i64: 256, 128>}]} {
    %get3A = arith.constant 0 : index
    %get3A_0 = arith.constant 0 : index
    %get3A_1 = vector.load %arg1[%get3A, %get3A_0] : memref<256x128xf32, #tpu.memory_space<vmem>>, vector<256x128xf32>
    %get3A_2 = arith.constant 0 : index
    %get3A_3 = arith.constant 0 : index
    %get3A_4 = vector.load %arg4[%get3A_2, %get3A_3] : memref<128x128xf32, #tpu.memory_space<vmem>>, vector<128x128xf32>
    %dot_general3A = arith.constant dense<0.000000e+00> : vector<256x128xf32>
    %dot_general3A_5 = tpu.matmul %get3A_1, %get3A_4, %dot_general3A {dimension_numbers = #tpu.dot_dimension_numbers<[1], [0], [0], [1], [0, 0, 1, 1], [], []>, transpose_lhs_hint = false} : vector<256x128xf32>, vector<128x128xf32>, vector<256x128xf32> -> vector<256x128xf32>
    %get3A_6 = arith.constant 0 : index
    %get3A_7 = arith.constant 0 : index
    %get3A_8 = vector.load %arg2[%get3A_6, %get3A_7] : memref<256x128xf32, #tpu.memory_space<vmem>>, vector<256x128xf32>
    %get3A_9 = arith.constant 0 : index
    %get3A_10 = arith.constant 0 : index
    %get3A_11 = vector.load %arg5[%get3A_9, %get3A_10] : memref<128x128xf32, #tpu.memory_space<vmem>>, vector<128x128xf32>
    %dot_general3A_12 = arith.constant dense<0.000000e+00> : vector<256x128xf32>
    %dot_general3A_13 = tpu.matmul %get3A_8, %get3A_11, %dot_general3A_12 {dimension_numbers = #tpu.dot_dimension_numbers<[1], [0], [0], [1], [0, 0, 1, 1], [], []>, transpose_lhs_hint = false} : vector<256x128xf32>, vector<128x128xf32>, vector<256x128xf32> -> vector<256x128xf32>
    %add3A = arith.addf %dot_general3A_5, %dot_general3A_13 : vector<256x128xf32>
    %get3A_14 = arith.constant 0 : index
    %get3A_15 = arith.constant 0 : index
    %get3A_16 = vector.load %arg6[%get3A_14, %get3A_15] : memref<1x128xf32, #tpu.memory_space<vmem>>, vector<1x128xf32>
    %add3A_17 = vector.broadcast %get3A_16 : vector<1x128xf32> to vector<256x128xf32>
    %add3A_18 = arith.addf %add3A, %add3A_17 : vector<256x128xf32>
    %max3A = arith.constant 0.000000e+00 : f32
    %max3A_19 = vector.broadcast %max3A : f32 to vector<256x128xf32>
    %max3A_20 = arith.maximumf %add3A_18, %max3A_19 : vector<256x128xf32>
    %get3A_21 = arith.constant 0 : index
    %get3A_22 = arith.constant 0 : index
    %get3A_23 = vector.load %arg7[%get3A_21, %get3A_22] : memref<128x128xf32, #tpu.memory_space<vmem>>, vector<128x128xf32>
    %dot_general3A_24 = arith.constant dense<0.000000e+00> : vector<256x128xf32>
    %dot_general3A_25 = tpu.matmul %max3A_20, %get3A_23, %dot_general3A_24 {dimension_numbers = #tpu.dot_dimension_numbers<[1], [0], [0], [1], [0, 0, 1, 1], [], []>, transpose_lhs_hint = false} : vector<256x128xf32>, vector<128x128xf32>, vector<256x128xf32> -> vector<256x128xf32>
    %get3A_26 = arith.constant 0 : index
    %get3A_27 = arith.constant 0 : index
    %get3A_28 = vector.load %arg8[%get3A_26, %get3A_27] : memref<1x128xf32, #tpu.memory_space<vmem>>, vector<1x128xf32>
    %add3A_29 = vector.broadcast %get3A_28 : vector<1x128xf32> to vector<256x128xf32>
    %add3A_30 = arith.addf %dot_general3A_25, %add3A_29 : vector<256x128xf32>
    %get3A_31 = arith.constant 0 : index
    %get3A_32 = arith.constant 0 : index
    %get3A_33 = arith.constant 0 : index
    %get3A_34 = vector.load %arg3[%get3A_31, %get3A_32, %get3A_33] : memref<2x256x1xf32, #tpu.memory_space<vmem>>, vector<2x256x1xf32>
    %slice3A = vector.extract_strided_slice %get3A_34 {offsets = [0, 0, 0], sizes = [1, 256, 1], strides = [1, 1, 1]} : vector<2x256x1xf32> to vector<1x256x1xf32>
    %squeeze3A = vector.shape_cast %slice3A : vector<1x256x1xf32> to vector<256x1xf32>
    %slice3A_35 = vector.extract_strided_slice %get3A_34 {offsets = [1, 0, 0], sizes = [1, 256, 1], strides = [1, 1, 1]} : vector<2x256x1xf32> to vector<1x256x1xf32>
    %squeeze3A_36 = vector.shape_cast %slice3A_35 : vector<1x256x1xf32> to vector<256x1xf32>
    %add3A_37 = arith.addf %squeeze3A, %squeeze3A_36 : vector<256x1xf32>
    %add3A_38 = arith.constant 1.000000e+00 : f32
    %add3A_39 = vector.broadcast %add3A_38 : f32 to vector<256x1xf32>
    %add3A_40 = arith.addf %add3A_37, %add3A_39 : vector<256x1xf32>
    %rsqrt3A = math.rsqrt %add3A_40 : vector<256x1xf32>
    %get3A_41 = arith.constant 0 : index
    %get3A_42 = arith.constant 0 : index
    %get3A_43 = vector.load %arg9[%get3A_41, %get3A_42] : memref<128x128xf32, #tpu.memory_space<vmem>>, vector<128x128xf32>
    %dot_general3A_44 = arith.constant dense<0.000000e+00> : vector<256x128xf32>
    %dot_general3A_45 = tpu.matmul %add3A_30, %get3A_43, %dot_general3A_44 {dimension_numbers = #tpu.dot_dimension_numbers<[1], [0], [0], [1], [0, 0, 1, 1], [], []>, transpose_lhs_hint = false} : vector<256x128xf32>, vector<128x128xf32>, vector<256x128xf32> -> vector<256x128xf32>
    %mul3A = vector.broadcast %rsqrt3A : vector<256x1xf32> to vector<256x128xf32>
    %mul3A_46 = arith.mulf %mul3A, %dot_general3A_45 : vector<256x128xf32>
    %swap3A = arith.constant 0 : index
    %swap3A_47 = arith.constant 0 : index
    %swap3A_48 = vector.load %arg10[%swap3A, %swap3A_47] : memref<256x128xf32, #tpu.memory_space<vmem>>, vector<256x128xf32>
    tpu.vector_store %arg10[%swap3A, %swap3A_47], %mul3A_46 {strides = array<i32>} : memref<256x128xf32, #tpu.memory_space<vmem>>, vector<256x128xf32>,
    return
  }
  func.func @transform_0(%arg0: i32) -> (i32, i32) {
    %c0_i32 = arith.constant 0 : i32
    %c0_i32_0 = arith.constant 0 : i32
    return %arg0, %c0_i32 : i32, i32
  }
  func.func @transform_1(%arg0: i32) -> (i32, i32) {
    %c0_i32 = arith.constant 0 : i32
    %c0_i32_0 = arith.constant 0 : i32
    return %arg0, %c0_i32 : i32, i32
  }
  func.func @transform_2(%arg0: i32) -> (i32, i32, i32) {
    %c0_i32 = arith.constant 0 : i32
    %c0_i32_0 = arith.constant 0 : i32
    %c0_i32_1 = arith.constant 0 : i32
    return %c0_i32, %arg0, %c0_i32_0 : i32, i32, i32
  }
  func.func @transform_3(%arg0: i32) -> (i32, i32) {
    %c0_i32 = arith.constant 0 : i32
    %c0_i32_0 = arith.constant 0 : i32
    %c0_i32_1 = arith.constant 0 : i32
    return %c0_i32, %c0_i32_0 : i32, i32
  }
  func.func @transform_4(%arg0: i32) -> (i32, i32) {
    %c0_i32 = arith.constant 0 : i32
    %c0_i32_0 = arith.constant 0 : i32
    %c0_i32_1 = arith.constant 0 : i32
    return %c0_i32, %c0_i32_0 : i32, i32
  }
  func.func @transform_5(%arg0: i32) -> (i32, i32) {
    %c0_i32 = arith.constant 0 : i32
    %c0_i32_0 = arith.constant 0 : i32
    %c0_i32_1 = arith.constant 0 : i32
    return %c0_i32, %c0_i32_0 : i32, i32
  }
  func.func @transform_6(%arg0: i32) -> (i32, i32) {
    %c0_i32 = arith.constant 0 : i32
    %c0_i32_0 = arith.constant 0 : i32
    %c0_i32_1 = arith.constant 0 : i32
    return %c0_i32, %c0_i32_0 : i32, i32
  }
  func.func @transform_7(%arg0: i32) -> (i32, i32) {
    %c0_i32 = arith.constant 0 : i32
    %c0_i32_0 = arith.constant 0 : i32
    %c0_i32_1 = arith.constant 0 : i32
    return %c0_i32, %c0_i32_0 : i32, i32
  }
  func.func @transform_8(%arg0: i32) -> (i32, i32) {
    %c0_i32 = arith.constant 0 : i32
    %c0_i32_0 = arith.constant 0 : i32
    %c0_i32_1 = arith.constant 0 : i32
    return %c0_i32, %c0_i32_0 : i32, i32
  }
  func.func @transform_9(%arg0: i32) -> (i32, i32) {
    %c0_i32 = arith.constant 0 : i32
    %c0_i32_0 = arith.constant 0 : i32
    return %arg0, %c0_i32 : i32, i32
  }
}

module attributes {stable_mosaic.version = 14 : i64} {
  func.func @body(%arg0: i32, %arg1: memref<256x128xf32, #tpu.memory_space<vmem>>, %arg2: memref<256x128xf32, #tpu.memory_space<vmem>>, %arg3: memref<2x256x1xf32, #tpu.memory_space<vmem>>, %arg4: memref<1x128xf32, #tpu.memory_space<vmem>>, %arg5: memref<128x128xf32, #tpu.memory_space<vmem>>, %arg6: memref<256x128xf32, #tpu.memory_space<vmem>>) attributes {dimension_semantics = [#tpu.dimension_semantics<arbitrary>], iteration_bounds = array<i64: 40>, scalar_prefetch = 0 : i64, scratch_operands = 0 : i64, tpu.core_type = #tpu.core_type<tc>, window_params = [{transform_indices = @transform_0, window_bounds = array<i64: 256, 128>}, {transform_indices = @transform_1, window_bounds = array<i64: 256, 128>}, {transform_indices = @transform_2, window_bounds = array<i64: 2, 256, 1>}, {pipeline_mode = #tpu.pipeline_mode<synchronous>, transform_indices = @transform_3, window_bounds = array<i64: 1, 128>}, {pipeline_mode = #tpu.pipeline_mode<synchronous>, transform_indices = @transform_4, window_bounds = array<i64: 128, 128>}, {transform_indices = @transform_5, window_bounds = array<i64: 256, 128>}]} {
    %get3A = arith.constant 0 : index
    %get3A_0 = arith.constant 0 : index
    %get3A_1 = arith.constant 0 : index
    %get3A_2 = vector.load %arg3[%get3A, %get3A_0, %get3A_1] : memref<2x256x1xf32, #tpu.memory_space<vmem>>, vector<2x256x1xf32>
    %slice3A = vector.extract_strided_slice %get3A_2 {offsets = [0, 0, 0], sizes = [1, 256, 1], strides = [1, 1, 1]} : vector<2x256x1xf32> to vector<1x256x1xf32>
    %squeeze3A = vector.shape_cast %slice3A : vector<1x256x1xf32> to vector<256x1xf32>
    %slice3A_3 = vector.extract_strided_slice %get3A_2 {offsets = [1, 0, 0], sizes = [1, 256, 1], strides = [1, 1, 1]} : vector<2x256x1xf32> to vector<1x256x1xf32>
    %squeeze3A_4 = vector.shape_cast %slice3A_3 : vector<1x256x1xf32> to vector<256x1xf32>
    %add3A = arith.addf %squeeze3A, %squeeze3A_4 : vector<256x1xf32>
    %add3A_5 = arith.constant 1.000000e+00 : f32
    %add3A_6 = vector.broadcast %add3A_5 : f32 to vector<256x1xf32>
    %add3A_7 = arith.addf %add3A, %add3A_6 : vector<256x1xf32>
    %rsqrt3A = math.rsqrt %add3A_7 : vector<256x1xf32>
    %get3A_8 = arith.constant 0 : index
    %get3A_9 = arith.constant 0 : index
    %get3A_10 = vector.load %arg1[%get3A_8, %get3A_9] : memref<256x128xf32, #tpu.memory_space<vmem>>, vector<256x128xf32>
    %get3A_11 = arith.constant 0 : index
    %get3A_12 = arith.constant 0 : index
    %get3A_13 = vector.load %arg2[%get3A_11, %get3A_12] : memref<256x128xf32, #tpu.memory_space<vmem>>, vector<256x128xf32>
    %add3A_14 = arith.addf %get3A_10, %get3A_13 : vector<256x128xf32>
    %mul3A = vector.broadcast %rsqrt3A : vector<256x1xf32> to vector<256x128xf32>
    %mul3A_15 = arith.mulf %mul3A, %add3A_14 : vector<256x128xf32>
    %get3A_16 = arith.constant 0 : index
    %get3A_17 = arith.constant 0 : index
    %get3A_18 = vector.load %arg4[%get3A_16, %get3A_17] : memref<1x128xf32, #tpu.memory_space<vmem>>, vector<1x128xf32>
    %add3A_19 = vector.broadcast %get3A_18 : vector<1x128xf32> to vector<256x128xf32>
    %add3A_20 = arith.addf %mul3A_15, %add3A_19 : vector<256x128xf32>
    %max3A = arith.constant 0.000000e+00 : f32
    %max3A_21 = vector.broadcast %max3A : f32 to vector<256x128xf32>
    %max3A_22 = arith.maximumf %add3A_20, %max3A_21 : vector<256x128xf32>
    %get3A_23 = arith.constant 0 : index
    %get3A_24 = arith.constant 0 : index
    %get3A_25 = vector.load %arg5[%get3A_23, %get3A_24] : memref<128x128xf32, #tpu.memory_space<vmem>>, vector<128x128xf32>
    %dot_general3A = arith.constant dense<0.000000e+00> : vector<256x128xf32>
    %dot_general3A_26 = tpu.matmul %max3A_22, %get3A_25, %dot_general3A {dimension_numbers = #tpu.dot_dimension_numbers<[1], [0], [0], [1], [0, 0, 1, 1], [], []>, transpose_lhs_hint = false} : vector<256x128xf32>, vector<128x128xf32>, vector<256x128xf32> -> vector<256x128xf32>
    %mul3A_27 = vector.broadcast %rsqrt3A : vector<256x1xf32> to vector<256x128xf32>
    %mul3A_28 = arith.mulf %mul3A_27, %dot_general3A_26 : vector<256x128xf32>
    %swap3A = arith.constant 0 : index
    %swap3A_29 = arith.constant 0 : index
    %swap3A_30 = vector.load %arg6[%swap3A, %swap3A_29] : memref<256x128xf32, #tpu.memory_space<vmem>>, vector<256x128xf32>
    tpu.vector_store %arg6[%swap3A, %swap3A_29], %mul3A_28 {strides = array<i32>} : memref<256x128xf32, #tpu.memory_space<vmem>>, vector<256x128xf32>,
    return
  }
  func.func @transform_0(%arg0: i32) -> (i32, i32) {
    %c0_i32 = arith.constant 0 : i32
    %c0_i32_0 = arith.constant 0 : i32
    return %arg0, %c0_i32 : i32, i32
  }
  func.func @transform_1(%arg0: i32) -> (i32, i32) {
    %c0_i32 = arith.constant 0 : i32
    %c0_i32_0 = arith.constant 0 : i32
    return %arg0, %c0_i32 : i32, i32
  }
  func.func @transform_2(%arg0: i32) -> (i32, i32, i32) {
    %c0_i32 = arith.constant 0 : i32
    %c0_i32_0 = arith.constant 0 : i32
    %c0_i32_1 = arith.constant 0 : i32
    return %c0_i32, %arg0, %c0_i32_0 : i32, i32, i32
  }
  func.func @transform_3(%arg0: i32) -> (i32, i32) {
    %c0_i32 = arith.constant 0 : i32
    %c0_i32_0 = arith.constant 0 : i32
    %c0_i32_1 = arith.constant 0 : i32
    return %c0_i32, %c0_i32_0 : i32, i32
  }
  func.func @transform_4(%arg0: i32) -> (i32, i32) {
    %c0_i32 = arith.constant 0 : i32
    %c0_i32_0 = arith.constant 0 : i32
    %c0_i32_1 = arith.constant 0 : i32
    return %c0_i32, %c0_i32_0 : i32, i32
  }
  func.func @transform_5(%arg0: i32) -> (i32, i32) {
    %c0_i32 = arith.constant 0 : i32
    %c0_i32_0 = arith.constant 0 : i32
    return %arg0, %c0_i32 : i32, i32
  }
}

module attributes {stable_mosaic.version = 14 : i64} {
  func.func @body(%arg0: i32, %arg1: memref<1280x128xf32, #tpu.memory_space<vmem>>, %arg2: memref<1280x128xf32, #tpu.memory_space<vmem>>, %arg3: memref<2x1280x1xf32, #tpu.memory_space<vmem>>, %arg4: memref<1x128xf32, #tpu.memory_space<vmem>>, %arg5: memref<8x1xi32, #tpu.memory_space<smem>>, %arg6: memref<1280x128xf32, #tpu.memory_space<vmem>>, %arg7: memref<1x8x128xf32, #tpu.memory_space<vmem>>) attributes {dimension_semantics = [#tpu.dimension_semantics<arbitrary>], iteration_bounds = array<i64: 8>, scalar_prefetch = 0 : i64, scratch_operands = 0 : i64, tpu.core_type = #tpu.core_type<tc>, window_params = [{transform_indices = @transform_0, window_bounds = array<i64: 1280, 128>}, {transform_indices = @transform_1, window_bounds = array<i64: 1280, 128>}, {transform_indices = @transform_2, window_bounds = array<i64: 2, 1280, 1>}, {pipeline_mode = #tpu.pipeline_mode<synchronous>, transform_indices = @transform_3, window_bounds = array<i64: 1, 128>}, {transform_indices = @transform_4, window_bounds = array<i64: 8, 1>}, {transform_indices = @transform_5, window_bounds = array<i64: 1280, 128>}, {transform_indices = @transform_6, window_bounds = array<i64: 1, 8, 128>}]} {
    %get3A = arith.constant 0 : index
    %get3A_0 = arith.constant 0 : index
    %get3A_1 = arith.constant 0 : index
    %get3A_2 = vector.load %arg3[%get3A, %get3A_0, %get3A_1] : memref<2x1280x1xf32, #tpu.memory_space<vmem>>, vector<2x1280x1xf32>
    %slice3A = vector.extract_strided_slice %get3A_2 {offsets = [0, 0, 0], sizes = [1, 1280, 1], strides = [1, 1, 1]} : vector<2x1280x1xf32> to vector<1x1280x1xf32>
    %squeeze3A = vector.shape_cast %slice3A : vector<1x1280x1xf32> to vector<1280x1xf32>
    %slice3A_3 = vector.extract_strided_slice %get3A_2 {offsets = [1, 0, 0], sizes = [1, 1280, 1], strides = [1, 1, 1]} : vector<2x1280x1xf32> to vector<1x1280x1xf32>
    %squeeze3A_4 = vector.shape_cast %slice3A_3 : vector<1x1280x1xf32> to vector<1280x1xf32>
    %add3A = arith.addf %squeeze3A, %squeeze3A_4 : vector<1280x1xf32>
    %add3A_5 = arith.constant 1.000000e+00 : f32
    %add3A_6 = vector.broadcast %add3A_5 : f32 to vector<1280x1xf32>
    %add3A_7 = arith.addf %add3A, %add3A_6 : vector<1280x1xf32>
    %rsqrt3A = math.rsqrt %add3A_7 : vector<1280x1xf32>
    %get3A_8 = arith.constant 0 : index
    %get3A_9 = arith.constant 0 : index
    %get3A_10 = vector.load %arg1[%get3A_8, %get3A_9] : memref<1280x128xf32, #tpu.memory_space<vmem>>, vector<1280x128xf32>
    %get3A_11 = arith.constant 0 : index
    %get3A_12 = arith.constant 0 : index
    %get3A_13 = vector.load %arg2[%get3A_11, %get3A_12] : memref<1280x128xf32, #tpu.memory_space<vmem>>, vector<1280x128xf32>
    %add3A_14 = arith.addf %get3A_10, %get3A_13 : vector<1280x128xf32>
    %mul3A = vector.broadcast %rsqrt3A : vector<1280x1xf32> to vector<1280x128xf32>
    %mul3A_15 = arith.mulf %mul3A, %add3A_14 : vector<1280x128xf32>
    %get3A_16 = arith.constant 0 : index
    %get3A_17 = arith.constant 0 : index
    %get3A_18 = vector.load %arg4[%get3A_16, %get3A_17] : memref<1x128xf32, #tpu.memory_space<vmem>>, vector<1x128xf32>
    %add3A_19 = vector.broadcast %get3A_18 : vector<1x128xf32> to vector<1280x128xf32>
    %add3A_20 = arith.addf %mul3A_15, %add3A_19 : vector<1280x128xf32>
    %get3A_21 = arith.index_cast %arg0 : i32 to index
    %get3A_22 = arith.constant 0 : index
    %get3A_23 = memref.load %arg5[%get3A_21, %get3A_22] : memref<8x1xi32, #tpu.memory_space<smem>>
    %iota3A = tpu.iota {dimensions = array<i32: 0>} : vector<1280x1xi32>
    %eq3A = vector.broadcast %get3A_23 : i32 to vector<1280x1xi32>
    %eq3A_24 = arith.cmpi eq, %iota3A, %eq3A : vector<1280x1xi32>
    %jit3A = arith.constant 0.000000e+00 : f32
    %broadcast_in_dim3A = vector.shape_cast %eq3A_24 : vector<1280x1xi1> to vector<1280x1xi1>
    %broadcast_in_dim3A_25 = vector.broadcast %broadcast_in_dim3A : vector<1280x1xi1> to vector<1280x128xi1>
    %broadcast_in_dim3A_26 = vector.broadcast %jit3A : f32 to vector<1280x128xf32>
    %select_n3A = arith.select %broadcast_in_dim3A_25, %add3A_20, %broadcast_in_dim3A_26 : vector<1280x128xi1>, vector<1280x128xf32>
    %reduce_sum3A = arith.constant dense<0.000000e+00> : vector<128xf32>
    %reduce_sum3A_27 = vector.multi_reduction <add>, %select_n3A, %reduce_sum3A [0] : vector<1280x128xf32> to vector<128xf32>
    %broadcast_in_dim3A_28 = vector.shape_cast %reduce_sum3A_27 : vector<128xf32> to vector<1x128xf32>
    %reshape3A = vector.shape_cast %broadcast_in_dim3A_28 : vector<1x128xf32> to vector<1x1x128xf32>
    %broadcast_in_dim3A_29 = vector.shape_cast %reshape3A : vector<1x1x128xf32> to vector<1x1x128xf32>
    %broadcast_in_dim3A_30 = vector.broadcast %broadcast_in_dim3A_29 : vector<1x1x128xf32> to vector<1x8x128xf32>
    %swap3A = arith.constant 0 : index
    %swap3A_31 = arith.constant 0 : index
    %swap3A_32 = vector.load %arg6[%swap3A, %swap3A_31] : memref<1280x128xf32, #tpu.memory_space<vmem>>, vector<1280x128xf32>
    tpu.vector_store %arg6[%swap3A, %swap3A_31], %add3A_20 {strides = array<i32>} : memref<1280x128xf32, #tpu.memory_space<vmem>>, vector<1280x128xf32>,
    %swap3A_33 = arith.constant 0 : index
    %swap3A_34 = arith.constant 0 : index
    %swap3A_35 = arith.constant 0 : index
    %swap3A_36 = vector.load %arg7[%swap3A_33, %swap3A_34, %swap3A_35] : memref<1x8x128xf32, #tpu.memory_space<vmem>>, vector<1x8x128xf32>
    tpu.vector_store %arg7[%swap3A_33, %swap3A_34, %swap3A_35], %broadcast_in_dim3A_30 {strides = array<i32>} : memref<1x8x128xf32, #tpu.memory_space<vmem>>, vector<1x8x128xf32>,
    return
  }
  func.func @transform_0(%arg0: i32) -> (i32, i32) {
    %c0_i32 = arith.constant 0 : i32
    %c0_i32_0 = arith.constant 0 : i32
    return %arg0, %c0_i32 : i32, i32
  }
  func.func @transform_1(%arg0: i32) -> (i32, i32) {
    %c0_i32 = arith.constant 0 : i32
    %c0_i32_0 = arith.constant 0 : i32
    return %arg0, %c0_i32 : i32, i32
  }
  func.func @transform_2(%arg0: i32) -> (i32, i32, i32) {
    %c0_i32 = arith.constant 0 : i32
    %c0_i32_0 = arith.constant 0 : i32
    %c0_i32_1 = arith.constant 0 : i32
    return %c0_i32, %arg0, %c0_i32_0 : i32, i32, i32
  }
  func.func @transform_3(%arg0: i32) -> (i32, i32) {
    %c0_i32 = arith.constant 0 : i32
    %c0_i32_0 = arith.constant 0 : i32
    %c0_i32_1 = arith.constant 0 : i32
    return %c0_i32, %c0_i32_0 : i32, i32
  }
  func.func @transform_4(%arg0: i32) -> (i32, i32) {
    %c0_i32 = arith.constant 0 : i32
    %c0_i32_0 = arith.constant 0 : i32
    %c0_i32_1 = arith.constant 0 : i32
    return %c0_i32, %c0_i32_0 : i32, i32
  }
  func.func @transform_5(%arg0: i32) -> (i32, i32) {
    %c0_i32 = arith.constant 0 : i32
    %c0_i32_0 = arith.constant 0 : i32
    return %arg0, %c0_i32 : i32, i32
  }
  func.func @transform_6(%arg0: i32) -> (i32, i32, i32) {
    %c0_i32 = arith.constant 0 : i32
    %c0_i32_0 = arith.constant 0 : i32
    %c0_i32_1 = arith.constant 0 : i32
    return %arg0, %c0_i32, %c0_i32_0 : i32, i32, i32
  }
}

module attributes {stable_mosaic.version = 14 : i64} {
  func.func @body(%arg0: i32, %arg1: memref<256x128xf32, #tpu.memory_space<vmem>>, %arg2: memref<256x128xf32, #tpu.memory_space<vmem>>, %arg3: memref<2x256x1xf32, #tpu.memory_space<vmem>>, %arg4: memref<128x128xf32, #tpu.memory_space<vmem>>, %arg5: memref<128x128xf32, #tpu.memory_space<vmem>>, %arg6: memref<1x128xf32, #tpu.memory_space<vmem>>, %arg7: memref<128x128xf32, #tpu.memory_space<vmem>>, %arg8: memref<1x128xf32, #tpu.memory_space<vmem>>, %arg9: memref<128x128xf32, #tpu.memory_space<vmem>>, %arg10: memref<256x128xf32, #tpu.memory_space<vmem>>) attributes {dimension_semantics = [#tpu.dimension_semantics<arbitrary>], iteration_bounds = array<i64: 80>, scalar_prefetch = 0 : i64, scratch_operands = 0 : i64, tpu.core_type = #tpu.core_type<tc>, window_params = [{transform_indices = @transform_0, window_bounds = array<i64: 256, 128>}, {transform_indices = @transform_1, window_bounds = array<i64: 256, 128>}, {transform_indices = @transform_2, window_bounds = array<i64: 2, 256, 1>}, {pipeline_mode = #tpu.pipeline_mode<synchronous>, transform_indices = @transform_3, window_bounds = array<i64: 128, 128>}, {pipeline_mode = #tpu.pipeline_mode<synchronous>, transform_indices = @transform_4, window_bounds = array<i64: 128, 128>}, {pipeline_mode = #tpu.pipeline_mode<synchronous>, transform_indices = @transform_5, window_bounds = array<i64: 1, 128>}, {pipeline_mode = #tpu.pipeline_mode<synchronous>, transform_indices = @transform_6, window_bounds = array<i64: 128, 128>}, {pipeline_mode = #tpu.pipeline_mode<synchronous>, transform_indices = @transform_7, window_bounds = array<i64: 1, 128>}, {pipeline_mode = #tpu.pipeline_mode<synchronous>, transform_indices = @transform_8, window_bounds = array<i64: 128, 128>}, {transform_indices = @transform_9, window_bounds = array<i64: 256, 128>}]} {
    %get3A = arith.constant 0 : index
    %get3A_0 = arith.constant 0 : index
    %get3A_1 = vector.load %arg1[%get3A, %get3A_0] : memref<256x128xf32, #tpu.memory_space<vmem>>, vector<256x128xf32>
    %get3A_2 = arith.constant 0 : index
    %get3A_3 = arith.constant 0 : index
    %get3A_4 = vector.load %arg4[%get3A_2, %get3A_3] : memref<128x128xf32, #tpu.memory_space<vmem>>, vector<128x128xf32>
    %dot_general3A = arith.constant dense<0.000000e+00> : vector<256x128xf32>
    %dot_general3A_5 = tpu.matmul %get3A_1, %get3A_4, %dot_general3A {dimension_numbers = #tpu.dot_dimension_numbers<[1], [0], [0], [1], [0, 0, 1, 1], [], []>, transpose_lhs_hint = false} : vector<256x128xf32>, vector<128x128xf32>, vector<256x128xf32> -> vector<256x128xf32>
    %get3A_6 = arith.constant 0 : index
    %get3A_7 = arith.constant 0 : index
    %get3A_8 = vector.load %arg2[%get3A_6, %get3A_7] : memref<256x128xf32, #tpu.memory_space<vmem>>, vector<256x128xf32>
    %get3A_9 = arith.constant 0 : index
    %get3A_10 = arith.constant 0 : index
    %get3A_11 = vector.load %arg5[%get3A_9, %get3A_10] : memref<128x128xf32, #tpu.memory_space<vmem>>, vector<128x128xf32>
    %dot_general3A_12 = arith.constant dense<0.000000e+00> : vector<256x128xf32>
    %dot_general3A_13 = tpu.matmul %get3A_8, %get3A_11, %dot_general3A_12 {dimension_numbers = #tpu.dot_dimension_numbers<[1], [0], [0], [1], [0, 0, 1, 1], [], []>, transpose_lhs_hint = false} : vector<256x128xf32>, vector<128x128xf32>, vector<256x128xf32> -> vector<256x128xf32>
    %add3A = arith.addf %dot_general3A_5, %dot_general3A_13 : vector<256x128xf32>
    %get3A_14 = arith.constant 0 : index
    %get3A_15 = arith.constant 0 : index
    %get3A_16 = vector.load %arg6[%get3A_14, %get3A_15] : memref<1x128xf32, #tpu.memory_space<vmem>>, vector<1x128xf32>
    %add3A_17 = vector.broadcast %get3A_16 : vector<1x128xf32> to vector<256x128xf32>
    %add3A_18 = arith.addf %add3A, %add3A_17 : vector<256x128xf32>
    %max3A = arith.constant 0.000000e+00 : f32
    %max3A_19 = vector.broadcast %max3A : f32 to vector<256x128xf32>
    %max3A_20 = arith.maximumf %add3A_18, %max3A_19 : vector<256x128xf32>
    %get3A_21 = arith.constant 0 : index
    %get3A_22 = arith.constant 0 : index
    %get3A_23 = vector.load %arg7[%get3A_21, %get3A_22] : memref<128x128xf32, #tpu.memory_space<vmem>>, vector<128x128xf32>
    %dot_general3A_24 = arith.constant dense<0.000000e+00> : vector<256x128xf32>
    %dot_general3A_25 = tpu.matmul %max3A_20, %get3A_23, %dot_general3A_24 {dimension_numbers = #tpu.dot_dimension_numbers<[1], [0], [0], [1], [0, 0, 1, 1], [], []>, transpose_lhs_hint = false} : vector<256x128xf32>, vector<128x128xf32>, vector<256x128xf32> -> vector<256x128xf32>
    %get3A_26 = arith.constant 0 : index
    %get3A_27 = arith.constant 0 : index
    %get3A_28 = vector.load %arg8[%get3A_26, %get3A_27] : memref<1x128xf32, #tpu.memory_space<vmem>>, vector<1x128xf32>
    %add3A_29 = vector.broadcast %get3A_28 : vector<1x128xf32> to vector<256x128xf32>
    %add3A_30 = arith.addf %dot_general3A_25, %add3A_29 : vector<256x128xf32>
    %get3A_31 = arith.constant 0 : index
    %get3A_32 = arith.constant 0 : index
    %get3A_33 = arith.constant 0 : index
    %get3A_34 = vector.load %arg3[%get3A_31, %get3A_32, %get3A_33] : memref<2x256x1xf32, #tpu.memory_space<vmem>>, vector<2x256x1xf32>
    %slice3A = vector.extract_strided_slice %get3A_34 {offsets = [0, 0, 0], sizes = [1, 256, 1], strides = [1, 1, 1]} : vector<2x256x1xf32> to vector<1x256x1xf32>
    %squeeze3A = vector.shape_cast %slice3A : vector<1x256x1xf32> to vector<256x1xf32>
    %slice3A_35 = vector.extract_strided_slice %get3A_34 {offsets = [1, 0, 0], sizes = [1, 256, 1], strides = [1, 1, 1]} : vector<2x256x1xf32> to vector<1x256x1xf32>
    %squeeze3A_36 = vector.shape_cast %slice3A_35 : vector<1x256x1xf32> to vector<256x1xf32>
    %add3A_37 = arith.addf %squeeze3A, %squeeze3A_36 : vector<256x1xf32>
    %add3A_38 = arith.constant 1.000000e+00 : f32
    %add3A_39 = vector.broadcast %add3A_38 : f32 to vector<256x1xf32>
    %add3A_40 = arith.addf %add3A_37, %add3A_39 : vector<256x1xf32>
    %rsqrt3A = math.rsqrt %add3A_40 : vector<256x1xf32>
    %get3A_41 = arith.constant 0 : index
    %get3A_42 = arith.constant 0 : index
    %get3A_43 = vector.load %arg9[%get3A_41, %get3A_42] : memref<128x128xf32, #tpu.memory_space<vmem>>, vector<128x128xf32>
    %dot_general3A_44 = arith.constant dense<0.000000e+00> : vector<256x128xf32>
    %dot_general3A_45 = tpu.matmul %add3A_30, %get3A_43, %dot_general3A_44 {dimension_numbers = #tpu.dot_dimension_numbers<[1], [0], [0], [1], [0, 0, 1, 1], [], []>, transpose_lhs_hint = false} : vector<256x128xf32>, vector<128x128xf32>, vector<256x128xf32> -> vector<256x128xf32>
    %mul3A = vector.broadcast %rsqrt3A : vector<256x1xf32> to vector<256x128xf32>
    %mul3A_46 = arith.mulf %mul3A, %dot_general3A_45 : vector<256x128xf32>
    %swap3A = arith.constant 0 : index
    %swap3A_47 = arith.constant 0 : index
    %swap3A_48 = vector.load %arg10[%swap3A, %swap3A_47] : memref<256x128xf32, #tpu.memory_space<vmem>>, vector<256x128xf32>
    tpu.vector_store %arg10[%swap3A, %swap3A_47], %mul3A_46 {strides = array<i32>} : memref<256x128xf32, #tpu.memory_space<vmem>>, vector<256x128xf32>,
    return
  }
  func.func @transform_0(%arg0: i32) -> (i32, i32) {
    %c0_i32 = arith.constant 0 : i32
    %c0_i32_0 = arith.constant 0 : i32
    return %arg0, %c0_i32 : i32, i32
  }
  func.func @transform_1(%arg0: i32) -> (i32, i32) {
    %c0_i32 = arith.constant 0 : i32
    %c0_i32_0 = arith.constant 0 : i32
    return %arg0, %c0_i32 : i32, i32
  }
  func.func @transform_2(%arg0: i32) -> (i32, i32, i32) {
    %c0_i32 = arith.constant 0 : i32
    %c0_i32_0 = arith.constant 0 : i32
    %c0_i32_1 = arith.constant 0 : i32
    return %c0_i32, %arg0, %c0_i32_0 : i32, i32, i32
  }
  func.func @transform_3(%arg0: i32) -> (i32, i32) {
    %c0_i32 = arith.constant 0 : i32
    %c0_i32_0 = arith.constant 0 : i32
    %c0_i32_1 = arith.constant 0 : i32
    return %c0_i32, %c0_i32_0 : i32, i32
  }
  func.func @transform_4(%arg0: i32) -> (i32, i32) {
    %c0_i32 = arith.constant 0 : i32
    %c0_i32_0 = arith.constant 0 : i32
    %c0_i32_1 = arith.constant 0 : i32
    return %c0_i32, %c0_i32_0 : i32, i32
  }
  func.func @transform_5(%arg0: i32) -> (i32, i32) {
    %c0_i32 = arith.constant 0 : i32
    %c0_i32_0 = arith.constant 0 : i32
    %c0_i32_1 = arith.constant 0 : i32
    return %c0_i32, %c0_i32_0 : i32, i32
  }
  func.func @transform_6(%arg0: i32) -> (i32, i32) {
    %c0_i32 = arith.constant 0 : i32
    %c0_i32_0 = arith.constant 0 : i32
    %c0_i32_1 = arith.constant 0 : i32
    return %c0_i32, %c0_i32_0 : i32, i32
  }
  func.func @transform_7(%arg0: i32) -> (i32, i32) {
    %c0_i32 = arith.constant 0 : i32
    %c0_i32_0 = arith.constant 0 : i32
    %c0_i32_1 = arith.constant 0 : i32
    return %c0_i32, %c0_i32_0 : i32, i32
  }
  func.func @transform_8(%arg0: i32) -> (i32, i32) {
    %c0_i32 = arith.constant 0 : i32
    %c0_i32_0 = arith.constant 0 : i32
    %c0_i32_1 = arith.constant 0 : i32
    return %c0_i32, %c0_i32_0 : i32, i32
  }
  func.func @transform_9(%arg0: i32) -> (i32, i32) {
    %c0_i32 = arith.constant 0 : i32
    %c0_i32_0 = arith.constant 0 : i32
    return %arg0, %c0_i32 : i32, i32
  }
}

module attributes {stable_mosaic.version = 14 : i64} {
  func.func @body(%arg0: i32, %arg1: memref<256x128xf32, #tpu.memory_space<vmem>>, %arg2: memref<256x128xf32, #tpu.memory_space<vmem>>, %arg3: memref<2x256x1xf32, #tpu.memory_space<vmem>>, %arg4: memref<1x128xf32, #tpu.memory_space<vmem>>, %arg5: memref<128x128xf32, #tpu.memory_space<vmem>>, %arg6: memref<256x128xf32, #tpu.memory_space<vmem>>) attributes {dimension_semantics = [#tpu.dimension_semantics<arbitrary>], iteration_bounds = array<i64: 80>, scalar_prefetch = 0 : i64, scratch_operands = 0 : i64, tpu.core_type = #tpu.core_type<tc>, window_params = [{transform_indices = @transform_0, window_bounds = array<i64: 256, 128>}, {transform_indices = @transform_1, window_bounds = array<i64: 256, 128>}, {transform_indices = @transform_2, window_bounds = array<i64: 2, 256, 1>}, {pipeline_mode = #tpu.pipeline_mode<synchronous>, transform_indices = @transform_3, window_bounds = array<i64: 1, 128>}, {pipeline_mode = #tpu.pipeline_mode<synchronous>, transform_indices = @transform_4, window_bounds = array<i64: 128, 128>}, {transform_indices = @transform_5, window_bounds = array<i64: 256, 128>}]} {
    %get3A = arith.constant 0 : index
    %get3A_0 = arith.constant 0 : index
    %get3A_1 = arith.constant 0 : index
    %get3A_2 = vector.load %arg3[%get3A, %get3A_0, %get3A_1] : memref<2x256x1xf32, #tpu.memory_space<vmem>>, vector<2x256x1xf32>
    %slice3A = vector.extract_strided_slice %get3A_2 {offsets = [0, 0, 0], sizes = [1, 256, 1], strides = [1, 1, 1]} : vector<2x256x1xf32> to vector<1x256x1xf32>
    %squeeze3A = vector.shape_cast %slice3A : vector<1x256x1xf32> to vector<256x1xf32>
    %slice3A_3 = vector.extract_strided_slice %get3A_2 {offsets = [1, 0, 0], sizes = [1, 256, 1], strides = [1, 1, 1]} : vector<2x256x1xf32> to vector<1x256x1xf32>
    %squeeze3A_4 = vector.shape_cast %slice3A_3 : vector<1x256x1xf32> to vector<256x1xf32>
    %add3A = arith.addf %squeeze3A, %squeeze3A_4 : vector<256x1xf32>
    %add3A_5 = arith.constant 1.000000e+00 : f32
    %add3A_6 = vector.broadcast %add3A_5 : f32 to vector<256x1xf32>
    %add3A_7 = arith.addf %add3A, %add3A_6 : vector<256x1xf32>
    %rsqrt3A = math.rsqrt %add3A_7 : vector<256x1xf32>
    %get3A_8 = arith.constant 0 : index
    %get3A_9 = arith.constant 0 : index
    %get3A_10 = vector.load %arg1[%get3A_8, %get3A_9] : memref<256x128xf32, #tpu.memory_space<vmem>>, vector<256x128xf32>
    %get3A_11 = arith.constant 0 : index
    %get3A_12 = arith.constant 0 : index
    %get3A_13 = vector.load %arg2[%get3A_11, %get3A_12] : memref<256x128xf32, #tpu.memory_space<vmem>>, vector<256x128xf32>
    %add3A_14 = arith.addf %get3A_10, %get3A_13 : vector<256x128xf32>
    %mul3A = vector.broadcast %rsqrt3A : vector<256x1xf32> to vector<256x128xf32>
    %mul3A_15 = arith.mulf %mul3A, %add3A_14 : vector<256x128xf32>
    %get3A_16 = arith.constant 0 : index
    %get3A_17 = arith.constant 0 : index
    %get3A_18 = vector.load %arg4[%get3A_16, %get3A_17] : memref<1x128xf32, #tpu.memory_space<vmem>>, vector<1x128xf32>
    %add3A_19 = vector.broadcast %get3A_18 : vector<1x128xf32> to vector<256x128xf32>
    %add3A_20 = arith.addf %mul3A_15, %add3A_19 : vector<256x128xf32>
    %max3A = arith.constant 0.000000e+00 : f32
    %max3A_21 = vector.broadcast %max3A : f32 to vector<256x128xf32>
    %max3A_22 = arith.maximumf %add3A_20, %max3A_21 : vector<256x128xf32>
    %get3A_23 = arith.constant 0 : index
    %get3A_24 = arith.constant 0 : index
    %get3A_25 = vector.load %arg5[%get3A_23, %get3A_24] : memref<128x128xf32, #tpu.memory_space<vmem>>, vector<128x128xf32>
    %dot_general3A = arith.constant dense<0.000000e+00> : vector<256x128xf32>
    %dot_general3A_26 = tpu.matmul %max3A_22, %get3A_25, %dot_general3A {dimension_numbers = #tpu.dot_dimension_numbers<[1], [0], [0], [1], [0, 0, 1, 1], [], []>, transpose_lhs_hint = false} : vector<256x128xf32>, vector<128x128xf32>, vector<256x128xf32> -> vector<256x128xf32>
    %mul3A_27 = vector.broadcast %rsqrt3A : vector<256x1xf32> to vector<256x128xf32>
    %mul3A_28 = arith.mulf %mul3A_27, %dot_general3A_26 : vector<256x128xf32>
    %swap3A = arith.constant 0 : index
    %swap3A_29 = arith.constant 0 : index
    %swap3A_30 = vector.load %arg6[%swap3A, %swap3A_29] : memref<256x128xf32, #tpu.memory_space<vmem>>, vector<256x128xf32>
    tpu.vector_store %arg6[%swap3A, %swap3A_29], %mul3A_28 {strides = array<i32>} : memref<256x128xf32, #tpu.memory_space<vmem>>, vector<256x128xf32>,
    return
  }
  func.func @transform_0(%arg0: i32) -> (i32, i32) {
    %c0_i32 = arith.constant 0 : i32
    %c0_i32_0 = arith.constant 0 : i32
    return %arg0, %c0_i32 : i32, i32
  }
  func.func @transform_1(%arg0: i32) -> (i32, i32) {
    %c0_i32 = arith.constant 0 : i32
    %c0_i32_0 = arith.constant 0 : i32
    return %arg0, %c0_i32 : i32, i32
  }
  func.func @transform_2(%arg0: i32) -> (i32, i32, i32) {
    %c0_i32 = arith.constant 0 : i32
    %c0_i32_0 = arith.constant 0 : i32
    %c0_i32_1 = arith.constant 0 : i32
    return %c0_i32, %arg0, %c0_i32_0 : i32, i32, i32
  }
  func.func @transform_3(%arg0: i32) -> (i32, i32) {
    %c0_i32 = arith.constant 0 : i32
    %c0_i32_0 = arith.constant 0 : i32
    %c0_i32_1 = arith.constant 0 : i32
    return %c0_i32, %c0_i32_0 : i32, i32
  }
  func.func @transform_4(%arg0: i32) -> (i32, i32) {
    %c0_i32 = arith.constant 0 : i32
    %c0_i32_0 = arith.constant 0 : i32
    %c0_i32_1 = arith.constant 0 : i32
    return %c0_i32, %c0_i32_0 : i32, i32
  }
  func.func @transform_5(%arg0: i32) -> (i32, i32) {
    %c0_i32 = arith.constant 0 : i32
    %c0_i32_0 = arith.constant 0 : i32
    return %arg0, %c0_i32 : i32, i32
  }
}

module attributes {stable_mosaic.version = 14 : i64} {
  func.func @body(%arg0: i32, %arg1: memref<1280x128xf32, #tpu.memory_space<vmem>>, %arg2: memref<1280x128xf32, #tpu.memory_space<vmem>>, %arg3: memref<2x1280x1xf32, #tpu.memory_space<vmem>>, %arg4: memref<1x128xf32, #tpu.memory_space<vmem>>, %arg5: memref<16x1xi32, #tpu.memory_space<smem>>, %arg6: memref<1x8x128xf32, #tpu.memory_space<vmem>>) attributes {dimension_semantics = [#tpu.dimension_semantics<arbitrary>], iteration_bounds = array<i64: 16>, scalar_prefetch = 0 : i64, scratch_operands = 0 : i64, tpu.core_type = #tpu.core_type<tc>, window_params = [{transform_indices = @transform_0, window_bounds = array<i64: 1280, 128>}, {transform_indices = @transform_1, window_bounds = array<i64: 1280, 128>}, {transform_indices = @transform_2, window_bounds = array<i64: 2, 1280, 1>}, {pipeline_mode = #tpu.pipeline_mode<synchronous>, transform_indices = @transform_3, window_bounds = array<i64: 1, 128>}, {transform_indices = @transform_4, window_bounds = array<i64: 16, 1>}, {transform_indices = @transform_5, window_bounds = array<i64: 1, 8, 128>}]} {
    %get3A = arith.constant 0 : index
    %get3A_0 = arith.constant 0 : index
    %get3A_1 = arith.constant 0 : index
    %get3A_2 = vector.load %arg3[%get3A, %get3A_0, %get3A_1] : memref<2x1280x1xf32, #tpu.memory_space<vmem>>, vector<2x1280x1xf32>
    %slice3A = vector.extract_strided_slice %get3A_2 {offsets = [0, 0, 0], sizes = [1, 1280, 1], strides = [1, 1, 1]} : vector<2x1280x1xf32> to vector<1x1280x1xf32>
    %squeeze3A = vector.shape_cast %slice3A : vector<1x1280x1xf32> to vector<1280x1xf32>
    %slice3A_3 = vector.extract_strided_slice %get3A_2 {offsets = [1, 0, 0], sizes = [1, 1280, 1], strides = [1, 1, 1]} : vector<2x1280x1xf32> to vector<1x1280x1xf32>
    %squeeze3A_4 = vector.shape_cast %slice3A_3 : vector<1x1280x1xf32> to vector<1280x1xf32>
    %add3A = arith.addf %squeeze3A, %squeeze3A_4 : vector<1280x1xf32>
    %add3A_5 = arith.constant 1.000000e+00 : f32
    %add3A_6 = vector.broadcast %add3A_5 : f32 to vector<1280x1xf32>
    %add3A_7 = arith.addf %add3A, %add3A_6 : vector<1280x1xf32>
    %rsqrt3A = math.rsqrt %add3A_7 : vector<1280x1xf32>
    %get3A_8 = arith.constant 0 : index
    %get3A_9 = arith.constant 0 : index
    %get3A_10 = vector.load %arg1[%get3A_8, %get3A_9] : memref<1280x128xf32, #tpu.memory_space<vmem>>, vector<1280x128xf32>
    %get3A_11 = arith.constant 0 : index
    %get3A_12 = arith.constant 0 : index
    %get3A_13 = vector.load %arg2[%get3A_11, %get3A_12] : memref<1280x128xf32, #tpu.memory_space<vmem>>, vector<1280x128xf32>
    %add3A_14 = arith.addf %get3A_10, %get3A_13 : vector<1280x128xf32>
    %mul3A = vector.broadcast %rsqrt3A : vector<1280x1xf32> to vector<1280x128xf32>
    %mul3A_15 = arith.mulf %mul3A, %add3A_14 : vector<1280x128xf32>
    %get3A_16 = arith.constant 0 : index
    %get3A_17 = arith.constant 0 : index
    %get3A_18 = vector.load %arg4[%get3A_16, %get3A_17] : memref<1x128xf32, #tpu.memory_space<vmem>>, vector<1x128xf32>
    %add3A_19 = vector.broadcast %get3A_18 : vector<1x128xf32> to vector<1280x128xf32>
    %add3A_20 = arith.addf %mul3A_15, %add3A_19 : vector<1280x128xf32>
    %get3A_21 = arith.index_cast %arg0 : i32 to index
    %get3A_22 = arith.constant 0 : index
    %get3A_23 = memref.load %arg5[%get3A_21, %get3A_22] : memref<16x1xi32, #tpu.memory_space<smem>>
    %iota3A = tpu.iota {dimensions = array<i32: 0>} : vector<1280x1xi32>
    %eq3A = vector.broadcast %get3A_23 : i32 to vector<1280x1xi32>
    %eq3A_24 = arith.cmpi eq, %iota3A, %eq3A : vector<1280x1xi32>
    %jit3A = arith.constant 0.000000e+00 : f32
    %broadcast_in_dim3A = vector.shape_cast %eq3A_24 : vector<1280x1xi1> to vector<1280x1xi1>
    %broadcast_in_dim3A_25 = vector.broadcast %broadcast_in_dim3A : vector<1280x1xi1> to vector<1280x128xi1>
    %broadcast_in_dim3A_26 = vector.broadcast %jit3A : f32 to vector<1280x128xf32>
    %select_n3A = arith.select %broadcast_in_dim3A_25, %add3A_20, %broadcast_in_dim3A_26 : vector<1280x128xi1>, vector<1280x128xf32>
    %reduce_sum3A = arith.constant dense<0.000000e+00> : vector<128xf32>
    %reduce_sum3A_27 = vector.multi_reduction <add>, %select_n3A, %reduce_sum3A [0] : vector<1280x128xf32> to vector<128xf32>
    %broadcast_in_dim3A_28 = vector.shape_cast %reduce_sum3A_27 : vector<128xf32> to vector<1x128xf32>
    %reshape3A = vector.shape_cast %broadcast_in_dim3A_28 : vector<1x128xf32> to vector<1x1x128xf32>
    %broadcast_in_dim3A_29 = vector.shape_cast %reshape3A : vector<1x1x128xf32> to vector<1x1x128xf32>
    %broadcast_in_dim3A_30 = vector.broadcast %broadcast_in_dim3A_29 : vector<1x1x128xf32> to vector<1x8x128xf32>
    %swap3A = arith.constant 0 : index
    %swap3A_31 = arith.constant 0 : index
    %swap3A_32 = arith.constant 0 : index
    %swap3A_33 = vector.load %arg6[%swap3A, %swap3A_31, %swap3A_32] : memref<1x8x128xf32, #tpu.memory_space<vmem>>, vector<1x8x128xf32>
    tpu.vector_store %arg6[%swap3A, %swap3A_31, %swap3A_32], %broadcast_in_dim3A_30 {strides = array<i32>} : memref<1x8x128xf32, #tpu.memory_space<vmem>>, vector<1x8x128xf32>,
    return
  }
  func.func @transform_0(%arg0: i32) -> (i32, i32) {
    %c0_i32 = arith.constant 0 : i32
    %c0_i32_0 = arith.constant 0 : i32
    return %arg0, %c0_i32 : i32, i32
  }
  func.func @transform_1(%arg0: i32) -> (i32, i32) {
    %c0_i32 = arith.constant 0 : i32
    %c0_i32_0 = arith.constant 0 : i32
    return %arg0, %c0_i32 : i32, i32
  }
  func.func @transform_2(%arg0: i32) -> (i32, i32, i32) {
    %c0_i32 = arith.constant 0 : i32
    %c0_i32_0 = arith.constant 0 : i32
    %c0_i32_1 = arith.constant 0 : i32
    return %c0_i32, %arg0, %c0_i32_0 : i32, i32, i32
  }
  func.func @transform_3(%arg0: i32) -> (i32, i32) {
    %c0_i32 = arith.constant 0 : i32
    %c0_i32_0 = arith.constant 0 : i32
    %c0_i32_1 = arith.constant 0 : i32
    return %c0_i32, %c0_i32_0 : i32, i32
  }
  func.func @transform_4(%arg0: i32) -> (i32, i32) {
    %c0_i32 = arith.constant 0 : i32
    %c0_i32_0 = arith.constant 0 : i32
    %c0_i32_1 = arith.constant 0 : i32
    return %c0_i32, %c0_i32_0 : i32, i32
  }
  func.func @transform_5(%arg0: i32) -> (i32, i32, i32) {
    %c0_i32 = arith.constant 0 : i32
    %c0_i32_0 = arith.constant 0 : i32
    %c0_i32_1 = arith.constant 0 : i32
    return %arg0, %c0_i32, %c0_i32_0 : i32, i32, i32
  }
}

module attributes {stable_mosaic.version = 14 : i64} {
  func.func @body(%arg0: memref<8x128xf32, #tpu.memory_space<vmem>>, %arg1: memref<16x128xf32, #tpu.memory_space<vmem>>, %arg2: memref<128x128xf32, #tpu.memory_space<vmem>>, %arg3: memref<1x128xf32, #tpu.memory_space<vmem>>, %arg4: memref<128x1xf32, #tpu.memory_space<vmem>>, %arg5: memref<1x1xf32, #tpu.memory_space<vmem>>, %arg6: memref<128x128xf32, #tpu.memory_space<vmem>>, %arg7: memref<1x128xf32, #tpu.memory_space<vmem>>, %arg8: memref<128x1xf32, #tpu.memory_space<vmem>>, %arg9: memref<1x1xf32, #tpu.memory_space<vmem>>, %arg10: memref<8x1xf32, #tpu.memory_space<vmem>>, %arg11: memref<8x1xf32, #tpu.memory_space<vmem>>, %arg12: memref<8x1xf32, #tpu.memory_space<vmem>>, %arg13: memref<8x1xf32, #tpu.memory_space<vmem>>) attributes {dimension_semantics = [], scalar_prefetch = 0 : i64, scratch_operands = 0 : i64, tpu.core_type = #tpu.core_type<tc>} {
    %get3A = arith.constant 0 : index
    %get3A_0 = arith.constant 0 : index
    %get3A_1 = vector.load %arg0[%get3A, %get3A_0] : memref<8x128xf32, #tpu.memory_space<vmem>>, vector<8x128xf32>
    %get3A_2 = arith.constant 0 : index
    %get3A_3 = arith.constant 0 : index
    %get3A_4 = vector.load %arg1[%get3A_2, %get3A_3] : memref<16x128xf32, #tpu.memory_space<vmem>>, vector<8x128xf32>
    %get3A_5 = arith.constant 8 : index
    %get3A_6 = arith.constant 0 : index
    %get3A_7 = vector.load %arg1[%get3A_5, %get3A_6] : memref<16x128xf32, #tpu.memory_space<vmem>>, vector<8x128xf32>
    %get3A_8 = arith.constant 0 : index
    %get3A_9 = arith.constant 0 : index
    %get3A_10 = vector.load %arg2[%get3A_8, %get3A_9] : memref<128x128xf32, #tpu.memory_space<vmem>>, vector<128x128xf32>
    %dot_general3A = arith.constant dense<0.000000e+00> : vector<8x128xf32>
    %dot_general3A_11 = tpu.matmul %get3A_1, %get3A_10, %dot_general3A {dimension_numbers = #tpu.dot_dimension_numbers<[1], [0], [0], [1], [0, 0, 1, 1], [], []>, transpose_lhs_hint = false} : vector<8x128xf32>, vector<128x128xf32>, vector<8x128xf32> -> vector<8x128xf32>
    %get3A_12 = arith.constant 0 : index
    %get3A_13 = arith.constant 0 : index
    %get3A_14 = vector.load %arg3[%get3A_12, %get3A_13] : memref<1x128xf32, #tpu.memory_space<vmem>>, vector<1x128xf32>
    %add3A = vector.broadcast %get3A_14 : vector<1x128xf32> to vector<8x128xf32>
    %add3A_15 = arith.addf %dot_general3A_11, %add3A : vector<8x128xf32>
    %max3A = arith.constant 0.000000e+00 : f32
    %max3A_16 = vector.broadcast %max3A : f32 to vector<8x128xf32>
    %max3A_17 = arith.maximumf %add3A_15, %max3A_16 : vector<8x128xf32>
    %get3A_18 = arith.constant 0 : index
    %get3A_19 = arith.constant 0 : index
    %get3A_20 = vector.load %arg4[%get3A_18, %get3A_19] : memref<128x1xf32, #tpu.memory_space<vmem>>, vector<128x1xf32>
    %dot_general3A_21 = arith.constant dense<0.000000e+00> : vector<8x1xf32>
    %dot_general3A_22 = tpu.matmul %max3A_17, %get3A_20, %dot_general3A_21 {dimension_numbers = #tpu.dot_dimension_numbers<[1], [0], [0], [1], [0, 0, 1, 1], [], []>, transpose_lhs_hint = false} : vector<8x128xf32>, vector<128x1xf32>, vector<8x1xf32> -> vector<8x1xf32>
    %get3A_23 = arith.constant 0 : index
    %get3A_24 = arith.constant 0 : index
    %get3A_25 = vector.load %arg5[%get3A_23, %get3A_24] : memref<1x1xf32, #tpu.memory_space<vmem>>, vector<1x1xf32>
    %add3A_26 = vector.broadcast %get3A_25 : vector<1x1xf32> to vector<8x1xf32>
    %add3A_27 = arith.addf %dot_general3A_22, %add3A_26 : vector<8x1xf32>
    %neg3A = arith.constant 0.000000e+00 : f32
    %neg3A_28 = vector.broadcast %neg3A : f32 to vector<8x1xf32>
    %neg3A_29 = arith.subf %neg3A_28, %add3A_27 : vector<8x1xf32>
    %exp3A = math.exp %neg3A_29 : vector<8x1xf32>
    %add3A_30 = arith.constant 1.000000e+00 : f32
    %add3A_31 = vector.broadcast %add3A_30 : f32 to vector<8x1xf32>
    %add3A_32 = arith.addf %add3A_31, %exp3A : vector<8x1xf32>
    %div3A = arith.constant 1.000000e+00 : f32
    %div3A_33 = vector.broadcast %div3A : f32 to vector<8x1xf32>
    %div3A_34 = arith.divf %div3A_33, %add3A_32 : vector<8x1xf32>
    %swap3A = arith.constant 0 : index
    %swap3A_35 = arith.constant 0 : index
    %swap3A_36 = vector.load %arg10[%swap3A, %swap3A_35] : memref<8x1xf32, #tpu.memory_space<vmem>>, vector<8x1xf32>
    tpu.vector_store %arg10[%swap3A, %swap3A_35], %div3A_34 {strides = array<i32>} : memref<8x1xf32, #tpu.memory_space<vmem>>, vector<8x1xf32>,
    %get3A_37 = arith.constant 0 : index
    %get3A_38 = arith.constant 0 : index
    %get3A_39 = vector.load %arg6[%get3A_37, %get3A_38] : memref<128x128xf32, #tpu.memory_space<vmem>>, vector<128x128xf32>
    %dot_general3A_40 = arith.constant dense<0.000000e+00> : vector<8x128xf32>
    %dot_general3A_41 = tpu.matmul %get3A_1, %get3A_39, %dot_general3A_40 {dimension_numbers = #tpu.dot_dimension_numbers<[1], [0], [0], [1], [0, 0, 1, 1], [], []>, transpose_lhs_hint = false} : vector<8x128xf32>, vector<128x128xf32>, vector<8x128xf32> -> vector<8x128xf32>
    %get3A_42 = arith.constant 0 : index
    %get3A_43 = arith.constant 0 : index
    %get3A_44 = vector.load %arg7[%get3A_42, %get3A_43] : memref<1x128xf32, #tpu.memory_space<vmem>>, vector<1x128xf32>
    %add3A_45 = vector.broadcast %get3A_44 : vector<1x128xf32> to vector<8x128xf32>
    %add3A_46 = arith.addf %dot_general3A_41, %add3A_45 : vector<8x128xf32>
    %max3A_47 = arith.constant 0.000000e+00 : f32
    %max3A_48 = vector.broadcast %max3A_47 : f32 to vector<8x128xf32>
    %max3A_49 = arith.maximumf %add3A_46, %max3A_48 : vector<8x128xf32>
    %get3A_50 = arith.constant 0 : index
    %get3A_51 = arith.constant 0 : index
    %get3A_52 = vector.load %arg8[%get3A_50, %get3A_51] : memref<128x1xf32, #tpu.memory_space<vmem>>, vector<128x1xf32>
    %dot_general3A_53 = arith.constant dense<0.000000e+00> : vector<8x1xf32>
    %dot_general3A_54 = tpu.matmul %max3A_49, %get3A_52, %dot_general3A_53 {dimension_numbers = #tpu.dot_dimension_numbers<[1], [0], [0], [1], [0, 0, 1, 1], [], []>, transpose_lhs_hint = false} : vector<8x128xf32>, vector<128x1xf32>, vector<8x1xf32> -> vector<8x1xf32>
    %get3A_55 = arith.constant 0 : index
    %get3A_56 = arith.constant 0 : index
    %get3A_57 = vector.load %arg9[%get3A_55, %get3A_56] : memref<1x1xf32, #tpu.memory_space<vmem>>, vector<1x1xf32>
    %add3A_58 = vector.broadcast %get3A_57 : vector<1x1xf32> to vector<8x1xf32>
    %add3A_59 = arith.addf %dot_general3A_54, %add3A_58 : vector<8x1xf32>
    %neg3A_60 = arith.constant 0.000000e+00 : f32
    %neg3A_61 = vector.broadcast %neg3A_60 : f32 to vector<8x1xf32>
    %neg3A_62 = arith.subf %neg3A_61, %add3A_59 : vector<8x1xf32>
    %exp3A_63 = math.exp %neg3A_62 : vector<8x1xf32>
    %add3A_64 = arith.constant 1.000000e+00 : f32
    %add3A_65 = vector.broadcast %add3A_64 : f32 to vector<8x1xf32>
    %add3A_66 = arith.addf %add3A_65, %exp3A_63 : vector<8x1xf32>
    %div3A_67 = arith.constant 1.000000e+00 : f32
    %div3A_68 = vector.broadcast %div3A_67 : f32 to vector<8x1xf32>
    %div3A_69 = arith.divf %div3A_68, %add3A_66 : vector<8x1xf32>
    %swap3A_70 = arith.constant 0 : index
    %swap3A_71 = arith.constant 0 : index
    %swap3A_72 = vector.load %arg11[%swap3A_70, %swap3A_71] : memref<8x1xf32, #tpu.memory_space<vmem>>, vector<8x1xf32>
    tpu.vector_store %arg11[%swap3A_70, %swap3A_71], %div3A_69 {strides = array<i32>} : memref<8x1xf32, #tpu.memory_space<vmem>>, vector<8x1xf32>,
    %get3A_73 = arith.constant 0 : index
    %get3A_74 = arith.constant 0 : index
    %get3A_75 = vector.load %arg2[%get3A_73, %get3A_74] : memref<128x128xf32, #tpu.memory_space<vmem>>, vector<128x128xf32>
    %dot_general3A_76 = arith.constant dense<0.000000e+00> : vector<8x128xf32>
    %dot_general3A_77 = tpu.matmul %get3A_4, %get3A_75, %dot_general3A_76 {dimension_numbers = #tpu.dot_dimension_numbers<[1], [0], [0], [1], [0, 0, 1, 1], [], []>, transpose_lhs_hint = false} : vector<8x128xf32>, vector<128x128xf32>, vector<8x128xf32> -> vector<8x128xf32>
    %get3A_78 = arith.constant 0 : index
    %get3A_79 = arith.constant 0 : index
    %get3A_80 = vector.load %arg3[%get3A_78, %get3A_79] : memref<1x128xf32, #tpu.memory_space<vmem>>, vector<1x128xf32>
    %add3A_81 = vector.broadcast %get3A_80 : vector<1x128xf32> to vector<8x128xf32>
    %add3A_82 = arith.addf %dot_general3A_77, %add3A_81 : vector<8x128xf32>
    %max3A_83 = arith.constant 0.000000e+00 : f32
    %max3A_84 = vector.broadcast %max3A_83 : f32 to vector<8x128xf32>
    %max3A_85 = arith.maximumf %add3A_82, %max3A_84 : vector<8x128xf32>
    %get3A_86 = arith.constant 0 : index
    %get3A_87 = arith.constant 0 : index
    %get3A_88 = vector.load %arg4[%get3A_86, %get3A_87] : memref<128x1xf32, #tpu.memory_space<vmem>>, vector<128x1xf32>
    %dot_general3A_89 = arith.constant dense<0.000000e+00> : vector<8x1xf32>
    %dot_general3A_90 = tpu.matmul %max3A_85, %get3A_88, %dot_general3A_89 {dimension_numbers = #tpu.dot_dimension_numbers<[1], [0], [0], [1], [0, 0, 1, 1], [], []>, transpose_lhs_hint = false} : vector<8x128xf32>, vector<128x1xf32>, vector<8x1xf32> -> vector<8x1xf32>
    %get3A_91 = arith.constant 0 : index
    %get3A_92 = arith.constant 0 : index
    %get3A_93 = vector.load %arg5[%get3A_91, %get3A_92] : memref<1x1xf32, #tpu.memory_space<vmem>>, vector<1x1xf32>
    %add3A_94 = vector.broadcast %get3A_93 : vector<1x1xf32> to vector<8x1xf32>
    %add3A_95 = arith.addf %dot_general3A_90, %add3A_94 : vector<8x1xf32>
    %neg3A_96 = arith.constant 0.000000e+00 : f32
    %neg3A_97 = vector.broadcast %neg3A_96 : f32 to vector<8x1xf32>
    %neg3A_98 = arith.subf %neg3A_97, %add3A_95 : vector<8x1xf32>
    %exp3A_99 = math.exp %neg3A_98 : vector<8x1xf32>
    %add3A_100 = arith.constant 1.000000e+00 : f32
    %add3A_101 = vector.broadcast %add3A_100 : f32 to vector<8x1xf32>
    %add3A_102 = arith.addf %add3A_101, %exp3A_99 : vector<8x1xf32>
    %div3A_103 = arith.constant 1.000000e+00 : f32
    %div3A_104 = vector.broadcast %div3A_103 : f32 to vector<8x1xf32>
    %div3A_105 = arith.divf %div3A_104, %add3A_102 : vector<8x1xf32>
    %swap3A_106 = arith.constant 0 : index
    %swap3A_107 = arith.constant 0 : index
    %swap3A_108 = vector.load %arg12[%swap3A_106, %swap3A_107] : memref<8x1xf32, #tpu.memory_space<vmem>>, vector<8x1xf32>
    tpu.vector_store %arg12[%swap3A_106, %swap3A_107], %div3A_105 {strides = array<i32>} : memref<8x1xf32, #tpu.memory_space<vmem>>, vector<8x1xf32>,
    %get3A_109 = arith.constant 0 : index
    %get3A_110 = arith.constant 0 : index
    %get3A_111 = vector.load %arg6[%get3A_109, %get3A_110] : memref<128x128xf32, #tpu.memory_space<vmem>>, vector<128x128xf32>
    %dot_general3A_112 = arith.constant dense<0.000000e+00> : vector<8x128xf32>
    %dot_general3A_113 = tpu.matmul %get3A_7, %get3A_111, %dot_general3A_112 {dimension_numbers = #tpu.dot_dimension_numbers<[1], [0], [0], [1], [0, 0, 1, 1], [], []>, transpose_lhs_hint = false} : vector<8x128xf32>, vector<128x128xf32>, vector<8x128xf32> -> vector<8x128xf32>
    %get3A_114 = arith.constant 0 : index
    %get3A_115 = arith.constant 0 : index
    %get3A_116 = vector.load %arg7[%get3A_114, %get3A_115] : memref<1x128xf32, #tpu.memory_space<vmem>>, vector<1x128xf32>
    %add3A_117 = vector.broadcast %get3A_116 : vector<1x128xf32> to vector<8x128xf32>
    %add3A_118 = arith.addf %dot_general3A_113, %add3A_117 : vector<8x128xf32>
    %max3A_119 = arith.constant 0.000000e+00 : f32
    %max3A_120 = vector.broadcast %max3A_119 : f32 to vector<8x128xf32>
    %max3A_121 = arith.maximumf %add3A_118, %max3A_120 : vector<8x128xf32>
    %get3A_122 = arith.constant 0 : index
    %get3A_123 = arith.constant 0 : index
    %get3A_124 = vector.load %arg8[%get3A_122, %get3A_123] : memref<128x1xf32, #tpu.memory_space<vmem>>, vector<128x1xf32>
    %dot_general3A_125 = arith.constant dense<0.000000e+00> : vector<8x1xf32>
    %dot_general3A_126 = tpu.matmul %max3A_121, %get3A_124, %dot_general3A_125 {dimension_numbers = #tpu.dot_dimension_numbers<[1], [0], [0], [1], [0, 0, 1, 1], [], []>, transpose_lhs_hint = false} : vector<8x128xf32>, vector<128x1xf32>, vector<8x1xf32> -> vector<8x1xf32>
    %get3A_127 = arith.constant 0 : index
    %get3A_128 = arith.constant 0 : index
    %get3A_129 = vector.load %arg9[%get3A_127, %get3A_128] : memref<1x1xf32, #tpu.memory_space<vmem>>, vector<1x1xf32>
    %add3A_130 = vector.broadcast %get3A_129 : vector<1x1xf32> to vector<8x1xf32>
    %add3A_131 = arith.addf %dot_general3A_126, %add3A_130 : vector<8x1xf32>
    %neg3A_132 = arith.constant 0.000000e+00 : f32
    %neg3A_133 = vector.broadcast %neg3A_132 : f32 to vector<8x1xf32>
    %neg3A_134 = arith.subf %neg3A_133, %add3A_131 : vector<8x1xf32>
    %exp3A_135 = math.exp %neg3A_134 : vector<8x1xf32>
    %add3A_136 = arith.constant 1.000000e+00 : f32
    %add3A_137 = vector.broadcast %add3A_136 : f32 to vector<8x1xf32>
    %add3A_138 = arith.addf %add3A_137, %exp3A_135 : vector<8x1xf32>
    %div3A_139 = arith.constant 1.000000e+00 : f32
    %div3A_140 = vector.broadcast %div3A_139 : f32 to vector<8x1xf32>
    %div3A_141 = arith.divf %div3A_140, %add3A_138 : vector<8x1xf32>
    %swap3A_142 = arith.constant 0 : index
    %swap3A_143 = arith.constant 0 : index
    %swap3A_144 = vector.load %arg13[%swap3A_142, %swap3A_143] : memref<8x1xf32, #tpu.memory_space<vmem>>, vector<8x1xf32>
    tpu.vector_store %arg13[%swap3A_142, %swap3A_143], %div3A_141 {strides = array<i32>} : memref<8x1xf32, #tpu.memory_space<vmem>>, vector<8x1xf32>,
    return
  }
}

</mosaic_0001>

<sc_bundles>
// kernel: kernel.15.cloned.1.call-start
scs
__scs_entry_jumppad:
0x0: {  	(pc) =	sbr.rel $0x88, $3  }
0x1: {  	(tag) =	ssettag $0x0;
	lr =	simm.s32 $0x1  }
0x2: {  	[smem:$0x3F84] =	sst lr;
	_ =	strace $0xD0000000  }
0x3: {  	_ = 	snop  }
0x4: {  	_ = 	snop  }
0x5: {  	_ = 	snop  }
0x6: {  	_ = 	snop  }
0x7: {  	_ = 	snop  }
__scs_overlays_trampoline_lowered:
0x8: {  	[smem:$0x3F93] =	sst s0  }
0x9: {  	[smem:$0x3F94] =	sst s1  }
0xa: {  	[smem:$0x3F95] =	sst s2  }
0xb: {  	[smem:$0x3F96] =	sst s3  }
0xc: {  	[smem:$0x3F97] =	sst s4  }
0xd: {  	[smem:$0x3F98] =	sst s5  }
0xe: {  	[smem:$0x3F99] =	sst s6  }
0xf: {  	[smem:$0x3F9A] =	sst s7  }
0x10: {  	[smem:$0x3F9B] =	sst s8  }
0x11: {  	[smem:$0x3F9C] =	sst s9;
	s0 =	simm.s32 @!p0 $0x0  }
0x12: {  	s1 =	sld [smem:$0x3F82];
	s0 =	simm.s32 @p0 $0x1  }
0x13: {  	[smem:$0x3F9D] =	sst s0;
	s0 =	simm.s32 @!p1 $0x0  }
0x14: {  	s2 =	sld [smem:$0x3F81];
	s0 =	simm.s32 @p1 $0x1  }
0x15: {  	[smem:$0x3F9E] =	sst s0;
	s0 =	simm.s32 @!p2 $0x0  }
0x16: {  	s3 =	sld [smem:$0x3FDB];
	s0 =	simm.s32 @p2 $0x1  }
0x17: {  	s4 =	simm.s32 $0x1BF5;
	[smem:$0x3FA0] =	sst s0  }
0x18: {  	s0 =	sld [smem:$0x3F83];
	_ =	swait.ge [sflag:s4], $0x0  }
0x19: {  	s7 =	sld [smem:$0x3F84]  }
0x1a: {  	s8 =	sadd.s32 $0xFFFFE003, lr  }
0x1b: {  	s9 =	sadd.s32 $0xFFFFFEF7, lr;
	s5 =	simm.s32 $0xFFFFFFFF;
	p2 =	slt.u32 s8, $0xFFFFF086  }
0x1c: {  	p1 =	slt.u32 s9, $0xF7A;
	s5 =	simm.s32 @!p2 $0x0  }
0x1d: {  	s5 =	simm.s32 @p1 $0x1;
	p0 =	seq.s32 s7, s2  }
0x1e: {  	s7 =	smul.u32 @!p0 $0xF7A, s2;
	p2 =	seq.s32 @!p0 s5, $0x0  }
0x1f: {  	s9 =	smul.u32 $0xF7A, s1;
	s8 =	simm.s32 @!p0 $0x1BF5;
	p2 =	por !p2, p0  }
0x20: {  	[sflag:s8] =	ssyncset.s32 @!p0 $0xFFFFF086;
	s6 =	sadd.s32 @!p0 s3, s7;
	s7 =	simm.s32 @!p0 $0x108  }
0x21: {  	s3 =	sadd.s32 s3, s9;
	s6 =	sadd.s32 @!p0 $0x88, s6;
	s7 =	simm.s32 @p2 $0x1082  }
0x22: {  	[simem:s7], [sflag:s8] =	dma.local @!p0 [hbm:s6], $0xF7A  }
0x23: {  	s9 =	sor.u32 $0xD0000000, s2;
	s6 =	simm.s32 $0x108;
	_ =	swait.ge @!p0 [sflag:s8], $0x0  }
0x24: {  	s3 =	sadd.s32 $0x88, s3;
	s6 =	simm.s32 @!p1 $0x1082;
	[sflag:s4] =	ssyncset.s32 $0xFFFFF086  }
0x25: {  	[simem:s6], [sflag:s4] =	dma.local [hbm:s3], $0xF7A  }
0x26: {  	[smem:$0x3F84] =	sst s1;
	(tag) =	ssettag s2;
	_ =	strace s9  }
0x27: {  	s1 =	sld [smem:$0x3F94]  }
0x28: {  	s2 =	sld [smem:$0x3F95]  }
0x29: {  	s4 =	sld [smem:$0x3F97]  }
0x2a: {  	p0 =	seq.s32 s5, $0x0;
	s5 =	sld [smem:$0x3F98]  }
0x2b: {  	s6 =	sld [smem:$0x3F99]  }
0x2c: {  	s7 =	sld [smem:$0x3F9A]  }
0x2d: {  	s3 =	simm.s32 $0x108;
	s8 =	sld [smem:$0x3F9B]  }
0x2e: {  	s3 =	simm.s32 @!p0 $0x1082;
	s9 =	sld [smem:$0x3F9C]  }
0x2f: {  	lr =	sadd.s32 s0, s3;
	s0 =	sld [smem:$0x3F93]  }
0x30: {  	s3 =	sld [smem:$0x3F96]  }
0x31: {  	[smem:$0x3F9F] =	sst s10  }
0x32: {  	s10 =	sld [smem:$0x3F9D];
	_ =	sdelay $0x3  }
0x33: {  	p0 =	seq.s32 s10, $0x1;
	s10 =	sld [smem:$0x3F9F];
	_ =	sdelay $0x3  }
0x34: {  	[smem:$0x3F9F] =	sst s10  }
0x35: {  	s10 =	sld [smem:$0x3F9E];
	_ =	sdelay $0x3  }
0x36: {  	p1 =	seq.s32 s10, $0x1;
	s10 =	sld [smem:$0x3F9F];
	_ =	sdelay $0x3  }
0x37: {  	[smem:$0x3F9F] =	sst s10  }
0x38: {  	s10 =	sld [smem:$0x3FA0]  }
0x39: {  	_ = 	snop;
	(pc) =	sbr.ind lr, $3  }
0x3a: {  	_ = 	snop  }
0x3b: {  	_ = 	snop  }
0x3c: {  	p2 =	seq.s32 s10, $0x1;
	s10 =	sld [smem:$0x3F9F]  }
0x3d: {  	_ =	shalt  }
0x3e: {  	_ =	shalt  }
0x3f: {  	_ =	shalt  }
0x40: {  	_ =	shalt  }
0x41: {  	_ =	shalt  }
0x42: {  	_ =	shalt  }
0x43: {  	_ =	shalt  }
0x44: {  	_ =	shalt  }
0x45: {  	_ =	shalt  }
0x46: {  	_ =	shalt  }
0x47: {  	_ =	shalt  }
0x48: {  	_ =	shalt  }
0x49: {  	_ =	shalt  }
0x4a: {  	_ =	shalt  }
0x4b: {  	_ =	shalt  }
0x4c: {  	_ =	shalt  }
0x4d: {  	_ =	shalt  }
0x4e: {  	_ =	shalt  }
0x4f: {  	_ =	shalt  }
0x50: {  	_ =	shalt  }
0x51: {  	_ =	shalt  }
0x52: {  	_ =	shalt  }
0x53: {  	_ =	shalt  }
0x54: {  	_ =	shalt  }
0x55: {  	_ =	shalt  }
0x56: {  	_ =	shalt  }
0x57: {  	_ =	shalt  }
0x58: {  	_ =	shalt  }
0x59: {  	_ =	shalt  }
0x5a: {  	_ =	shalt  }
0x5b: {  	_ =	shalt  }
0x5c: {  	_ =	shalt  }
0x5d: {  	_ =	shalt  }
0x5e: {  	_ =	shalt  }
0x5f: {  	_ =	shalt  }
0x60: {  	_ =	shalt  }
0x61: {  	_ =	shalt  }
0x62: {  	_ =	shalt  }
0x63: {  	_ =	shalt  }
0x64: {  	_ =	shalt  }
0x65: {  	_ =	shalt  }
0x66: {  	_ =	shalt  }
0x67: {  	_ =	shalt  }
0x68: {  	_ =	shalt  }
0x69: {  	_ =	shalt  }
0x6a: {  	_ =	shalt  }
0x6b: {  	_ =	shalt  }
0x6c: {  	_ =	shalt  }
0x6d: {  	_ =	shalt  }
0x6e: {  	_ =	shalt  }
0x6f: {  	_ =	shalt  }
0x70: {  	_ =	shalt  }
0x71: {  	_ =	shalt  }
0x72: {  	_ =	shalt  }
0x73: {  	_ =	shalt  }
0x74: {  	_ =	shalt  }
0x75: {  	_ =	shalt  }
0x76: {  	_ =	shalt  }
0x77: {  	_ =	shalt  }
0x78: {  	_ =	shalt  }
0x79: {  	_ =	shalt  }
0x7a: {  	_ =	shalt  }
0x7b: {  	_ =	shalt  }
0x7c: {  	_ =	shalt  }
0x7d: {  	_ =	shalt  }
0x7e: {  	_ =	shalt  }
0x7f: {  	_ =	shalt  }
0x80: {  	_ =	shalt  }
0x81: {  	_ =	shalt  }
0x82: {  	_ =	shalt  }
0x83: {  	_ =	shalt  }
0x84: {  	_ =	shalt  }
0x85: {  	_ =	shalt  }
0x86: {  	_ =	shalt  }
0x87: {  	_ =	shalt  }
.Lfunc_end0:
.L_simem_size_0:
called_computation_lowered:
.L_overlay_start_0:
0x88: {  	s2 =	sld [smem:$0x3FD9]  }
0x89: {  	s3 =	sld [smem:$0x3FFE];
	_ =	sdelay $0x1  }
0x8a: {  	s1 =	srdreg.scid  }
0x8b: {  	s0 =	sand.u32 $0x1, s1  }
0x8c: {  	s17 =	sshll.u32 s0, $0xA;
	s2 =	sadd.s32 s3, s2  }
0x8d: {  	s2 =	sadd.s32 s2, s17  }
0x8e: {  	[smem:$0x3FAB] =	sst s2  }
0x8f: {  	_ = 	snop  }
0x90: {  	s2 =	sld [smem:$0x3FC9]  }
0x91: {  	s18 =	sld [smem:$0x3FC8];
	(tm) =	ssettm $0x1  }
0x92: {  	s4 =	sld [smem:$0x3FFB];
	_ =	sdelay $0x3  }
0x93: {  	_ =	strace s4  }
0x94: {  	s4 =	sld [smem:$0x3FFC];
	_ =	sdelay $0x3  }
0x95: {  	_ =	strace s4  }
0x96: {  	s4 =	sld [smem:$0x3FFD];
	_ =	sdelay $0x3  }
0x97: {  	_ =	strace s4  }
0x98: {  	_ =	strace $0x8FFFFFFF  }
0x99: {  	s19 =	sld [smem:$0x3FDB];
	_ =	sdelay $0x1  }
0x9a: {  	s5 =	simm.s32 $_scs_section_size  }
0x9b: {  	s6 =	simm.s32 $_size__tile_overlayer_lowered;
	s7 =	simm.s32 $_tile_overlayer_lowered  }
0x9c: {  	s22 =	simm.s32 $0x1BFF;
	s21 =	sshll.u32 s7, $0x1;
	s4 =	sadd.s32 s5, s19  }
0x9d: {  	s8 =	simm.s32 $0x0;
	s20 =	sshll.u32 s6, $0x1;
	s6 =	sadd.s32 s21, s4  }
0x9e: {  	[timem:s8], [sflag:s22] =	dma.local [hbm:s6], s20  }
0x9f: {  	_ =	swait.ge [sflag:s22], s20  }
0xa0: {  	s5 =	ssub.s32 $0x0, s20;
	[sflag:s22] =	ssyncset.done $0x0  }
0xa1: {  	[sflag:s22] =	ssyncadd.s32 s5;
	_ =	sdelay $0x1  }
0xa2: {  	s23 =	simm.s32 $0x1B8B  }
0xa3: {  	_ =	swait.ge [sflag:s23], $0x1  }
0xa4: {  	[sflag:s23] =	ssyncset.done $0x0  }
0xa5: {  	s25 =	simm.s32 $0x1B8E;
	s24 =	sld [smem:$0x3FFE];
	[sflag:s23] =	ssyncadd.s32 $0xFFFFFFFF  }
0xa6: {  	s26 =	simm.s32 $execute0_lowered;
	[smem:$0x3FD2] =	sst s25  }
0xa7: {  	s6 =	sshll.u32 s26, $0x1;
	_ =	strace $0x80000046;
	[dreg:$0x1] =	wrdreg $0xFFFFFFFF  }
0xa8: {  	s28 =	simm.s32 $_size_execute0_lowered;
	s4 =	sadd.s32 s4, s6;
	[dreg:$0x0] =	wrdreg $0x0  }
0xa9: {  	s6 =	sshll.u32 s28, $0x1;
	[dreg:$0x2] =	wrdreg s4  }
0xaa: {  	[dreg:$0x3] =	wrdreg s6  }
0xab: {  	[dreg:$0x4] =	wrdreg $0xC0  }
0xac: {  	_ =	task [dreg:s8], $0x5FFFF  }
0xad: {  	[dreg:$0x1] =	wrdreg $0xFFFFFFFF  }
0xae: {  	[dreg:$0x0] =	wrdreg $0x60  }
0xaf: {  	[dreg:$0x2] =	wrdreg s2  }
0xb0: {  	[dreg:$0x3] =	wrdreg s18  }
0xb1: {  	[dreg:$0x4] =	wrdreg s24  }
0xb2: {  	[dreg:$0x5] =	wrdreg $0x15A800  }
0xb3: {  	[dreg:$0x6] =	wrdreg $0x9  }
0xb4: {  	_ =	task.clear_ibuf [dreg:s8], $0x7FFFF;
	_ =	strace $0x90000046  }
0xb5: {  	s29 =	simm.s32 $0x9;
	_ =	strace $0x80000048  }
0xb6: {  	_ =	swait.ge [sflag:s29], $0x1  }
0xb7: {  	[sflag:s29] =	ssyncadd.s32 $0xFFFFFFFF  }
0xb8: {  	_ =	strace $0x90000048  }
0xb9: {  	_ =	sfence  }
0xba: {  	s30 =	sld [smem:$0x0];
	_ =	sdelay $0x2  }
0xbb: {  	s31 =	sshll.u32 s1, $0xD;
	s1 =	sshrl.u32 s1, $0x2  }
0xbc: {  	s3 =	sand.u32 $0x4000, s31;
	s1 =	sadd.s32 s1, s30  }
0xbd: {  	s0 =	sor.u32 s3, s0;
	s1 =	sshll.u32 s1, $0x11  }
0xbe: {  	s0 =	sor.u32 s1, s0  }
0xbf: {  	s0 =	sadd.s32 $0x8F2B, s0  }
0xc0: {  	[sflag:s0] =	ssyncadd.remote.s32 $0x1  }
0xc1: {  	_ =	sfence.sel $0xFFFF  }
0xc2: {  	[dreg:$0x0] =	wrdreg $0xFFFFFFFF;
	(pc) =	sbr.abs _section_cstart, $3  }
0xc3: {  	[dreg:$0x1] =	wrdreg $0xFFFFFFFF  }
0xc4: {  	_ =	task.clear_ibuf [dreg:s8], $0x2FFFF;
	_ =	strace $0x9FFFFFFF  }
0xc5: {  	(tm) =	ssettm $0x7FFFFFFF  }
tec
execute0_lowered:
.L_overlay_start_1:
0x0: {  	(tag) =	ssettag $0x1  }
0x1: {  	s1 =	rddreg [dreg:$0x0]  }
0x2: {  	s2 =	rddreg [dreg:$0x1]  }
0x3: {  	s0 =	rddreg [dreg:$0x2]  }
0x4: {  	s3 =	rddreg [dreg:$0x3]  }
0x5: {  	s4 =	srdreg.scid;
	s5 =	simm.s32 $0x0;
	s14 =	stileid.u32  }
0x6: {  	s28 =	simm.s32 $0x9200;
	s29 =	simm.s32 $0xBA00;
	s30 =	simm.s32 $0xE200  }
0x7: {  	s31 =	simm.s32 $0x10A00;
	s4 =	sand.u32 $0x1, s4;
	s8 =	smul.u32 $0x1400, s14  }
0x8: {  	[smem:$0x7FF] =	sst s5;
	s7 =	sshll.u32 s14, $0x6;
	s11 =	smul.u32 $0xF00, s14  }
0x9: {  	s10 =	sshll.u32 s14, $0x7;
	s15 =	sadd.s32 $0x16E00, s0;
	s19 =	smul.u32 $0x1E00, s14  }
0xa: {  	s6 =	smul.u32 $0x14000, s4;
	_ =	strace $0x80000047;
	s9 =	sadd.s32 s7, s0  }
0xb: {  	s10 =	sadd.s32 s10, s0;
	s18 =	sshll.u32 s4, $0x4;
	s13 =	sshll.u32 s4, $0x7  }
0xc: {  	[dreg:$0x5] =	wrdreg s15;
	s20 =	ssub.s32 $0x2, s4;
	s22 =	sshll.u32 s4, $0xA  }
0xd: {  	s7 =	sor.u32 $0x1C03, s7;
	s4 =	sshll.u32 s4, $0xB;
	s11 =	sor.u32 s13, s11  }
0xe: {  	s21 =	sshrl.u32 s20, $0x1;
	s13 =	sshrl.u32 s19, $0x2;
	s9 =	sadd.s32 s22, s9  }
0xf: {  	s4 =	sadd.s32 s4, s10;
	s19 =	simm.s32 $0x3;
	s22 =	simm.s32 $0x80  }
0x10: {  	s10 =	simm.s32 $0x200;
	s6 =	sadd.s32 s8, s6;
	s8 =	sor.u32 s14, s18  }
0x11: {  	s11 =	sshrl.u32 s11, $0x3;
	s18 =	sadd.s32 s13, s3;
	s9 =	sadd.s32 $0x6600, s9  }
0x12: {  	s14 =	sadd.s32 $0x6E00, s4;
	s4 =	simm.s32 $0x600;
	s12 =	smul.u32 $0x1400, s8  }
0x13: {  	s6 =	sshrl.u32 s6, $0x3;
	s8 =	smul.u32 $0x2800, s8;
	[dreg:$0x6] =	wrdreg s9  }
0x14: {  	s18 =	sshrl.u32 s18, $0x3;
	s9 =	simm.s32 $0x2;
	s6 =	sadd.s32 s6, s0  }
0x15: {  	s12 =	sadd.s32 s12, s0;
	s8 =	sadd.s32 s8, s0;
	s23 =	sadd.s32 $0x7E00, s6  }
0x16: {  	s0 =	sadd.s32 s11, s0;
	s24 =	sadd.s32 $0xCE00, s6;
	[dreg:$0x7] =	wrdreg s23  }
0x17: {  	s11 =	ssub.s32 s20, s21;
	s6 =	sadd.s32 $0x11E00, s6;
	[dreg:$0x8] =	wrdreg s24  }
0x18: {  	s20 =	simm.s32 $0x50;
	s21 =	simm.s32 $0x1A00;
	[dreg:$0x9] =	wrdreg s6  }
0x19: {  	s25 =	sadd.s32 $0x17000, s12;
	s26 =	sadd.s32 $0x3F000, s12;
	s15 =	sadd.s32 $0x68E00, s8  }
0x1a: {  	s16 =	sadd.s32 $0x67000, s0;
	s17 =	smax.u32 s11, $0x1;
	s23 =	simm.s32 $0x4200  }
0x1b: {  	s24 =	simm.s32 $0x100;
	s0 =	simm.s32 $0x13200;
	s6 =	simm.s32 $0x15A00  }
0x1c: {  	s8 =	simm.s32 $0x1;
	s11 =	simm.s32 $0x0;
	[dreg:$0xa] =	wrdreg s25  }
0x1d: {  	v0 =	vimm.f32 $1.000000000e+00;
	[dreg:$0xb] =	wrdreg s26;
	s25 =	simm.s32 $0x6A00;
	s26 =	simm.s32 $0x180  }
.LBB2_1:
0x1e: {  	s12 =	rddreg [dreg:$0x5]  }
0x1f: {  	[spmem:s18], [sflag:s7] =	dma.local [hbm:s12], $0xF0  }
0x20: {  	_ =	swait.ge [sflag:s19], $0xF0  }
0x21: {  	[sflag:s19] =	ssyncset.done $0x0  }
0x22: {  	[sflag:s19] =	ssyncadd.s32 $0xFFFFFF10  }
0x23: {  	[tilespmem:$0x15A00] =	vst v0  }
0x24: {  	[tilespmem:$0x15A10] =	vst v0  }
0x25: {  	[tilespmem:$0x15A20] =	vst v0  }
0x26: {  	[tilespmem:$0x15A30] =	vst v0  }
0x27: {  	[tilespmem:$0x15A40] =	vst v0  }
0x28: {  	[tilespmem:$0x15A50] =	vst v0  }
0x29: {  	[tilespmem:$0x15A60] =	vst v0  }
0x2a: {  	[tilespmem:$0x15A70] =	vst v0  }
0x2b: {  	[bflag:$0x0] =	sbarrier.arrive $0xFFFF  }
0x2c: {  	s13 =	rddreg [dreg:$0x6]  }
0x2d: {  	[tilespmem:s5], [sflag:$0x3] =	stream.linear.gather [hbm4b:s13+s5], $0x200, $0x38;
	[tilespmem:$0x16200] =	vst v63  }
0x2e: {  	_ =	swait.ge [sflag:s19], $0x200  }
0x2f: {  	[sflag:s19] =	ssyncset.done $0x0  }
0x30: {  	[sflag:s19] =	ssyncadd.s32 $0xFFFFFE00  }
0x31: {  	[tilespmem:s21], [sflag:$0x1] =	stream.indirect.gather [hbm4b:s1+s20], $0x80, s5, s20, $0xb8;
	[tilespmem:$0x16200] =	vst v63  }
0x32: {  	_ = 	snop  }
0x33: {  	[tilespmem:s23], [sflag:$0x1] =	stream.indirect.gather [hbm4b:s1+s20], $0x80, s22, s20, $0xb8;
	[tilespmem:$0x16200] =	vst v63  }
0x34: {  	_ = 	snop  }
0x35: {  	[tilespmem:s25], [sflag:$0x1] =	stream.indirect.gather [hbm4b:s1+s20], $0x80, s24, s20, $0xb8;
	[tilespmem:$0x16200] =	vst v63  }
0x36: {  	_ = 	snop  }
0x37: {  	[tilespmem:s28], [sflag:$0x1] =	stream.indirect.gather [hbm4b:s1+s20], $0x80, s26, s20, $0xb8;
	[tilespmem:$0x16200] =	vst v63  }
0x38: {  	_ = 	snop  }
0x39: {  	[tilespmem:s29], [sflag:$0x2] =	stream.indirect.gather [hbm4b:s2+s20], $0x80, s5, s20, $0xb8;
	[tilespmem:$0x16200] =	vst v63  }
0x3a: {  	_ = 	snop  }
0x3b: {  	[tilespmem:s30], [sflag:$0x2] =	stream.indirect.gather [hbm4b:s2+s20], $0x80, s22, s20, $0xb8;
	[tilespmem:$0x16200] =	vst v63  }
0x3c: {  	_ = 	snop  }
0x3d: {  	[tilespmem:s31], [sflag:$0x2] =	stream.indirect.gather [hbm4b:s2+s20], $0x80, s24, s20, $0xb8;
	[tilespmem:$0x16200] =	vst v63  }
0x3e: {  	_ = 	snop  }
0x3f: {  	[tilespmem:s0], [sflag:$0x2] =	stream.indirect.gather [hbm4b:s2+s20], $0x80, s26, s20, $0xb8;
	[tilespmem:$0x16200] =	vst v63  }
0x40: {  	s13 =	rddreg [dreg:$0x7]  }
0x41: {  	[tilespmem:s4], [sflag:$0x3] =	stream.linear.gather [hbm4b:s13+s5], $0x1400, $0x38;
	[tilespmem:$0x16200] =	vst v63  }
0x42: {  	_ =	swait.ge [sflag:s19], $0x1400  }
0x43: {  	[sflag:s19] =	ssyncset.done $0x0  }
0x44: {  	s13 =	simm.s32 $0x600;
	[sflag:s19] =	ssyncadd.s32 $0xFFFFEC00  }
0x45: {  	[spmem:s3] =	stream.indirect.scatter.add.f32 [tilespmem:s6], [sflag:$0x3], $0x1, s13, s22, $0xb8;
	[tilespmem:$0x16200] =	vst v63  }
0x46: {  	s12 =	simm.s32 $0x200;
	_ =	swait.ge [sflag:s19], $0x80  }
.LBB2_2:
0x47: {  	s13 =	sshra.s32 s12, $0x2;
	[sflag:s19] =	ssyncset.done $0x0;
	p0 =	sne.s32 s12, $0x4E00  }
.Ltmp0:
0x48: {  	s13 =	sadd.s32 $0x600, s13;
	[sflag:s19] =	ssyncadd.s32 $0xFFFFFF80;
	(pc) =	sbr.rel @p0 .LBB2_2-.Ltmp0, $3  }
0x49: {  	[spmem:s3] =	stream.indirect.scatter.add.f32 [tilespmem:s6], [sflag:$0x3], $0x1, s13, s22, $0xb8;
	[tilespmem:$0x16200] =	vst v63  }
0x4a: {  	s12 =	sadd.s32 $0x200, s12;
	_ =	sdelay $0x1  }
0x4b: {  	_ =	swait.ge [sflag:s19], $0x80  }
0x4c: {  	[sflag:s19] =	ssyncset.done $0x0  }
0x4d: {  	s12 =	simm.s32 $0x0;
	s13 =	rddreg [dreg:$0x8];
	[sflag:s19] =	ssyncadd.s32 $0xFFFFFF80  }
0x4e: {  	[tilespmem:s4], [sflag:$0x3] =	stream.linear.gather [hbm4b:s13+s12], $0x1400, $0x38;
	[tilespmem:$0x16200] =	vst v63  }
0x4f: {  	_ =	swait.ge [sflag:s19], $0x1400  }
0x50: {  	[sflag:s19] =	ssyncset.done $0x0  }
0x51: {  	s13 =	simm.s32 $0x600;
	[sflag:s19] =	ssyncadd.s32 $0xFFFFEC00  }
0x52: {  	[spmem:s3] =	stream.indirect.scatter.add.f32 [tilespmem:s6], [sflag:$0x3], $0x1, s13, s22, $0xb8;
	[tilespmem:$0x16200] =	vst v63  }
0x53: {  	s12 =	simm.s32 $0x200;
	_ =	swait.ge [sflag:s19], $0x80  }
.LBB2_4:
0x54: {  	s13 =	sshra.s32 s12, $0x2;
	[sflag:s19] =	ssyncset.done $0x0;
	p0 =	sne.s32 s12, $0x4E00  }
.Ltmp1:
0x55: {  	s13 =	sadd.s32 $0x600, s13;
	[sflag:s19] =	ssyncadd.s32 $0xFFFFFF80;
	(pc) =	sbr.rel @p0 .LBB2_4-.Ltmp1, $3  }
0x56: {  	[spmem:s3] =	stream.indirect.scatter.add.f32 [tilespmem:s6], [sflag:$0x3], $0x1, s13, s22, $0xb8;
	[tilespmem:$0x16200] =	vst v63  }
0x57: {  	s12 =	sadd.s32 $0x200, s12;
	_ =	sdelay $0x1  }
0x58: {  	_ =	swait.ge [sflag:s19], $0x80  }
0x59: {  	[sflag:s19] =	ssyncset.done $0x0  }
0x5a: {  	s12 =	simm.s32 $0x0;
	s13 =	rddreg [dreg:$0x9];
	[sflag:s19] =	ssyncadd.s32 $0xFFFFFF80  }
0x5b: {  	[tilespmem:s4], [sflag:$0x3] =	stream.linear.gather [hbm4b:s13+s12], $0x1400, $0x38;
	[tilespmem:$0x16200] =	vst v63  }
0x5c: {  	_ =	swait.ge [sflag:s19], $0x1400  }
0x5d: {  	[sflag:s19] =	ssyncset.done $0x0  }
0x5e: {  	s13 =	simm.s32 $0x600;
	[sflag:s19] =	ssyncadd.s32 $0xFFFFEC00  }
0x5f: {  	[spmem:s3] =	stream.indirect.scatter.add.f32 [tilespmem:s6], [sflag:$0x3], $0x1, s13, s22, $0xb8;
	[tilespmem:$0x16200] =	vst v63  }
0x60: {  	s12 =	simm.s32 $0x200;
	_ =	swait.ge [sflag:s19], $0x80  }
.LBB2_6:
0x61: {  	s13 =	sshra.s32 s12, $0x2;
	[sflag:s19] =	ssyncset.done $0x0;
	p0 =	sne.s32 s12, $0x4E00  }
.Ltmp2:
0x62: {  	s13 =	sadd.s32 $0x600, s13;
	[sflag:s19] =	ssyncadd.s32 $0xFFFFFF80;
	(pc) =	sbr.rel @p0 .LBB2_6-.Ltmp2, $3  }
0x63: {  	[spmem:s3] =	stream.indirect.scatter.add.f32 [tilespmem:s6], [sflag:$0x3], $0x1, s13, s22, $0xb8;
	[tilespmem:$0x16200] =	vst v63  }
0x64: {  	s12 =	sadd.s32 $0x200, s12;
	_ =	sdelay $0x1  }
0x65: {  	_ =	swait.ge [sflag:s19], $0x80  }
0x66: {  	[sflag:s19] =	ssyncset.done $0x0  }
0x67: {  	[sflag:s19] =	ssyncadd.s32 $0xFFFFFF80  }
0x68: {  	_ =	swait.ge [sflag:s8], $0xA000  }
0x69: {  	[sflag:s8] =	ssyncset.done $0x0  }
0x6a: {  	s12 =	rddreg [dreg:$0xa];
	[sflag:s8] =	ssyncadd.s32 $0xFFFF6000  }
0x6b: {  	[hbm4b:s12+s5] =	stream.linear.scatter [tilespmem:s21], [sflag:$0x3], $0xA000, $0x38;
	[tilespmem:$0x16200] =	vst v63  }
0x6c: {  	_ =	swait.ge [sflag:s19], $0xA000  }
0x6d: {  	[sflag:s19] =	ssyncset.done $0x0  }
0x6e: {  	[sflag:s19] =	ssyncadd.s32 $0xFFFF6000  }
0x6f: {  	_ =	swait.ge [sflag:s9], $0xA000  }
0x70: {  	[sflag:s9] =	ssyncset.done $0x0  }
0x71: {  	s13 =	rddreg [dreg:$0xb];
	[sflag:s9] =	ssyncadd.s32 $0xFFFF6000  }
0x72: {  	[hbm4b:s13+s5] =	stream.linear.scatter [tilespmem:s29], [sflag:$0x3], $0xA000, $0x38;
	[tilespmem:$0x16200] =	vst v63  }
0x73: {  	_ =	swait.ge [sflag:s19], $0xA000  }
0x74: {  	[sflag:s19] =	ssyncset.done $0x0  }
0x75: {  	[sflag:s19] =	ssyncadd.s32 $0xFFFF6000  }
0x76: {  	[tilespmem:s10], [sflag:$0x3] =	stream.linear.gather [hbm4b:s14+s5], $0x400, $0x38;
	[tilespmem:$0x16200] =	vst v63  }
0x77: {  	_ =	swait.ge [sflag:s19], $0x400  }
0x78: {  	[sflag:s19] =	ssyncset.done $0x0  }
0x79: {  	[sflag:s19] =	ssyncadd.s32 $0xFFFFFC00  }
0x7a: {  	[tilespmem:s21], [sflag:$0x1] =	stream.indirect.gather [hbm4b:s2+s20], $0x80, s10, s20, $0xb8;
	[tilespmem:$0x16200] =	vst v63  }
0x7b: {  	s13 =	simm.s32 $0x280  }
0x7c: {  	[tilespmem:s23], [sflag:$0x1] =	stream.indirect.gather [hbm4b:s2+s20], $0x80, s13, s20, $0xb8;
	[tilespmem:$0x16200] =	vst v63  }
0x7d: {  	s13 =	simm.s32 $0x300  }
0x7e: {  	[tilespmem:s25], [sflag:$0x1] =	stream.indirect.gather [hbm4b:s2+s20], $0x80, s13, s20, $0xb8;
	[tilespmem:$0x16200] =	vst v63  }
0x7f: {  	s13 =	simm.s32 $0x380  }
0x80: {  	[tilespmem:s28], [sflag:$0x1] =	stream.indirect.gather [hbm4b:s2+s20], $0x80, s13, s20, $0xb8;
	[tilespmem:$0x16200] =	vst v63  }
0x81: {  	s13 =	simm.s32 $0x400  }
0x82: {  	[tilespmem:s29], [sflag:$0x1] =	stream.indirect.gather [hbm4b:s2+s20], $0x80, s13, s20, $0xb8;
	[tilespmem:$0x16200] =	vst v63  }
0x83: {  	s13 =	simm.s32 $0x480  }
0x84: {  	[tilespmem:s30], [sflag:$0x1] =	stream.indirect.gather [hbm4b:s2+s20], $0x80, s13, s20, $0xb8;
	[tilespmem:$0x16200] =	vst v63  }
0x85: {  	s13 =	simm.s32 $0x500  }
0x86: {  	[tilespmem:s31], [sflag:$0x1] =	stream.indirect.gather [hbm4b:s2+s20], $0x80, s13, s20, $0xb8;
	[tilespmem:$0x16200] =	vst v63  }
0x87: {  	s13 =	simm.s32 $0x580  }
0x88: {  	[tilespmem:s0], [sflag:$0x1] =	stream.indirect.gather [hbm4b:s2+s20], $0x80, s13, s20, $0xb8;
	[tilespmem:$0x16200] =	vst v63  }
0x89: {  	_ =	swait.ge [sflag:s8], $0x14000  }
0x8a: {  	[sflag:s8] =	ssyncset.done $0x0  }
0x8b: {  	[sflag:s8] =	ssyncadd.s32 $0xFFFEC000  }
0x8c: {  	[hbm4b:s15+s5] =	stream.linear.scatter [tilespmem:s21], [sflag:$0x3], $0x14000, $0x38;
	[tilespmem:$0x16200] =	vst v63  }
0x8d: {  	_ =	swait.ge [sflag:s19], $0x14000  }
0x8e: {  	s11 =	sadd.s32 $0x1, s11;
	[sflag:s19] =	ssyncset.done $0x0  }
0x8f: {  	p0 =	sne.s32 s11, s17;
	s12 =	simm.s32 $0x20;
	[sflag:s19] =	ssyncadd.s32 $0xFFFEC000  }
.Ltmp3:
0x90: {  	s13 =	simm.s32 $0x10;
	[bflag:$0x0] =	sbarrier.arrive $0xFFFF;
	(pc) =	sbr.rel @p0 .LBB2_1-.Ltmp3, $4  }
0x91: {  	[hbm:s16@s12], [sflag:s7] =	dma.strided [spmem:s18@s13], $0xF0, s8, $0x10   }
0x92: {  	_ =	swait.ge [sflag:s19], $0xF0  }
0x93: {  	[sflag:s19] =	ssyncset.done $0x0  }
0x94: {  	[sflag:s19] =	ssyncadd.s32 $0xFFFFFF10  }
0x95: {  	_ =	sfence.sel $0x180000  }
0x96: {  	[bflag:$0x0] =	sbarrier.arrive $0xFFFF  }
0x97: {  	_ =	strace $0x90000047  }
0x98: {  	s0 =	stileid.u32;
	[bflag:$0x2] =	sbarrier.arrive $0xFFFF  }
0x99: {  	p0 =	sne.s32 s0, $0x0;
	s0 =	rddreg [dreg:$0x4]  }
0x9a: {  	s0 =	sadd.s32 @!p0 $0x100000, s0  }
0x9b: {  	[sflag:s0] =	ssyncadd.tile.s32 @!p0 $0x1;
	_ =	shalt  }
.Lfunc_end2:
_tile_overlayer_lowered:
.L_overlay_start_2:
0x9c: {  	(tag) =	ssettag $0x2  }
0x9d: {  	s0 =	rddreg [dreg:$0x0];
	s2 =	stileid.u32  }
0x9e: {  	s1 =	rddreg [dreg:$0x1];
	p0 =	sne.s32 s2, $0x0  }
0x9f: {  	s3 =	rddreg [dreg:$0x2];
	[bflag:$0x3] =	sbarrier.arrive $0xFFFF;
	s2 =	simm.s32 @!p0 $0x1C03  }
0xa0: {  	[timem:s3], [sflag:s2] =	dma.local @!p0 [hbm:s0], s1  }
0xa1: {  	s0 =	simm.s32 @!p0 $0x3  }
0xa2: {  	_ =	swait.ge @!p0 [sflag:s0], s1  }
0xa3: {  	s1 =	ssub.s32 @!p0 $0x0, s1;
	[sflag:s0] =	ssyncset.done @!p0 $0x0  }
0xa4: {  	[sflag:s0] =	ssyncadd.s32 @!p0 s1  }
0xa5: {  	[bflag:$0x3] =	sbarrier.arrive $0xFFFF  }
0xa6: {  	_ =	shalt  }

// kernel: kernel.18.cloned.1.call-start
scs
__scs_entry_jumppad:
0x0: {  	(pc) =	sbr.rel $0x88, $3  }
0x1: {  	(tag) =	ssettag $0x0;
	lr =	simm.s32 $0x1  }
0x2: {  	[smem:$0x3F84] =	sst lr;
	_ =	strace $0xD0000000  }
0x3: {  	_ = 	snop  }
0x4: {  	_ = 	snop  }
0x5: {  	_ = 	snop  }
0x6: {  	_ = 	snop  }
0x7: {  	_ = 	snop  }
__scs_overlays_trampoline_lowered:
0x8: {  	[smem:$0x3F93] =	sst s0  }
0x9: {  	[smem:$0x3F94] =	sst s1  }
0xa: {  	[smem:$0x3F95] =	sst s2  }
0xb: {  	[smem:$0x3F96] =	sst s3  }
0xc: {  	[smem:$0x3F97] =	sst s4  }
0xd: {  	[smem:$0x3F98] =	sst s5  }
0xe: {  	[smem:$0x3F99] =	sst s6  }
0xf: {  	[smem:$0x3F9A] =	sst s7  }
0x10: {  	[smem:$0x3F9B] =	sst s8  }
0x11: {  	[smem:$0x3F9C] =	sst s9;
	s0 =	simm.s32 @!p0 $0x0  }
0x12: {  	s1 =	sld [smem:$0x3F82];
	s0 =	simm.s32 @p0 $0x1  }
0x13: {  	[smem:$0x3F9D] =	sst s0;
	s0 =	simm.s32 @!p1 $0x0  }
0x14: {  	s2 =	sld [smem:$0x3F81];
	s0 =	simm.s32 @p1 $0x1  }
0x15: {  	[smem:$0x3F9E] =	sst s0;
	s0 =	simm.s32 @!p2 $0x0  }
0x16: {  	s3 =	sld [smem:$0x3FDB];
	s0 =	simm.s32 @p2 $0x1  }
0x17: {  	s4 =	simm.s32 $0x1BF5;
	[smem:$0x3FA0] =	sst s0  }
0x18: {  	s0 =	sld [smem:$0x3F83];
	_ =	swait.ge [sflag:s4], $0x0  }
0x19: {  	s7 =	sld [smem:$0x3F84]  }
0x1a: {  	s8 =	sadd.s32 $0xFFFFE003, lr  }
0x1b: {  	s9 =	sadd.s32 $0xFFFFFEF7, lr;
	s5 =	simm.s32 $0xFFFFFFFF;
	p2 =	slt.u32 s8, $0xFFFFF086  }
0x1c: {  	p1 =	slt.u32 s9, $0xF7A;
	s5 =	simm.s32 @!p2 $0x0  }
0x1d: {  	s5 =	simm.s32 @p1 $0x1;
	p0 =	seq.s32 s7, s2  }
0x1e: {  	s7 =	smul.u32 @!p0 $0xF7A, s2;
	p2 =	seq.s32 @!p0 s5, $0x0  }
0x1f: {  	s9 =	smul.u32 $0xF7A, s1;
	s8 =	simm.s32 @!p0 $0x1BF5;
	p2 =	por !p2, p0  }
0x20: {  	[sflag:s8] =	ssyncset.s32 @!p0 $0xFFFFF086;
	s6 =	sadd.s32 @!p0 s3, s7;
	s7 =	simm.s32 @!p0 $0x108  }
0x21: {  	s3 =	sadd.s32 s3, s9;
	s6 =	sadd.s32 @!p0 $0x88, s6;
	s7 =	simm.s32 @p2 $0x1082  }
0x22: {  	[simem:s7], [sflag:s8] =	dma.local @!p0 [hbm:s6], $0xF7A  }
0x23: {  	s9 =	sor.u32 $0xD0000000, s2;
	s6 =	simm.s32 $0x108;
	_ =	swait.ge @!p0 [sflag:s8], $0x0  }
0x24: {  	s3 =	sadd.s32 $0x88, s3;
	s6 =	simm.s32 @!p1 $0x1082;
	[sflag:s4] =	ssyncset.s32 $0xFFFFF086  }
0x25: {  	[simem:s6], [sflag:s4] =	dma.local [hbm:s3], $0xF7A  }
0x26: {  	[smem:$0x3F84] =	sst s1;
	(tag) =	ssettag s2;
	_ =	strace s9  }
0x27: {  	s1 =	sld [smem:$0x3F94]  }
0x28: {  	s2 =	sld [smem:$0x3F95]  }
0x29: {  	s4 =	sld [smem:$0x3F97]  }
0x2a: {  	p0 =	seq.s32 s5, $0x0;
	s5 =	sld [smem:$0x3F98]  }
0x2b: {  	s6 =	sld [smem:$0x3F99]  }
0x2c: {  	s7 =	sld [smem:$0x3F9A]  }
0x2d: {  	s3 =	simm.s32 $0x108;
	s8 =	sld [smem:$0x3F9B]  }
0x2e: {  	s3 =	simm.s32 @!p0 $0x1082;
	s9 =	sld [smem:$0x3F9C]  }
0x2f: {  	lr =	sadd.s32 s0, s3;
	s0 =	sld [smem:$0x3F93]  }
0x30: {  	s3 =	sld [smem:$0x3F96]  }
0x31: {  	[smem:$0x3F9F] =	sst s10  }
0x32: {  	s10 =	sld [smem:$0x3F9D];
	_ =	sdelay $0x3  }
0x33: {  	p0 =	seq.s32 s10, $0x1;
	s10 =	sld [smem:$0x3F9F];
	_ =	sdelay $0x3  }
0x34: {  	[smem:$0x3F9F] =	sst s10  }
0x35: {  	s10 =	sld [smem:$0x3F9E];
	_ =	sdelay $0x3  }
0x36: {  	p1 =	seq.s32 s10, $0x1;
	s10 =	sld [smem:$0x3F9F];
	_ =	sdelay $0x3  }
0x37: {  	[smem:$0x3F9F] =	sst s10  }
0x38: {  	s10 =	sld [smem:$0x3FA0]  }
0x39: {  	_ = 	snop;
	(pc) =	sbr.ind lr, $3  }
0x3a: {  	_ = 	snop  }
0x3b: {  	_ = 	snop  }
0x3c: {  	p2 =	seq.s32 s10, $0x1;
	s10 =	sld [smem:$0x3F9F]  }
0x3d: {  	_ =	shalt  }
0x3e: {  	_ =	shalt  }
0x3f: {  	_ =	shalt  }
0x40: {  	_ =	shalt  }
0x41: {  	_ =	shalt  }
0x42: {  	_ =	shalt  }
0x43: {  	_ =	shalt  }
0x44: {  	_ =	shalt  }
0x45: {  	_ =	shalt  }
0x46: {  	_ =	shalt  }
0x47: {  	_ =	shalt  }
0x48: {  	_ =	shalt  }
0x49: {  	_ =	shalt  }
0x4a: {  	_ =	shalt  }
0x4b: {  	_ =	shalt  }
0x4c: {  	_ =	shalt  }
0x4d: {  	_ =	shalt  }
0x4e: {  	_ =	shalt  }
0x4f: {  	_ =	shalt  }
0x50: {  	_ =	shalt  }
0x51: {  	_ =	shalt  }
0x52: {  	_ =	shalt  }
0x53: {  	_ =	shalt  }
0x54: {  	_ =	shalt  }
0x55: {  	_ =	shalt  }
0x56: {  	_ =	shalt  }
0x57: {  	_ =	shalt  }
0x58: {  	_ =	shalt  }
0x59: {  	_ =	shalt  }
0x5a: {  	_ =	shalt  }
0x5b: {  	_ =	shalt  }
0x5c: {  	_ =	shalt  }
0x5d: {  	_ =	shalt  }
0x5e: {  	_ =	shalt  }
0x5f: {  	_ =	shalt  }
0x60: {  	_ =	shalt  }
0x61: {  	_ =	shalt  }
0x62: {  	_ =	shalt  }
0x63: {  	_ =	shalt  }
0x64: {  	_ =	shalt  }
0x65: {  	_ =	shalt  }
0x66: {  	_ =	shalt  }
0x67: {  	_ =	shalt  }
0x68: {  	_ =	shalt  }
0x69: {  	_ =	shalt  }
0x6a: {  	_ =	shalt  }
0x6b: {  	_ =	shalt  }
0x6c: {  	_ =	shalt  }
0x6d: {  	_ =	shalt  }
0x6e: {  	_ =	shalt  }
0x6f: {  	_ =	shalt  }
0x70: {  	_ =	shalt  }
0x71: {  	_ =	shalt  }
0x72: {  	_ =	shalt  }
0x73: {  	_ =	shalt  }
0x74: {  	_ =	shalt  }
0x75: {  	_ =	shalt  }
0x76: {  	_ =	shalt  }
0x77: {  	_ =	shalt  }
0x78: {  	_ =	shalt  }
0x79: {  	_ =	shalt  }
0x7a: {  	_ =	shalt  }
0x7b: {  	_ =	shalt  }
0x7c: {  	_ =	shalt  }
0x7d: {  	_ =	shalt  }
0x7e: {  	_ =	shalt  }
0x7f: {  	_ =	shalt  }
0x80: {  	_ =	shalt  }
0x81: {  	_ =	shalt  }
0x82: {  	_ =	shalt  }
0x83: {  	_ =	shalt  }
0x84: {  	_ =	shalt  }
0x85: {  	_ =	shalt  }
0x86: {  	_ =	shalt  }
0x87: {  	_ =	shalt  }
.Lfunc_end0:
.L_simem_size_0:
called_computation.1_lowered:
.L_overlay_start_0:
0x88: {  	s2 =	sld [smem:$0x3FD9]  }
0x89: {  	s3 =	sld [smem:$0x3FFE];
	_ =	sdelay $0x1  }
0x8a: {  	s1 =	srdreg.scid  }
0x8b: {  	s0 =	sand.u32 $0x1, s1  }
0x8c: {  	s16 =	sshll.u32 s0, $0xA;
	s2 =	sadd.s32 s3, s2  }
0x8d: {  	s2 =	sadd.s32 s2, s16  }
0x8e: {  	[smem:$0x3FAB] =	sst s2  }
0x8f: {  	_ = 	snop  }
0x90: {  	(tm) =	ssettm $0x1  }
0x91: {  	s17 =	sld [smem:$0x3FFB];
	_ =	sdelay $0x3  }
0x92: {  	_ =	strace s17  }
0x93: {  	s2 =	sld [smem:$0x3FFC];
	_ =	sdelay $0x3  }
0x94: {  	_ =	strace s2  }
0x95: {  	s2 =	sld [smem:$0x3FFD];
	_ =	sdelay $0x3  }
0x96: {  	_ =	strace s2  }
0x97: {  	_ =	strace $0x8FFFFFFF  }
0x98: {  	s18 =	sld [smem:$0x3FDB];
	_ =	sdelay $0x1  }
0x99: {  	s19 =	simm.s32 $_scs_section_size  }
0x9a: {  	s4 =	simm.s32 $_size__tile_overlayer_lowered;
	s5 =	simm.s32 $_tile_overlayer_lowered  }
0x9b: {  	s22 =	simm.s32 $0x1BFF;
	s21 =	sshll.u32 s5, $0x1;
	s2 =	sadd.s32 s19, s18  }
0x9c: {  	s6 =	simm.s32 $0x0;
	s20 =	sshll.u32 s4, $0x1;
	s4 =	sadd.s32 s21, s2  }
0x9d: {  	[timem:s6], [sflag:s22] =	dma.local [hbm:s4], s20  }
0x9e: {  	_ =	swait.ge [sflag:s22], s20  }
0x9f: {  	s3 =	ssub.s32 $0x0, s20;
	[sflag:s22] =	ssyncset.done $0x0  }
0xa0: {  	[sflag:s22] =	ssyncadd.s32 s3;
	_ =	sdelay $0x1  }
0xa1: {  	s23 =	simm.s32 $0x1B8B  }
0xa2: {  	_ =	swait.ge [sflag:s23], $0x1  }
0xa3: {  	[sflag:s23] =	ssyncset.done $0x0  }
0xa4: {  	s25 =	simm.s32 $0x1B8E;
	s24 =	sld [smem:$0x3FFE];
	[sflag:s23] =	ssyncadd.s32 $0xFFFFFFFF  }
0xa5: {  	s26 =	simm.s32 $execute0_lowered;
	[smem:$0x3FD2] =	sst s25  }
0xa6: {  	s4 =	sshll.u32 s26, $0x1;
	_ =	strace $0x80000049;
	[dreg:$0x1] =	wrdreg $0xFFFFFFFF  }
0xa7: {  	s28 =	simm.s32 $_size_execute0_lowered;
	s2 =	sadd.s32 s2, s4;
	[dreg:$0x0] =	wrdreg $0x0  }
0xa8: {  	s4 =	sshll.u32 s28, $0x1;
	[dreg:$0x2] =	wrdreg s2  }
0xa9: {  	[dreg:$0x3] =	wrdreg s4  }
0xaa: {  	[dreg:$0x4] =	wrdreg $0xC0  }
0xab: {  	_ =	task [dreg:s6], $0x5FFFF  }
0xac: {  	[dreg:$0x1] =	wrdreg $0xFFFFFFFF  }
0xad: {  	[dreg:$0x0] =	wrdreg $0x60  }
0xae: {  	[dreg:$0x2] =	wrdreg s24  }
0xaf: {  	[dreg:$0x3] =	wrdreg $0x68000  }
0xb0: {  	[dreg:$0x4] =	wrdreg $0x9  }
0xb1: {  	_ =	task.clear_ibuf [dreg:s6], $0x5FFFF;
	_ =	strace $0x90000049  }
0xb2: {  	s29 =	simm.s32 $0x9;
	_ =	strace $0x8000004B  }
0xb3: {  	_ =	swait.ge [sflag:s29], $0x1  }
0xb4: {  	[sflag:s29] =	ssyncadd.s32 $0xFFFFFFFF  }
0xb5: {  	_ =	strace $0x9000004B  }
0xb6: {  	_ =	sfence  }
0xb7: {  	s30 =	sld [smem:$0x0];
	_ =	sdelay $0x2  }
0xb8: {  	s31 =	sshll.u32 s1, $0xD;
	s1 =	sshrl.u32 s1, $0x2  }
0xb9: {  	s3 =	sand.u32 $0x4000, s31;
	s1 =	sadd.s32 s1, s30  }
0xba: {  	s0 =	sor.u32 s3, s0;
	s1 =	sshll.u32 s1, $0x11  }
0xbb: {  	s0 =	sor.u32 s1, s0  }
0xbc: {  	s0 =	sadd.s32 $0x8F2B, s0  }
0xbd: {  	[sflag:s0] =	ssyncadd.remote.s32 $0x1  }
0xbe: {  	_ =	sfence.sel $0xFFFF  }
0xbf: {  	[dreg:$0x0] =	wrdreg $0xFFFFFFFF;
	(pc) =	sbr.abs _section_cstart, $3  }
0xc0: {  	[dreg:$0x1] =	wrdreg $0xFFFFFFFF  }
0xc1: {  	_ =	task.clear_ibuf [dreg:s6], $0x2FFFF;
	_ =	strace $0x9FFFFFFF  }
0xc2: {  	(tm) =	ssettm $0x7FFFFFFF  }
0xc3: {  	_ =	shalt  }
tec
execute0_lowered:
.L_overlay_start_1:
0x0: {  	(tag) =	ssettag $0x1  }
0x1: {  	s6 =	rddreg [dreg:$0x0]  }
0x2: {  	s1 =	srdreg.scid;
	s0 =	stileid.u32  }
0x3: {  	s2 =	rddreg [dreg:$0x1];
	s3 =	simm.s32 $0x0;
	s14 =	simm.s32 $0x80  }
0x4: {  	s15 =	simm.s32 $0x2800;
	s16 =	simm.s32 $0x1;
	s4 =	smul.u32 $0x1400, s0  }
0x5: {  	s7 =	sand.u32 $0x1, s1;
	s1 =	rddreg [dreg:$0x2];
	s9 =	smul.u32 $0x28000, s0  }
0x6: {  	s17 =	simm.s32 $0x0;
	[smem:$0x7FF] =	sst s3;
	s5 =	smul.u32 $0x14000, s7  }
0x7: {  	s31 =	sshll.u32 s0, $0x6;
	_ =	strace $0x8000004A;
	s7 =	ssub.s32 $0x2, s7  }
0x8: {  	s29 =	sshrl.u32 s7, $0x1;
	s30 =	sshrl.u32 s9, $0x2;
	s8 =	sadd.s32 s4, s5  }
0x9: {  	s4 =	sadd.s32 $0x6600, s6;
	s12 =	ssub.s32 s7, s29;
	s5 =	sshrl.u32 s8, $0x3  }
0xa: {  	s13 =	sadd.s32 s30, s2;
	s11 =	sadd.s32 s8, s6;
	s10 =	sadd.s32 s5, s6  }
0xb: {  	s5 =	sadd.s32 $0x2E600, s6;
	s6 =	sor.u32 $0x1C02, s31;
	s9 =	sadd.s32 $0x30E00, s11  }
0xc: {  	s11 =	sshrl.u32 s13, $0x3;
	s13 =	simm.s32 $0x1400;
	s7 =	sadd.s32 $0xB8E00, s10  }
0xd: {  	s8 =	sadd.s32 $0xBDE00, s10;
	s10 =	smax.u32 s12, $0x1;
	s12 =	simm.s32 $0x2  }
.LBB2_1:
0xe: {  	[spmem:s11], [sflag:s6] =	dma.local [hbm:s5], $0x1400  }
0xf: {  	_ =	swait.ge [sflag:s12], $0x1400  }
0x10: {  	[sflag:s12] =	ssyncset.done $0x0  }
0x11: {  	[sflag:s12] =	ssyncadd.s32 $0xFFFFEC00  }
0x12: {  	[tilespmem:s3], [sflag:$0x2] =	stream.linear.gather [hbm4b:s7+s3], $0x1400, $0x38;
	[tilespmem:$0x10800] =	vst v63  }
0x13: {  	_ =	swait.ge [sflag:s12], $0x1400  }
0x14: {  	[sflag:s12] =	ssyncset.done $0x0  }
0x15: {  	[sflag:s12] =	ssyncadd.s32 $0xFFFFEC00  }
0x16: {  	[tilespmem:s13], [sflag:$0x2] =	stream.linear.gather [hbm4b:s8+s3], $0x1400, $0x38;
	[tilespmem:$0x10800] =	vst v63  }
0x17: {  	_ =	swait.ge [sflag:s12], $0x1400  }
0x18: {  	[sflag:s12] =	ssyncset.done $0x0  }
0x19: {  	[sflag:s12] =	ssyncadd.s32 $0xFFFFEC00  }
0x1a: {  	s18 =	simm.s32 $0x0;
	[bflag:$0x0] =	sbarrier.arrive $0xFFFF  }
0x1b: {  	[tilespmem:s15], [sflag:$0x1] =	stream.indirect.gather [hbm4b:s4+s14], $0x80, s18, s14, $0xb8;
	[tilespmem:$0x10800] =	vst v63  }
0x1c: {  	_ =	swait.ge [sflag:s16], $0x4000  }
0x1d: {  	[sflag:s16] =	ssyncset.done $0x0  }
0x1e: {  	s31 =	simm.s32 $0x1400;
	[sflag:s16] =	ssyncadd.s32 $0xFFFFC000  }
0x1f: {  	[spmem:s2] =	stream.indirect.scatter.add.f32 [tilespmem:s15], [sflag:$0x2], $0x80, s31, s14, $0xb8;
	[tilespmem:$0x10800] =	vst v63  }
0x20: {  	_ =	swait.ge [sflag:s12], $0x4000  }
0x21: {  	s19 =	simm.s32 $0x400;
	s18 =	simm.s32 $0x200;
	[sflag:s12] =	ssyncset.done $0x0  }
.LBB2_2:
0x22: {  	s20 =	sshra.s32 s18, $0x2  }
0x23: {  	[sflag:s12] =	ssyncadd.s32 $0xFFFFC000;
	s18 =	smov.u32 s19;
	s21 =	sadd.s32 $0x200, s19  }
0x24: {  	[tilespmem:s15], [sflag:$0x1] =	stream.indirect.gather [hbm4b:s4+s14], $0x80, s20, s14, $0xb8;
	[tilespmem:$0x10800] =	vst v63  }
0x25: {  	p0 =	sne.s32 s19, $0x4E00;
	_ =	swait.ge [sflag:s16], $0x4000  }
.Ltmp0:
0x26: {  	[sflag:s16] =	ssyncset.done $0x0;
	(pc) =	sbr.rel @p0 .LBB2_2-.Ltmp0, $4  }
0x27: {  	s19 =	sadd.s32 $0x1400, s20;
	[sflag:s16] =	ssyncadd.s32 $0xFFFFC000  }
0x28: {  	[spmem:s2] =	stream.indirect.scatter.add.f32 [tilespmem:s15], [sflag:$0x2], $0x80, s19, s14, $0xb8;
	[tilespmem:$0x10800] =	vst v63  }
0x29: {  	_ =	swait.ge [sflag:s12], $0x4000  }
0x2a: {  	s19 =	smov.u32 s21;
	[sflag:s12] =	ssyncset.done $0x0  }
0x2b: {  	s18 =	sshra.s32 s18, $0x2;
	[sflag:s12] =	ssyncadd.s32 $0xFFFFC000  }
0x2c: {  	[tilespmem:s15], [sflag:$0x1] =	stream.indirect.gather [hbm4b:s4+s14], $0x80, s18, s14, $0xb8;
	[tilespmem:$0x10800] =	vst v63  }
0x2d: {  	_ =	swait.ge [sflag:s16], $0x4000  }
0x2e: {  	[sflag:s16] =	ssyncset.done $0x0  }
0x2f: {  	s18 =	sadd.s32 $0x1400, s18;
	[sflag:s16] =	ssyncadd.s32 $0xFFFFC000  }
0x30: {  	[spmem:s2] =	stream.indirect.scatter.add.f32 [tilespmem:s15], [sflag:$0x2], $0x80, s18, s14, $0xb8;
	[tilespmem:$0x10800] =	vst v63  }
0x31: {  	_ =	swait.ge [sflag:s12], $0x4000  }
0x32: {  	s17 =	sadd.s32 $0x1, s17;
	[sflag:s12] =	ssyncset.done $0x0  }
0x33: {  	p0 =	sne.s32 s17, s10;
	[sflag:s12] =	ssyncadd.s32 $0xFFFFC000  }
.Ltmp1:
0x34: {  	[bflag:$0x0] =	sbarrier.arrive $0xFFFF;
	(pc) =	sbr.rel @p0 .LBB2_1-.Ltmp1, $4  }
0x35: {  	[hbm:s9], [sflag:s6] =	dma.local [spmem:s11], $0x1400  }
0x36: {  	_ =	swait.ge [sflag:s12], $0x1400  }
0x37: {  	[sflag:s12] =	ssyncset.done $0x0  }
0x38: {  	[sflag:s12] =	ssyncadd.s32 $0xFFFFEC00  }
0x39: {  	_ =	sfence.sel $0x180000  }
0x3a: {  	[bflag:$0x0] =	sbarrier.arrive $0xFFFF  }
0x3b: {  	p0 =	sne.s32 s0, $0x0;
	_ =	strace $0x9000004A  }
0x3c: {  	s0 =	sadd.s32 @!p0 $0x100000, s1;
	[bflag:$0x2] =	sbarrier.arrive $0xFFFF  }
0x3d: {  	[sflag:s0] =	ssyncadd.tile.s32 @!p0 $0x1;
	_ =	shalt  }
.Lfunc_end2:
_tile_overlayer_lowered:
.L_overlay_start_2:
0x3e: {  	(tag) =	ssettag $0x2  }
0x3f: {  	s0 =	rddreg [dreg:$0x0];
	s2 =	stileid.u32  }
0x40: {  	s1 =	rddreg [dreg:$0x1];
	p0 =	sne.s32 s2, $0x0  }
0x41: {  	s3 =	rddreg [dreg:$0x2];
	[bflag:$0x3] =	sbarrier.arrive $0xFFFF;
	s2 =	simm.s32 @!p0 $0x1C02  }
0x42: {  	[timem:s3], [sflag:s2] =	dma.local @!p0 [hbm:s0], s1  }
0x43: {  	s0 =	simm.s32 @!p0 $0x2  }
0x44: {  	_ =	swait.ge @!p0 [sflag:s0], s1  }
0x45: {  	s1 =	ssub.s32 @!p0 $0x0, s1;
	[sflag:s0] =	ssyncset.done @!p0 $0x0  }
0x46: {  	[sflag:s0] =	ssyncadd.s32 @!p0 s1  }
0x47: {  	[bflag:$0x3] =	sbarrier.arrive $0xFFFF  }
0x48: {  	_ =	shalt  }

// kernel: kernel.21.cloned.1.call-start
scs
__scs_entry_jumppad:
0x0: {  	(pc) =	sbr.rel $0x88, $3  }
0x1: {  	(tag) =	ssettag $0x0;
	lr =	simm.s32 $0x1  }
0x2: {  	[smem:$0x3F84] =	sst lr;
	_ =	strace $0xD0000000  }
0x3: {  	_ = 	snop  }
0x4: {  	_ = 	snop  }
0x5: {  	_ = 	snop  }
0x6: {  	_ = 	snop  }
0x7: {  	_ = 	snop  }
__scs_overlays_trampoline_lowered:
0x8: {  	[smem:$0x3F93] =	sst s0  }
0x9: {  	[smem:$0x3F94] =	sst s1  }
0xa: {  	[smem:$0x3F95] =	sst s2  }
0xb: {  	[smem:$0x3F96] =	sst s3  }
0xc: {  	[smem:$0x3F97] =	sst s4  }
0xd: {  	[smem:$0x3F98] =	sst s5  }
0xe: {  	[smem:$0x3F99] =	sst s6  }
0xf: {  	[smem:$0x3F9A] =	sst s7  }
0x10: {  	[smem:$0x3F9B] =	sst s8  }
0x11: {  	[smem:$0x3F9C] =	sst s9;
	s0 =	simm.s32 @!p0 $0x0  }
0x12: {  	s1 =	sld [smem:$0x3F82];
	s0 =	simm.s32 @p0 $0x1  }
0x13: {  	[smem:$0x3F9D] =	sst s0;
	s0 =	simm.s32 @!p1 $0x0  }
0x14: {  	s2 =	sld [smem:$0x3F81];
	s0 =	simm.s32 @p1 $0x1  }
0x15: {  	[smem:$0x3F9E] =	sst s0;
	s0 =	simm.s32 @!p2 $0x0  }
0x16: {  	s3 =	sld [smem:$0x3FDB];
	s0 =	simm.s32 @p2 $0x1  }
0x17: {  	s4 =	simm.s32 $0x1BF5;
	[smem:$0x3FA0] =	sst s0  }
0x18: {  	s0 =	sld [smem:$0x3F83];
	_ =	swait.ge [sflag:s4], $0x0  }
0x19: {  	s7 =	sld [smem:$0x3F84]  }
0x1a: {  	s8 =	sadd.s32 $0xFFFFE003, lr  }
0x1b: {  	s9 =	sadd.s32 $0xFFFFFEF7, lr;
	s5 =	simm.s32 $0xFFFFFFFF;
	p2 =	slt.u32 s8, $0xFFFFF086  }
0x1c: {  	p1 =	slt.u32 s9, $0xF7A;
	s5 =	simm.s32 @!p2 $0x0  }
0x1d: {  	s5 =	simm.s32 @p1 $0x1;
	p0 =	seq.s32 s7, s2  }
0x1e: {  	s7 =	smul.u32 @!p0 $0xF7A, s2;
	p2 =	seq.s32 @!p0 s5, $0x0  }
0x1f: {  	s9 =	smul.u32 $0xF7A, s1;
	s8 =	simm.s32 @!p0 $0x1BF5;
	p2 =	por !p2, p0  }
0x20: {  	[sflag:s8] =	ssyncset.s32 @!p0 $0xFFFFF086;
	s6 =	sadd.s32 @!p0 s3, s7;
	s7 =	simm.s32 @!p0 $0x108  }
0x21: {  	s3 =	sadd.s32 s3, s9;
	s6 =	sadd.s32 @!p0 $0x88, s6;
	s7 =	simm.s32 @p2 $0x1082  }
0x22: {  	[simem:s7], [sflag:s8] =	dma.local @!p0 [hbm:s6], $0xF7A  }
0x23: {  	s9 =	sor.u32 $0xD0000000, s2;
	s6 =	simm.s32 $0x108;
	_ =	swait.ge @!p0 [sflag:s8], $0x0  }
0x24: {  	s3 =	sadd.s32 $0x88, s3;
	s6 =	simm.s32 @!p1 $0x1082;
	[sflag:s4] =	ssyncset.s32 $0xFFFFF086  }
0x25: {  	[simem:s6], [sflag:s4] =	dma.local [hbm:s3], $0xF7A  }
0x26: {  	[smem:$0x3F84] =	sst s1;
	(tag) =	ssettag s2;
	_ =	strace s9  }
0x27: {  	s1 =	sld [smem:$0x3F94]  }
0x28: {  	s2 =	sld [smem:$0x3F95]  }
0x29: {  	s4 =	sld [smem:$0x3F97]  }
0x2a: {  	p0 =	seq.s32 s5, $0x0;
	s5 =	sld [smem:$0x3F98]  }
0x2b: {  	s6 =	sld [smem:$0x3F99]  }
0x2c: {  	s7 =	sld [smem:$0x3F9A]  }
0x2d: {  	s3 =	simm.s32 $0x108;
	s8 =	sld [smem:$0x3F9B]  }
0x2e: {  	s3 =	simm.s32 @!p0 $0x1082;
	s9 =	sld [smem:$0x3F9C]  }
0x2f: {  	lr =	sadd.s32 s0, s3;
	s0 =	sld [smem:$0x3F93]  }
0x30: {  	s3 =	sld [smem:$0x3F96]  }
0x31: {  	[smem:$0x3F9F] =	sst s10  }
0x32: {  	s10 =	sld [smem:$0x3F9D];
	_ =	sdelay $0x3  }
0x33: {  	p0 =	seq.s32 s10, $0x1;
	s10 =	sld [smem:$0x3F9F];
	_ =	sdelay $0x3  }
0x34: {  	[smem:$0x3F9F] =	sst s10  }
0x35: {  	s10 =	sld [smem:$0x3F9E];
	_ =	sdelay $0x3  }
0x36: {  	p1 =	seq.s32 s10, $0x1;
	s10 =	sld [smem:$0x3F9F];
	_ =	sdelay $0x3  }
0x37: {  	[smem:$0x3F9F] =	sst s10  }
0x38: {  	s10 =	sld [smem:$0x3FA0]  }
0x39: {  	_ = 	snop;
	(pc) =	sbr.ind lr, $3  }
0x3a: {  	_ = 	snop  }
0x3b: {  	_ = 	snop  }
0x3c: {  	p2 =	seq.s32 s10, $0x1;
	s10 =	sld [smem:$0x3F9F]  }
0x3d: {  	_ =	shalt  }
0x3e: {  	_ =	shalt  }
0x3f: {  	_ =	shalt  }
0x40: {  	_ =	shalt  }
0x41: {  	_ =	shalt  }
0x42: {  	_ =	shalt  }
0x43: {  	_ =	shalt  }
0x44: {  	_ =	shalt  }
0x45: {  	_ =	shalt  }
0x46: {  	_ =	shalt  }
0x47: {  	_ =	shalt  }
0x48: {  	_ =	shalt  }
0x49: {  	_ =	shalt  }
0x4a: {  	_ =	shalt  }
0x4b: {  	_ =	shalt  }
0x4c: {  	_ =	shalt  }
0x4d: {  	_ =	shalt  }
0x4e: {  	_ =	shalt  }
0x4f: {  	_ =	shalt  }
0x50: {  	_ =	shalt  }
0x51: {  	_ =	shalt  }
0x52: {  	_ =	shalt  }
0x53: {  	_ =	shalt  }
0x54: {  	_ =	shalt  }
0x55: {  	_ =	shalt  }
0x56: {  	_ =	shalt  }
0x57: {  	_ =	shalt  }
0x58: {  	_ =	shalt  }
0x59: {  	_ =	shalt  }
0x5a: {  	_ =	shalt  }
0x5b: {  	_ =	shalt  }
0x5c: {  	_ =	shalt  }
0x5d: {  	_ =	shalt  }
0x5e: {  	_ =	shalt  }
0x5f: {  	_ =	shalt  }
0x60: {  	_ =	shalt  }
0x61: {  	_ =	shalt  }
0x62: {  	_ =	shalt  }
0x63: {  	_ =	shalt  }
0x64: {  	_ =	shalt  }
0x65: {  	_ =	shalt  }
0x66: {  	_ =	shalt  }
0x67: {  	_ =	shalt  }
0x68: {  	_ =	shalt  }
0x69: {  	_ =	shalt  }
0x6a: {  	_ =	shalt  }
0x6b: {  	_ =	shalt  }
0x6c: {  	_ =	shalt  }
0x6d: {  	_ =	shalt  }
0x6e: {  	_ =	shalt  }
0x6f: {  	_ =	shalt  }
0x70: {  	_ =	shalt  }
0x71: {  	_ =	shalt  }
0x72: {  	_ =	shalt  }
0x73: {  	_ =	shalt  }
0x74: {  	_ =	shalt  }
0x75: {  	_ =	shalt  }
0x76: {  	_ =	shalt  }
0x77: {  	_ =	shalt  }
0x78: {  	_ =	shalt  }
0x79: {  	_ =	shalt  }
0x7a: {  	_ =	shalt  }
0x7b: {  	_ =	shalt  }
0x7c: {  	_ =	shalt  }
0x7d: {  	_ =	shalt  }
0x7e: {  	_ =	shalt  }
0x7f: {  	_ =	shalt  }
0x80: {  	_ =	shalt  }
0x81: {  	_ =	shalt  }
0x82: {  	_ =	shalt  }
0x83: {  	_ =	shalt  }
0x84: {  	_ =	shalt  }
0x85: {  	_ =	shalt  }
0x86: {  	_ =	shalt  }
0x87: {  	_ =	shalt  }
.Lfunc_end0:
.L_simem_size_0:
called_computation.2_lowered:
.L_overlay_start_0:
0x88: {  	s2 =	sld [smem:$0x3FD9]  }
0x89: {  	s3 =	sld [smem:$0x3FFE];
	_ =	sdelay $0x1  }
0x8a: {  	s1 =	srdreg.scid  }
0x8b: {  	s0 =	sand.u32 $0x1, s1  }
0x8c: {  	s16 =	sshll.u32 s0, $0xA;
	s2 =	sadd.s32 s3, s2  }
0x8d: {  	s2 =	sadd.s32 s2, s16  }
0x8e: {  	[smem:$0x3FAB] =	sst s2  }
0x8f: {  	_ = 	snop  }
0x90: {  	(tm) =	ssettm $0x1  }
0x91: {  	s17 =	sld [smem:$0x3FFB];
	_ =	sdelay $0x3  }
0x92: {  	_ =	strace s17  }
0x93: {  	s2 =	sld [smem:$0x3FFC];
	_ =	sdelay $0x3  }
0x94: {  	_ =	strace s2  }
0x95: {  	s2 =	sld [smem:$0x3FFD];
	_ =	sdelay $0x3  }
0x96: {  	_ =	strace s2  }
0x97: {  	_ =	strace $0x8FFFFFFF  }
0x98: {  	s18 =	sld [smem:$0x3FDB];
	_ =	sdelay $0x1  }
0x99: {  	s19 =	simm.s32 $_scs_section_size  }
0x9a: {  	s4 =	simm.s32 $_size__tile_overlayer_lowered;
	s5 =	simm.s32 $_tile_overlayer_lowered  }
0x9b: {  	s22 =	simm.s32 $0x1BFF;
	s21 =	sshll.u32 s5, $0x1;
	s2 =	sadd.s32 s19, s18  }
0x9c: {  	s6 =	simm.s32 $0x0;
	s20 =	sshll.u32 s4, $0x1;
	s4 =	sadd.s32 s21, s2  }
0x9d: {  	[timem:s6], [sflag:s22] =	dma.local [hbm:s4], s20  }
0x9e: {  	_ =	swait.ge [sflag:s22], s20  }
0x9f: {  	s3 =	ssub.s32 $0x0, s20;
	[sflag:s22] =	ssyncset.done $0x0  }
0xa0: {  	[sflag:s22] =	ssyncadd.s32 s3;
	_ =	sdelay $0x1  }
0xa1: {  	s23 =	simm.s32 $0x1B8B  }
0xa2: {  	_ =	swait.ge [sflag:s23], $0x1  }
0xa3: {  	[sflag:s23] =	ssyncset.done $0x0  }
0xa4: {  	s25 =	simm.s32 $0x1B8E;
	s24 =	sld [smem:$0x3FFE];
	[sflag:s23] =	ssyncadd.s32 $0xFFFFFFFF  }
0xa5: {  	s26 =	simm.s32 $execute0_lowered;
	[smem:$0x3FD2] =	sst s25  }
0xa6: {  	s4 =	sshll.u32 s26, $0x1;
	_ =	strace $0x8000004C;
	[dreg:$0x1] =	wrdreg $0xFFFFFFFF  }
0xa7: {  	s28 =	simm.s32 $_size_execute0_lowered;
	s2 =	sadd.s32 s2, s4;
	[dreg:$0x0] =	wrdreg $0x0  }
0xa8: {  	s4 =	sshll.u32 s28, $0x1;
	[dreg:$0x2] =	wrdreg s2  }
0xa9: {  	[dreg:$0x3] =	wrdreg s4  }
0xaa: {  	[dreg:$0x4] =	wrdreg $0xC0  }
0xab: {  	_ =	task [dreg:s6], $0x5FFFF  }
0xac: {  	[dreg:$0x1] =	wrdreg $0xFFFFFFFF  }
0xad: {  	[dreg:$0x0] =	wrdreg $0x60  }
0xae: {  	[dreg:$0x2] =	wrdreg s24  }
0xaf: {  	[dreg:$0x3] =	wrdreg $0x68000  }
0xb0: {  	[dreg:$0x4] =	wrdreg $0x9  }
0xb1: {  	_ =	task.clear_ibuf [dreg:s6], $0x5FFFF;
	_ =	strace $0x9000004C  }
0xb2: {  	s29 =	simm.s32 $0x9;
	_ =	strace $0x8000004E  }
0xb3: {  	_ =	swait.ge [sflag:s29], $0x1  }
0xb4: {  	[sflag:s29] =	ssyncadd.s32 $0xFFFFFFFF  }
0xb5: {  	_ =	strace $0x9000004E  }
0xb6: {  	_ =	sfence  }
0xb7: {  	s30 =	sld [smem:$0x0];
	_ =	sdelay $0x2  }
0xb8: {  	s31 =	sshll.u32 s1, $0xD;
	s1 =	sshrl.u32 s1, $0x2  }
0xb9: {  	s3 =	sand.u32 $0x4000, s31;
	s1 =	sadd.s32 s1, s30  }
0xba: {  	s0 =	sor.u32 s3, s0;
	s1 =	sshll.u32 s1, $0x11  }
0xbb: {  	s0 =	sor.u32 s1, s0  }
0xbc: {  	s0 =	sadd.s32 $0x8F2B, s0  }
0xbd: {  	[sflag:s0] =	ssyncadd.remote.s32 $0x1  }
0xbe: {  	_ =	sfence.sel $0xFFFF  }
0xbf: {  	[dreg:$0x0] =	wrdreg $0xFFFFFFFF;
	(pc) =	sbr.abs _section_cstart, $3  }
0xc0: {  	[dreg:$0x1] =	wrdreg $0xFFFFFFFF  }
0xc1: {  	_ =	task.clear_ibuf [dreg:s6], $0x2FFFF;
	_ =	strace $0x9FFFFFFF  }
0xc2: {  	(tm) =	ssettm $0x7FFFFFFF  }
0xc3: {  	_ =	shalt  }
tec
execute0_lowered:
.L_overlay_start_1:
0x0: {  	(tag) =	ssettag $0x1  }
0x1: {  	s6 =	rddreg [dreg:$0x0]  }
0x2: {  	s1 =	srdreg.scid;
	s0 =	stileid.u32  }
0x3: {  	s2 =	rddreg [dreg:$0x1];
	s3 =	simm.s32 $0x0;
	s14 =	simm.s32 $0x80  }
0x4: {  	s15 =	simm.s32 $0x2800;
	s16 =	simm.s32 $0x1;
	s4 =	smul.u32 $0x1400, s0  }
0x5: {  	s7 =	sand.u32 $0x1, s1;
	s1 =	rddreg [dreg:$0x2];
	s9 =	smul.u32 $0x28000, s0  }
0x6: {  	s17 =	simm.s32 $0x0;
	[smem:$0x7FF] =	sst s3;
	s5 =	smul.u32 $0x14000, s7  }
0x7: {  	s31 =	sshll.u32 s0, $0x6;
	_ =	strace $0x8000004D;
	s7 =	ssub.s32 $0x2, s7  }
0x8: {  	s29 =	sshrl.u32 s7, $0x1;
	s30 =	sshrl.u32 s9, $0x2;
	s8 =	sadd.s32 s4, s5  }
0x9: {  	s4 =	sadd.s32 $0x6600, s6;
	s12 =	ssub.s32 s7, s29;
	s5 =	sshrl.u32 s8, $0x3  }
0xa: {  	s13 =	sadd.s32 s30, s2;
	s11 =	sadd.s32 s8, s6;
	s10 =	sadd.s32 s5, s6  }
0xb: {  	s5 =	sadd.s32 $0x2E600, s6;
	s6 =	sor.u32 $0x1C02, s31;
	s9 =	sadd.s32 $0x30E00, s11  }
0xc: {  	s11 =	sshrl.u32 s13, $0x3;
	s13 =	simm.s32 $0x1400;
	s7 =	sadd.s32 $0xB8E00, s10  }
0xd: {  	s8 =	sadd.s32 $0xBDE00, s10;
	s10 =	smax.u32 s12, $0x1;
	s12 =	simm.s32 $0x2  }
.LBB2_1:
0xe: {  	[spmem:s11], [sflag:s6] =	dma.local [hbm:s5], $0x1400  }
0xf: {  	_ =	swait.ge [sflag:s12], $0x1400  }
0x10: {  	[sflag:s12] =	ssyncset.done $0x0  }
0x11: {  	[sflag:s12] =	ssyncadd.s32 $0xFFFFEC00  }
0x12: {  	[tilespmem:s3], [sflag:$0x2] =	stream.linear.gather [hbm4b:s7+s3], $0x1400, $0x38;
	[tilespmem:$0x10800] =	vst v63  }
0x13: {  	_ =	swait.ge [sflag:s12], $0x1400  }
0x14: {  	[sflag:s12] =	ssyncset.done $0x0  }
0x15: {  	[sflag:s12] =	ssyncadd.s32 $0xFFFFEC00  }
0x16: {  	[tilespmem:s13], [sflag:$0x2] =	stream.linear.gather [hbm4b:s8+s3], $0x1400, $0x38;
	[tilespmem:$0x10800] =	vst v63  }
0x17: {  	_ =	swait.ge [sflag:s12], $0x1400  }
0x18: {  	[sflag:s12] =	ssyncset.done $0x0  }
0x19: {  	[sflag:s12] =	ssyncadd.s32 $0xFFFFEC00  }
0x1a: {  	s18 =	simm.s32 $0x0;
	[bflag:$0x0] =	sbarrier.arrive $0xFFFF  }
0x1b: {  	[tilespmem:s15], [sflag:$0x1] =	stream.indirect.gather [hbm4b:s4+s14], $0x80, s18, s14, $0xb8;
	[tilespmem:$0x10800] =	vst v63  }
0x1c: {  	_ =	swait.ge [sflag:s16], $0x4000  }
0x1d: {  	[sflag:s16] =	ssyncset.done $0x0  }
0x1e: {  	s31 =	simm.s32 $0x1400;
	[sflag:s16] =	ssyncadd.s32 $0xFFFFC000  }
0x1f: {  	[spmem:s2] =	stream.indirect.scatter.add.f32 [tilespmem:s15], [sflag:$0x2], $0x80, s31, s14, $0xb8;
	[tilespmem:$0x10800] =	vst v63  }
0x20: {  	_ =	swait.ge [sflag:s12], $0x4000  }
0x21: {  	s19 =	simm.s32 $0x400;
	s18 =	simm.s32 $0x200;
	[sflag:s12] =	ssyncset.done $0x0  }
.LBB2_2:
0x22: {  	s20 =	sshra.s32 s18, $0x2  }
0x23: {  	[sflag:s12] =	ssyncadd.s32 $0xFFFFC000;
	s18 =	smov.u32 s19;
	s21 =	sadd.s32 $0x200, s19  }
0x24: {  	[tilespmem:s15], [sflag:$0x1] =	stream.indirect.gather [hbm4b:s4+s14], $0x80, s20, s14, $0xb8;
	[tilespmem:$0x10800] =	vst v63  }
0x25: {  	p0 =	sne.s32 s19, $0x4E00;
	_ =	swait.ge [sflag:s16], $0x4000  }
.Ltmp0:
0x26: {  	[sflag:s16] =	ssyncset.done $0x0;
	(pc) =	sbr.rel @p0 .LBB2_2-.Ltmp0, $4  }
0x27: {  	s19 =	sadd.s32 $0x1400, s20;
	[sflag:s16] =	ssyncadd.s32 $0xFFFFC000  }
0x28: {  	[spmem:s2] =	stream.indirect.scatter.add.f32 [tilespmem:s15], [sflag:$0x2], $0x80, s19, s14, $0xb8;
	[tilespmem:$0x10800] =	vst v63  }
0x29: {  	_ =	swait.ge [sflag:s12], $0x4000  }
0x2a: {  	s19 =	smov.u32 s21;
	[sflag:s12] =	ssyncset.done $0x0  }
0x2b: {  	s18 =	sshra.s32 s18, $0x2;
	[sflag:s12] =	ssyncadd.s32 $0xFFFFC000  }
0x2c: {  	[tilespmem:s15], [sflag:$0x1] =	stream.indirect.gather [hbm4b:s4+s14], $0x80, s18, s14, $0xb8;
	[tilespmem:$0x10800] =	vst v63  }
0x2d: {  	_ =	swait.ge [sflag:s16], $0x4000  }
0x2e: {  	[sflag:s16] =	ssyncset.done $0x0  }
0x2f: {  	s18 =	sadd.s32 $0x1400, s18;
	[sflag:s16] =	ssyncadd.s32 $0xFFFFC000  }
0x30: {  	[spmem:s2] =	stream.indirect.scatter.add.f32 [tilespmem:s15], [sflag:$0x2], $0x80, s18, s14, $0xb8;
	[tilespmem:$0x10800] =	vst v63  }
0x31: {  	_ =	swait.ge [sflag:s12], $0x4000  }
0x32: {  	s17 =	sadd.s32 $0x1, s17;
	[sflag:s12] =	ssyncset.done $0x0  }
0x33: {  	p0 =	sne.s32 s17, s10;
	[sflag:s12] =	ssyncadd.s32 $0xFFFFC000  }
.Ltmp1:
0x34: {  	[bflag:$0x0] =	sbarrier.arrive $0xFFFF;
	(pc) =	sbr.rel @p0 .LBB2_1-.Ltmp1, $4  }
0x35: {  	[hbm:s9], [sflag:s6] =	dma.local [spmem:s11], $0x1400  }
0x36: {  	_ =	swait.ge [sflag:s12], $0x1400  }
0x37: {  	[sflag:s12] =	ssyncset.done $0x0  }
0x38: {  	[sflag:s12] =	ssyncadd.s32 $0xFFFFEC00  }
0x39: {  	_ =	sfence.sel $0x180000  }
0x3a: {  	[bflag:$0x0] =	sbarrier.arrive $0xFFFF  }
0x3b: {  	p0 =	sne.s32 s0, $0x0;
	_ =	strace $0x9000004D  }
0x3c: {  	s0 =	sadd.s32 @!p0 $0x100000, s1;
	[bflag:$0x2] =	sbarrier.arrive $0xFFFF  }
0x3d: {  	[sflag:s0] =	ssyncadd.tile.s32 @!p0 $0x1;
	_ =	shalt  }
.Lfunc_end2:
_tile_overlayer_lowered:
.L_overlay_start_2:
0x3e: {  	(tag) =	ssettag $0x2  }
0x3f: {  	s0 =	rddreg [dreg:$0x0];
	s2 =	stileid.u32  }
0x40: {  	s1 =	rddreg [dreg:$0x1];
	p0 =	sne.s32 s2, $0x0  }
0x41: {  	s3 =	rddreg [dreg:$0x2];
	[bflag:$0x3] =	sbarrier.arrive $0xFFFF;
	s2 =	simm.s32 @!p0 $0x1C02  }
0x42: {  	[timem:s3], [sflag:s2] =	dma.local @!p0 [hbm:s0], s1  }
0x43: {  	s0 =	simm.s32 @!p0 $0x2  }
0x44: {  	_ =	swait.ge @!p0 [sflag:s0], s1  }
0x45: {  	s1 =	ssub.s32 @!p0 $0x0, s1;
	[sflag:s0] =	ssyncset.done @!p0 $0x0  }
0x46: {  	[sflag:s0] =	ssyncadd.s32 @!p0 s1  }
0x47: {  	[bflag:$0x3] =	sbarrier.arrive $0xFFFF  }
0x48: {  	_ =	shalt  }

// kernel: kernel.24.cloned.1.call-start
scs
__scs_entry_jumppad:
0x0: {  	(pc) =	sbr.rel $0x88, $3  }
0x1: {  	(tag) =	ssettag $0x0;
	lr =	simm.s32 $0x1  }
0x2: {  	[smem:$0x3F84] =	sst lr;
	_ =	strace $0xD0000000  }
0x3: {  	_ = 	snop  }
0x4: {  	_ = 	snop  }
0x5: {  	_ = 	snop  }
0x6: {  	_ = 	snop  }
0x7: {  	_ = 	snop  }
__scs_overlays_trampoline_lowered:
0x8: {  	[smem:$0x3F93] =	sst s0  }
0x9: {  	[smem:$0x3F94] =	sst s1  }
0xa: {  	[smem:$0x3F95] =	sst s2  }
0xb: {  	[smem:$0x3F96] =	sst s3  }
0xc: {  	[smem:$0x3F97] =	sst s4  }
0xd: {  	[smem:$0x3F98] =	sst s5  }
0xe: {  	[smem:$0x3F99] =	sst s6  }
0xf: {  	[smem:$0x3F9A] =	sst s7  }
0x10: {  	[smem:$0x3F9B] =	sst s8  }
0x11: {  	[smem:$0x3F9C] =	sst s9;
	s0 =	simm.s32 @!p0 $0x0  }
0x12: {  	s1 =	sld [smem:$0x3F82];
	s0 =	simm.s32 @p0 $0x1  }
0x13: {  	[smem:$0x3F9D] =	sst s0;
	s0 =	simm.s32 @!p1 $0x0  }
0x14: {  	s2 =	sld [smem:$0x3F81];
	s0 =	simm.s32 @p1 $0x1  }
0x15: {  	[smem:$0x3F9E] =	sst s0;
	s0 =	simm.s32 @!p2 $0x0  }
0x16: {  	s3 =	sld [smem:$0x3FDB];
	s0 =	simm.s32 @p2 $0x1  }
0x17: {  	s4 =	simm.s32 $0x1BF5;
	[smem:$0x3FA0] =	sst s0  }
0x18: {  	s0 =	sld [smem:$0x3F83];
	_ =	swait.ge [sflag:s4], $0x0  }
0x19: {  	s7 =	sld [smem:$0x3F84]  }
0x1a: {  	s8 =	sadd.s32 $0xFFFFE003, lr  }
0x1b: {  	s9 =	sadd.s32 $0xFFFFFEF7, lr;
	s5 =	simm.s32 $0xFFFFFFFF;
	p2 =	slt.u32 s8, $0xFFFFF086  }
0x1c: {  	p1 =	slt.u32 s9, $0xF7A;
	s5 =	simm.s32 @!p2 $0x0  }
0x1d: {  	s5 =	simm.s32 @p1 $0x1;
	p0 =	seq.s32 s7, s2  }
0x1e: {  	s7 =	smul.u32 @!p0 $0xF7A, s2;
	p2 =	seq.s32 @!p0 s5, $0x0  }
0x1f: {  	s9 =	smul.u32 $0xF7A, s1;
	s8 =	simm.s32 @!p0 $0x1BF5;
	p2 =	por !p2, p0  }
0x20: {  	[sflag:s8] =	ssyncset.s32 @!p0 $0xFFFFF086;
	s6 =	sadd.s32 @!p0 s3, s7;
	s7 =	simm.s32 @!p0 $0x108  }
0x21: {  	s3 =	sadd.s32 s3, s9;
	s6 =	sadd.s32 @!p0 $0x88, s6;
	s7 =	simm.s32 @p2 $0x1082  }
0x22: {  	[simem:s7], [sflag:s8] =	dma.local @!p0 [hbm:s6], $0xF7A  }
0x23: {  	s9 =	sor.u32 $0xD0000000, s2;
	s6 =	simm.s32 $0x108;
	_ =	swait.ge @!p0 [sflag:s8], $0x0  }
0x24: {  	s3 =	sadd.s32 $0x88, s3;
	s6 =	simm.s32 @!p1 $0x1082;
	[sflag:s4] =	ssyncset.s32 $0xFFFFF086  }
0x25: {  	[simem:s6], [sflag:s4] =	dma.local [hbm:s3], $0xF7A  }
0x26: {  	[smem:$0x3F84] =	sst s1;
	(tag) =	ssettag s2;
	_ =	strace s9  }
0x27: {  	s1 =	sld [smem:$0x3F94]  }
0x28: {  	s2 =	sld [smem:$0x3F95]  }
0x29: {  	s4 =	sld [smem:$0x3F97]  }
0x2a: {  	p0 =	seq.s32 s5, $0x0;
	s5 =	sld [smem:$0x3F98]  }
0x2b: {  	s6 =	sld [smem:$0x3F99]  }
0x2c: {  	s7 =	sld [smem:$0x3F9A]  }
0x2d: {  	s3 =	simm.s32 $0x108;
	s8 =	sld [smem:$0x3F9B]  }
0x2e: {  	s3 =	simm.s32 @!p0 $0x1082;
	s9 =	sld [smem:$0x3F9C]  }
0x2f: {  	lr =	sadd.s32 s0, s3;
	s0 =	sld [smem:$0x3F93]  }
0x30: {  	s3 =	sld [smem:$0x3F96]  }
0x31: {  	[smem:$0x3F9F] =	sst s10  }
0x32: {  	s10 =	sld [smem:$0x3F9D];
	_ =	sdelay $0x3  }
0x33: {  	p0 =	seq.s32 s10, $0x1;
	s10 =	sld [smem:$0x3F9F];
	_ =	sdelay $0x3  }
0x34: {  	[smem:$0x3F9F] =	sst s10  }
0x35: {  	s10 =	sld [smem:$0x3F9E];
	_ =	sdelay $0x3  }
0x36: {  	p1 =	seq.s32 s10, $0x1;
	s10 =	sld [smem:$0x3F9F];
	_ =	sdelay $0x3  }
0x37: {  	[smem:$0x3F9F] =	sst s10  }
0x38: {  	s10 =	sld [smem:$0x3FA0]  }
0x39: {  	_ = 	snop;
	(pc) =	sbr.ind lr, $3  }
0x3a: {  	_ = 	snop  }
0x3b: {  	_ = 	snop  }
0x3c: {  	p2 =	seq.s32 s10, $0x1;
	s10 =	sld [smem:$0x3F9F]  }
0x3d: {  	_ =	shalt  }
0x3e: {  	_ =	shalt  }
0x3f: {  	_ =	shalt  }
0x40: {  	_ =	shalt  }
0x41: {  	_ =	shalt  }
0x42: {  	_ =	shalt  }
0x43: {  	_ =	shalt  }
0x44: {  	_ =	shalt  }
0x45: {  	_ =	shalt  }
0x46: {  	_ =	shalt  }
0x47: {  	_ =	shalt  }
0x48: {  	_ =	shalt  }
0x49: {  	_ =	shalt  }
0x4a: {  	_ =	shalt  }
0x4b: {  	_ =	shalt  }
0x4c: {  	_ =	shalt  }
0x4d: {  	_ =	shalt  }
0x4e: {  	_ =	shalt  }
0x4f: {  	_ =	shalt  }
0x50: {  	_ =	shalt  }
0x51: {  	_ =	shalt  }
0x52: {  	_ =	shalt  }
0x53: {  	_ =	shalt  }
0x54: {  	_ =	shalt  }
0x55: {  	_ =	shalt  }
0x56: {  	_ =	shalt  }
0x57: {  	_ =	shalt  }
0x58: {  	_ =	shalt  }
0x59: {  	_ =	shalt  }
0x5a: {  	_ =	shalt  }
0x5b: {  	_ =	shalt  }
0x5c: {  	_ =	shalt  }
0x5d: {  	_ =	shalt  }
0x5e: {  	_ =	shalt  }
0x5f: {  	_ =	shalt  }
0x60: {  	_ =	shalt  }
0x61: {  	_ =	shalt  }
0x62: {  	_ =	shalt  }
0x63: {  	_ =	shalt  }
0x64: {  	_ =	shalt  }
0x65: {  	_ =	shalt  }
0x66: {  	_ =	shalt  }
0x67: {  	_ =	shalt  }
0x68: {  	_ =	shalt  }
0x69: {  	_ =	shalt  }
0x6a: {  	_ =	shalt  }
0x6b: {  	_ =	shalt  }
0x6c: {  	_ =	shalt  }
0x6d: {  	_ =	shalt  }
0x6e: {  	_ =	shalt  }
0x6f: {  	_ =	shalt  }
0x70: {  	_ =	shalt  }
0x71: {  	_ =	shalt  }
0x72: {  	_ =	shalt  }
0x73: {  	_ =	shalt  }
0x74: {  	_ =	shalt  }
0x75: {  	_ =	shalt  }
0x76: {  	_ =	shalt  }
0x77: {  	_ =	shalt  }
0x78: {  	_ =	shalt  }
0x79: {  	_ =	shalt  }
0x7a: {  	_ =	shalt  }
0x7b: {  	_ =	shalt  }
0x7c: {  	_ =	shalt  }
0x7d: {  	_ =	shalt  }
0x7e: {  	_ =	shalt  }
0x7f: {  	_ =	shalt  }
0x80: {  	_ =	shalt  }
0x81: {  	_ =	shalt  }
0x82: {  	_ =	shalt  }
0x83: {  	_ =	shalt  }
0x84: {  	_ =	shalt  }
0x85: {  	_ =	shalt  }
0x86: {  	_ =	shalt  }
0x87: {  	_ =	shalt  }
.Lfunc_end0:
.L_simem_size_0:
called_computation.3_lowered:
.L_overlay_start_0:
0x88: {  	s2 =	sld [smem:$0x3FD9]  }
0x89: {  	s3 =	sld [smem:$0x3FFE];
	_ =	sdelay $0x1  }
0x8a: {  	s1 =	srdreg.scid  }
0x8b: {  	s0 =	sand.u32 $0x1, s1  }
0x8c: {  	s16 =	sshll.u32 s0, $0xA;
	s2 =	sadd.s32 s3, s2  }
0x8d: {  	s2 =	sadd.s32 s2, s16  }
0x8e: {  	[smem:$0x3FAB] =	sst s2  }
0x8f: {  	_ = 	snop  }
0x90: {  	(tm) =	ssettm $0x1  }
0x91: {  	s17 =	sld [smem:$0x3FFB];
	_ =	sdelay $0x3  }
0x92: {  	_ =	strace s17  }
0x93: {  	s2 =	sld [smem:$0x3FFC];
	_ =	sdelay $0x3  }
0x94: {  	_ =	strace s2  }
0x95: {  	s2 =	sld [smem:$0x3FFD];
	_ =	sdelay $0x3  }
0x96: {  	_ =	strace s2  }
0x97: {  	_ =	strace $0x8FFFFFFF  }
0x98: {  	s18 =	sld [smem:$0x3FDB];
	_ =	sdelay $0x1  }
0x99: {  	s19 =	simm.s32 $_scs_section_size  }
0x9a: {  	s4 =	simm.s32 $_size__tile_overlayer_lowered;
	s5 =	simm.s32 $_tile_overlayer_lowered  }
0x9b: {  	s22 =	simm.s32 $0x1BFF;
	s21 =	sshll.u32 s5, $0x1;
	s2 =	sadd.s32 s19, s18  }
0x9c: {  	s6 =	simm.s32 $0x0;
	s20 =	sshll.u32 s4, $0x1;
	s4 =	sadd.s32 s21, s2  }
0x9d: {  	[timem:s6], [sflag:s22] =	dma.local [hbm:s4], s20  }
0x9e: {  	_ =	swait.ge [sflag:s22], s20  }
0x9f: {  	s3 =	ssub.s32 $0x0, s20;
	[sflag:s22] =	ssyncset.done $0x0  }
0xa0: {  	[sflag:s22] =	ssyncadd.s32 s3;
	_ =	sdelay $0x1  }
0xa1: {  	s23 =	simm.s32 $0x1B8B  }
0xa2: {  	_ =	swait.ge [sflag:s23], $0x1  }
0xa3: {  	[sflag:s23] =	ssyncset.done $0x0  }
0xa4: {  	s25 =	simm.s32 $0x1B8E;
	s24 =	sld [smem:$0x3FFE];
	[sflag:s23] =	ssyncadd.s32 $0xFFFFFFFF  }
0xa5: {  	s26 =	simm.s32 $execute0_lowered;
	[smem:$0x3FD2] =	sst s25  }
0xa6: {  	s4 =	sshll.u32 s26, $0x1;
	_ =	strace $0x8000004F;
	[dreg:$0x1] =	wrdreg $0xFFFFFFFF  }
0xa7: {  	s28 =	simm.s32 $_size_execute0_lowered;
	s2 =	sadd.s32 s2, s4;
	[dreg:$0x0] =	wrdreg $0x0  }
0xa8: {  	s4 =	sshll.u32 s28, $0x1;
	[dreg:$0x2] =	wrdreg s2  }
0xa9: {  	[dreg:$0x3] =	wrdreg s4  }
0xaa: {  	[dreg:$0x4] =	wrdreg $0xC0  }
0xab: {  	_ =	task [dreg:s6], $0x5FFFF  }
0xac: {  	[dreg:$0x1] =	wrdreg $0xFFFFFFFF  }
0xad: {  	[dreg:$0x0] =	wrdreg $0x60  }
0xae: {  	[dreg:$0x2] =	wrdreg s24  }
0xaf: {  	[dreg:$0x3] =	wrdreg $0x9  }
0xb0: {  	_ =	task.clear_ibuf [dreg:s6], $0x4FFFF;
	_ =	strace $0x9000004F  }
0xb1: {  	s29 =	simm.s32 $0x9;
	_ =	strace $0x80000051  }
0xb2: {  	_ =	swait.ge [sflag:s29], $0x1  }
0xb3: {  	[sflag:s29] =	ssyncadd.s32 $0xFFFFFFFF  }
0xb4: {  	_ =	strace $0x90000051  }
0xb5: {  	_ =	sfence  }
0xb6: {  	s30 =	sld [smem:$0x0];
	_ =	sdelay $0x2  }
0xb7: {  	s31 =	sshll.u32 s1, $0xD;
	s1 =	sshrl.u32 s1, $0x2  }
0xb8: {  	s3 =	sand.u32 $0x4000, s31;
	s1 =	sadd.s32 s1, s30  }
0xb9: {  	s0 =	sor.u32 s3, s0;
	s1 =	sshll.u32 s1, $0x11  }
0xba: {  	s0 =	sor.u32 s1, s0  }
0xbb: {  	s0 =	sadd.s32 $0x8F2B, s0  }
0xbc: {  	[sflag:s0] =	ssyncadd.remote.s32 $0x1  }
0xbd: {  	_ =	sfence.sel $0xFFFF  }
0xbe: {  	[dreg:$0x0] =	wrdreg $0xFFFFFFFF;
	(pc) =	sbr.abs _section_cstart, $3  }
0xbf: {  	[dreg:$0x1] =	wrdreg $0xFFFFFFFF  }
0xc0: {  	_ =	task.clear_ibuf [dreg:s6], $0x2FFFF;
	_ =	strace $0x9FFFFFFF  }
0xc1: {  	(tm) =	ssettm $0x7FFFFFFF  }
tec
execute0_lowered:
.L_overlay_start_1:
0x0: {  	(tag) =	ssettag $0x1  }
0x1: {  	s23 =	rddreg [dreg:$0x0]  }
0x2: {  	s1 =	stileid.u32;
	s2 =	srdreg.scid  }
0x3: {  	s0 =	rddreg [dreg:$0x1];
	s3 =	sshll.u32 s1, $0x7;
	s18 =	sand.u32 $0x1, s2  }
0x4: {  	s2 =	simm.s32 $0x0;
	s3 =	sadd.s32 s3, s23;
	s4 =	sshll.u32 s18, $0xB  }
0x5: {  	[smem:$0x7FF] =	sst s2;
	s3 =	sadd.s32 s4, s3  }
0x6: {  	_ =	strace $0x80000050;
	s4 =	sadd.s32 $0x58E00, s3;
	s3 =	simm.s32 $0x2  }
0x7: {  	[tilespmem:s2], [sflag:$0x2] =	stream.linear.gather [hbm4b:s4+s2], $0x400, $0x38;
	[tilespmem:$0x14400] =	vst v63  }
0x8: {  	s6 =	simm.s32 $0x50;
	_ =	swait.ge [sflag:s3], $0x400  }
0x9: {  	s7 =	simm.s32 $0x400;
	s8 =	simm.s32 $0x80;
	[sflag:s3] =	ssyncset.done $0x0  }
0xa: {  	s9 =	simm.s32 $0x2C00;
	s5 =	sadd.s32 $0x6600, s23;
	[sflag:s3] =	ssyncadd.s32 $0xFFFFFC00  }
0xb: {  	[tilespmem:s7], [sflag:$0x1] =	stream.indirect.gather [hbm4b:s5+s6], $0x80, s2, s6, $0xb8;
	[tilespmem:$0x14400] =	vst v63  }
0xc: {  	s10 =	simm.s32 $0x100;
	s11 =	simm.s32 $0x5400;
	s12 =	simm.s32 $0x180  }
0xd: {  	[tilespmem:s9], [sflag:$0x1] =	stream.indirect.gather [hbm4b:s5+s6], $0x80, s8, s6, $0xb8;
	[tilespmem:$0x14400] =	vst v63  }
0xe: {  	s13 =	simm.s32 $0x7C00;
	s15 =	simm.s32 $0xA400;
	s17 =	simm.s32 $0xCC00  }
0xf: {  	[tilespmem:s11], [sflag:$0x1] =	stream.indirect.gather [hbm4b:s5+s6], $0x80, s10, s6, $0xb8;
	[tilespmem:$0x14400] =	vst v63  }
0x10: {  	s19 =	simm.s32 $0xF400;
	s20 =	simm.s32 $0x380;
	s14 =	sshll.u32 s18, $0x4  }
0x11: {  	[tilespmem:s13], [sflag:$0x1] =	stream.indirect.gather [hbm4b:s5+s6], $0x80, s12, s6, $0xb8;
	[tilespmem:$0x14400] =	vst v63  }
0x12: {  	s25 =	ssub.s32 $0x2, s18;
	s16 =	sor.u32 s1, s14;
	s14 =	simm.s32 $0x200  }
0x13: {  	[tilespmem:s15], [sflag:$0x1] =	stream.indirect.gather [hbm4b:s5+s6], $0x80, s14, s6, $0xb8;
	[tilespmem:$0x14400] =	vst v63  }
0x14: {  	s26 =	sshrl.u32 s25, $0x1;
	s24 =	smul.u32 $0x2800, s16;
	s16 =	simm.s32 $0x280  }
0x15: {  	[tilespmem:s17], [sflag:$0x1] =	stream.indirect.gather [hbm4b:s5+s6], $0x80, s16, s6, $0xb8;
	[tilespmem:$0x14400] =	vst v63  }
0x16: {  	s21 =	simm.s32 $0x11C00;
	s18 =	simm.s32 $0x300;
	s31 =	ssub.s32 s25, s26  }
0x17: {  	[tilespmem:s19], [sflag:$0x1] =	stream.indirect.gather [hbm4b:s5+s6], $0x80, s18, s6, $0xb8;
	[tilespmem:$0x14400] =	vst v63  }
0x18: {  	s22 =	simm.s32 $0x1;
	s23 =	sadd.s32 s24, s23;
	s24 =	smax.u32 s31, $0x1  }
0x19: {  	[tilespmem:s21], [sflag:$0x1] =	stream.indirect.gather [hbm4b:s5+s6], $0x80, s20, s6, $0xb8;
	[tilespmem:$0x14400] =	vst v63  }
0x1a: {  	p0 =	sne.s32 s24, $0x1;
	_ =	swait.ge [sflag:s22], $0x14000  }
.Ltmp0:
0x1b: {  	[sflag:s22] =	ssyncset.done $0x0;
	(pc) =	sbr.rel @!p0 .LBB2_2-.Ltmp0, $4  }
0x1c: {  	s23 =	sadd.s32 $0xB8E00, s23;
	[sflag:s22] =	ssyncadd.s32 $0xFFFEC000  }
0x1d: {  	[hbm4b:s23+s2] =	stream.linear.scatter [tilespmem:s7], [sflag:$0x2], $0x14000, $0x38;
	[tilespmem:$0x14400] =	vst v63  }
0x1e: {  	_ =	swait.ge [sflag:s3], $0x14000  }
0x1f: {  	s24 =	sadd.s32 $0xFFFFFFFF, s24;
	[sflag:s3] =	ssyncset.done $0x0  }
.LBB2_1:
0x20: {  	p0 =	sne.s32 s24, $0x1;
	s24 =	sadd.s32 $0xFFFFFFFF, s24;
	[sflag:s3] =	ssyncadd.s32 $0xFFFEC000  }
0x21: {  	[tilespmem:s2], [sflag:$0x2] =	stream.linear.gather [hbm4b:s4+s2], $0x400, $0x38;
	[tilespmem:$0x14400] =	vst v63  }
0x22: {  	_ =	swait.ge [sflag:s3], $0x400  }
0x23: {  	[sflag:s3] =	ssyncset.done $0x0  }
0x24: {  	[sflag:s3] =	ssyncadd.s32 $0xFFFFFC00  }
0x25: {  	[tilespmem:s7], [sflag:$0x1] =	stream.indirect.gather [hbm4b:s5+s6], $0x80, s2, s6, $0xb8;
	[tilespmem:$0x14400] =	vst v63  }
0x26: {  	_ = 	snop  }
0x27: {  	[tilespmem:s9], [sflag:$0x1] =	stream.indirect.gather [hbm4b:s5+s6], $0x80, s8, s6, $0xb8;
	[tilespmem:$0x14400] =	vst v63  }
0x28: {  	_ = 	snop  }
0x29: {  	[tilespmem:s11], [sflag:$0x1] =	stream.indirect.gather [hbm4b:s5+s6], $0x80, s10, s6, $0xb8;
	[tilespmem:$0x14400] =	vst v63  }
0x2a: {  	_ = 	snop  }
0x2b: {  	[tilespmem:s13], [sflag:$0x1] =	stream.indirect.gather [hbm4b:s5+s6], $0x80, s12, s6, $0xb8;
	[tilespmem:$0x14400] =	vst v63  }
0x2c: {  	_ = 	snop  }
0x2d: {  	[tilespmem:s15], [sflag:$0x1] =	stream.indirect.gather [hbm4b:s5+s6], $0x80, s14, s6, $0xb8;
	[tilespmem:$0x14400] =	vst v63  }
0x2e: {  	_ = 	snop  }
0x2f: {  	[tilespmem:s17], [sflag:$0x1] =	stream.indirect.gather [hbm4b:s5+s6], $0x80, s16, s6, $0xb8;
	[tilespmem:$0x14400] =	vst v63  }
0x30: {  	_ = 	snop  }
0x31: {  	[tilespmem:s19], [sflag:$0x1] =	stream.indirect.gather [hbm4b:s5+s6], $0x80, s18, s6, $0xb8;
	[tilespmem:$0x14400] =	vst v63  }
0x32: {  	_ = 	snop  }
0x33: {  	[tilespmem:s21], [sflag:$0x1] =	stream.indirect.gather [hbm4b:s5+s6], $0x80, s20, s6, $0xb8;
	[tilespmem:$0x14400] =	vst v63  }
0x34: {  	_ =	swait.ge [sflag:s22], $0x14000  }
.Ltmp1:
0x35: {  	[sflag:s22] =	ssyncset.done $0x0;
	(pc) =	sbr.rel @p0 .LBB2_1-.Ltmp1, $4  }
0x36: {  	[sflag:s22] =	ssyncadd.s32 $0xFFFEC000  }
0x37: {  	[hbm4b:s23+s2] =	stream.linear.scatter [tilespmem:s7], [sflag:$0x2], $0x14000, $0x38;
	[tilespmem:$0x14400] =	vst v63  }
0x38: {  	_ =	swait.ge [sflag:s3], $0x14000  }
0x39: {  	[sflag:s3] =	ssyncset.done $0x0  }
.LBB2_2:
0x3a: {  	[sflag:s3] =	ssyncadd.s32 $0xFFFEC000  }
0x3b: {  	_ =	sfence.sel $0x180000  }
0x3c: {  	[bflag:$0x0] =	sbarrier.arrive $0xFFFF  }
0x3d: {  	p0 =	sne.s32 s1, $0x0;
	_ =	strace $0x90000050  }
0x3e: {  	s0 =	sadd.s32 @!p0 $0x100000, s0;
	[bflag:$0x2] =	sbarrier.arrive $0xFFFF  }
0x3f: {  	[sflag:s0] =	ssyncadd.tile.s32 @!p0 $0x1;
	_ =	shalt  }
.Lfunc_end2:
_tile_overlayer_lowered:
.L_overlay_start_2:
0x40: {  	(tag) =	ssettag $0x2  }
0x41: {  	s0 =	rddreg [dreg:$0x0];
	s2 =	stileid.u32  }
0x42: {  	s1 =	rddreg [dreg:$0x1];
	p0 =	sne.s32 s2, $0x0  }
0x43: {  	s3 =	rddreg [dreg:$0x2];
	[bflag:$0x3] =	sbarrier.arrive $0xFFFF;
	s2 =	simm.s32 @!p0 $0x1C02  }
0x44: {  	[timem:s3], [sflag:s2] =	dma.local @!p0 [hbm:s0], s1  }
0x45: {  	s0 =	simm.s32 @!p0 $0x2  }
0x46: {  	_ =	swait.ge @!p0 [sflag:s0], s1  }
0x47: {  	s1 =	ssub.s32 @!p0 $0x0, s1;
	[sflag:s0] =	ssyncset.done @!p0 $0x0  }
0x48: {  	[sflag:s0] =	ssyncadd.s32 @!p0 s1  }
0x49: {  	[bflag:$0x3] =	sbarrier.arrive $0xFFFF  }
0x4a: {  	_ =	shalt  }

// kernel: kernel.27.cloned.1.call-start
scs
__scs_entry_jumppad:
0x0: {  	(pc) =	sbr.rel $0x88, $3  }
0x1: {  	(tag) =	ssettag $0x0;
	lr =	simm.s32 $0x1  }
0x2: {  	[smem:$0x3F84] =	sst lr;
	_ =	strace $0xD0000000  }
0x3: {  	_ = 	snop  }
0x4: {  	_ = 	snop  }
0x5: {  	_ = 	snop  }
0x6: {  	_ = 	snop  }
0x7: {  	_ = 	snop  }
__scs_overlays_trampoline_lowered:
0x8: {  	[smem:$0x3F93] =	sst s0  }
0x9: {  	[smem:$0x3F94] =	sst s1  }
0xa: {  	[smem:$0x3F95] =	sst s2  }
0xb: {  	[smem:$0x3F96] =	sst s3  }
0xc: {  	[smem:$0x3F97] =	sst s4  }
0xd: {  	[smem:$0x3F98] =	sst s5  }
0xe: {  	[smem:$0x3F99] =	sst s6  }
0xf: {  	[smem:$0x3F9A] =	sst s7  }
0x10: {  	[smem:$0x3F9B] =	sst s8  }
0x11: {  	[smem:$0x3F9C] =	sst s9;
	s0 =	simm.s32 @!p0 $0x0  }
0x12: {  	s1 =	sld [smem:$0x3F82];
	s0 =	simm.s32 @p0 $0x1  }
0x13: {  	[smem:$0x3F9D] =	sst s0;
	s0 =	simm.s32 @!p1 $0x0  }
0x14: {  	s2 =	sld [smem:$0x3F81];
	s0 =	simm.s32 @p1 $0x1  }
0x15: {  	[smem:$0x3F9E] =	sst s0;
	s0 =	simm.s32 @!p2 $0x0  }
0x16: {  	s3 =	sld [smem:$0x3FDB];
	s0 =	simm.s32 @p2 $0x1  }
0x17: {  	s4 =	simm.s32 $0x1BF5;
	[smem:$0x3FA0] =	sst s0  }
0x18: {  	s0 =	sld [smem:$0x3F83];
	_ =	swait.ge [sflag:s4], $0x0  }
0x19: {  	s7 =	sld [smem:$0x3F84]  }
0x1a: {  	s8 =	sadd.s32 $0xFFFFE003, lr  }
0x1b: {  	s9 =	sadd.s32 $0xFFFFFEF7, lr;
	s5 =	simm.s32 $0xFFFFFFFF;
	p2 =	slt.u32 s8, $0xFFFFF086  }
0x1c: {  	p1 =	slt.u32 s9, $0xF7A;
	s5 =	simm.s32 @!p2 $0x0  }
0x1d: {  	s5 =	simm.s32 @p1 $0x1;
	p0 =	seq.s32 s7, s2  }
0x1e: {  	s7 =	smul.u32 @!p0 $0xF7A, s2;
	p2 =	seq.s32 @!p0 s5, $0x0  }
0x1f: {  	s9 =	smul.u32 $0xF7A, s1;
	s8 =	simm.s32 @!p0 $0x1BF5;
	p2 =	por !p2, p0  }
0x20: {  	[sflag:s8] =	ssyncset.s32 @!p0 $0xFFFFF086;
	s6 =	sadd.s32 @!p0 s3, s7;
	s7 =	simm.s32 @!p0 $0x108  }
0x21: {  	s3 =	sadd.s32 s3, s9;
	s6 =	sadd.s32 @!p0 $0x88, s6;
	s7 =	simm.s32 @p2 $0x1082  }
0x22: {  	[simem:s7], [sflag:s8] =	dma.local @!p0 [hbm:s6], $0xF7A  }
0x23: {  	s9 =	sor.u32 $0xD0000000, s2;
	s6 =	simm.s32 $0x108;
	_ =	swait.ge @!p0 [sflag:s8], $0x0  }
0x24: {  	s3 =	sadd.s32 $0x88, s3;
	s6 =	simm.s32 @!p1 $0x1082;
	[sflag:s4] =	ssyncset.s32 $0xFFFFF086  }
0x25: {  	[simem:s6], [sflag:s4] =	dma.local [hbm:s3], $0xF7A  }
0x26: {  	[smem:$0x3F84] =	sst s1;
	(tag) =	ssettag s2;
	_ =	strace s9  }
0x27: {  	s1 =	sld [smem:$0x3F94]  }
0x28: {  	s2 =	sld [smem:$0x3F95]  }
0x29: {  	s4 =	sld [smem:$0x3F97]  }
0x2a: {  	p0 =	seq.s32 s5, $0x0;
	s5 =	sld [smem:$0x3F98]  }
0x2b: {  	s6 =	sld [smem:$0x3F99]  }
0x2c: {  	s7 =	sld [smem:$0x3F9A]  }
0x2d: {  	s3 =	simm.s32 $0x108;
	s8 =	sld [smem:$0x3F9B]  }
0x2e: {  	s3 =	simm.s32 @!p0 $0x1082;
	s9 =	sld [smem:$0x3F9C]  }
0x2f: {  	lr =	sadd.s32 s0, s3;
	s0 =	sld [smem:$0x3F93]  }
0x30: {  	s3 =	sld [smem:$0x3F96]  }
0x31: {  	[smem:$0x3F9F] =	sst s10  }
0x32: {  	s10 =	sld [smem:$0x3F9D];
	_ =	sdelay $0x3  }
0x33: {  	p0 =	seq.s32 s10, $0x1;
	s10 =	sld [smem:$0x3F9F];
	_ =	sdelay $0x3  }
0x34: {  	[smem:$0x3F9F] =	sst s10  }
0x35: {  	s10 =	sld [smem:$0x3F9E];
	_ =	sdelay $0x3  }
0x36: {  	p1 =	seq.s32 s10, $0x1;
	s10 =	sld [smem:$0x3F9F];
	_ =	sdelay $0x3  }
0x37: {  	[smem:$0x3F9F] =	sst s10  }
0x38: {  	s10 =	sld [smem:$0x3FA0]  }
0x39: {  	_ = 	snop;
	(pc) =	sbr.ind lr, $3  }
0x3a: {  	_ = 	snop  }
0x3b: {  	_ = 	snop  }
0x3c: {  	p2 =	seq.s32 s10, $0x1;
	s10 =	sld [smem:$0x3F9F]  }
0x3d: {  	_ =	shalt  }
0x3e: {  	_ =	shalt  }
0x3f: {  	_ =	shalt  }
0x40: {  	_ =	shalt  }
0x41: {  	_ =	shalt  }
0x42: {  	_ =	shalt  }
0x43: {  	_ =	shalt  }
0x44: {  	_ =	shalt  }
0x45: {  	_ =	shalt  }
0x46: {  	_ =	shalt  }
0x47: {  	_ =	shalt  }
0x48: {  	_ =	shalt  }
0x49: {  	_ =	shalt  }
0x4a: {  	_ =	shalt  }
0x4b: {  	_ =	shalt  }
0x4c: {  	_ =	shalt  }
0x4d: {  	_ =	shalt  }
0x4e: {  	_ =	shalt  }
0x4f: {  	_ =	shalt  }
0x50: {  	_ =	shalt  }
0x51: {  	_ =	shalt  }
0x52: {  	_ =	shalt  }
0x53: {  	_ =	shalt  }
0x54: {  	_ =	shalt  }
0x55: {  	_ =	shalt  }
0x56: {  	_ =	shalt  }
0x57: {  	_ =	shalt  }
0x58: {  	_ =	shalt  }
0x59: {  	_ =	shalt  }
0x5a: {  	_ =	shalt  }
0x5b: {  	_ =	shalt  }
0x5c: {  	_ =	shalt  }
0x5d: {  	_ =	shalt  }
0x5e: {  	_ =	shalt  }
0x5f: {  	_ =	shalt  }
0x60: {  	_ =	shalt  }
0x61: {  	_ =	shalt  }
0x62: {  	_ =	shalt  }
0x63: {  	_ =	shalt  }
0x64: {  	_ =	shalt  }
0x65: {  	_ =	shalt  }
0x66: {  	_ =	shalt  }
0x67: {  	_ =	shalt  }
0x68: {  	_ =	shalt  }
0x69: {  	_ =	shalt  }
0x6a: {  	_ =	shalt  }
0x6b: {  	_ =	shalt  }
0x6c: {  	_ =	shalt  }
0x6d: {  	_ =	shalt  }
0x6e: {  	_ =	shalt  }
0x6f: {  	_ =	shalt  }
0x70: {  	_ =	shalt  }
0x71: {  	_ =	shalt  }
0x72: {  	_ =	shalt  }
0x73: {  	_ =	shalt  }
0x74: {  	_ =	shalt  }
0x75: {  	_ =	shalt  }
0x76: {  	_ =	shalt  }
0x77: {  	_ =	shalt  }
0x78: {  	_ =	shalt  }
0x79: {  	_ =	shalt  }
0x7a: {  	_ =	shalt  }
0x7b: {  	_ =	shalt  }
0x7c: {  	_ =	shalt  }
0x7d: {  	_ =	shalt  }
0x7e: {  	_ =	shalt  }
0x7f: {  	_ =	shalt  }
0x80: {  	_ =	shalt  }
0x81: {  	_ =	shalt  }
0x82: {  	_ =	shalt  }
0x83: {  	_ =	shalt  }
0x84: {  	_ =	shalt  }
0x85: {  	_ =	shalt  }
0x86: {  	_ =	shalt  }
0x87: {  	_ =	shalt  }
.Lfunc_end0:
.L_simem_size_0:
called_computation.4_lowered:
.L_overlay_start_0:
0x88: {  	s2 =	sld [smem:$0x3FD9]  }
0x89: {  	s3 =	sld [smem:$0x3FFE];
	_ =	sdelay $0x1  }
0x8a: {  	s1 =	srdreg.scid  }
0x8b: {  	s0 =	sand.u32 $0x1, s1  }
0x8c: {  	s16 =	sshll.u32 s0, $0xA;
	s2 =	sadd.s32 s3, s2  }
0x8d: {  	s2 =	sadd.s32 s2, s16  }
0x8e: {  	[smem:$0x3FAB] =	sst s2  }
0x8f: {  	_ = 	snop  }
0x90: {  	(tm) =	ssettm $0x1  }
0x91: {  	s17 =	sld [smem:$0x3FFB];
	_ =	sdelay $0x3  }
0x92: {  	_ =	strace s17  }
0x93: {  	s2 =	sld [smem:$0x3FFC];
	_ =	sdelay $0x3  }
0x94: {  	_ =	strace s2  }
0x95: {  	s2 =	sld [smem:$0x3FFD];
	_ =	sdelay $0x3  }
0x96: {  	_ =	strace s2  }
0x97: {  	_ =	strace $0x8FFFFFFF  }
0x98: {  	s18 =	sld [smem:$0x3FDB];
	_ =	sdelay $0x1  }
0x99: {  	s19 =	simm.s32 $_scs_section_size  }
0x9a: {  	s4 =	simm.s32 $_size__tile_overlayer_lowered;
	s5 =	simm.s32 $_tile_overlayer_lowered  }
0x9b: {  	s22 =	simm.s32 $0x1BFF;
	s21 =	sshll.u32 s5, $0x1;
	s2 =	sadd.s32 s19, s18  }
0x9c: {  	s6 =	simm.s32 $0x0;
	s20 =	sshll.u32 s4, $0x1;
	s4 =	sadd.s32 s21, s2  }
0x9d: {  	[timem:s6], [sflag:s22] =	dma.local [hbm:s4], s20  }
0x9e: {  	_ =	swait.ge [sflag:s22], s20  }
0x9f: {  	s3 =	ssub.s32 $0x0, s20;
	[sflag:s22] =	ssyncset.done $0x0  }
0xa0: {  	[sflag:s22] =	ssyncadd.s32 s3;
	_ =	sdelay $0x1  }
0xa1: {  	s23 =	simm.s32 $0x1B8B  }
0xa2: {  	_ =	swait.ge [sflag:s23], $0x1  }
0xa3: {  	[sflag:s23] =	ssyncset.done $0x0  }
0xa4: {  	s25 =	simm.s32 $0x1B8E;
	s24 =	sld [smem:$0x3FFE];
	[sflag:s23] =	ssyncadd.s32 $0xFFFFFFFF  }
0xa5: {  	s26 =	simm.s32 $execute0_lowered;
	[smem:$0x3FD2] =	sst s25  }
0xa6: {  	s4 =	sshll.u32 s26, $0x1;
	_ =	strace $0x80000052;
	[dreg:$0x1] =	wrdreg $0xFFFFFFFF  }
0xa7: {  	s28 =	simm.s32 $_size_execute0_lowered;
	s2 =	sadd.s32 s2, s4;
	[dreg:$0x0] =	wrdreg $0x0  }
0xa8: {  	s4 =	sshll.u32 s28, $0x1;
	[dreg:$0x2] =	wrdreg s2  }
0xa9: {  	[dreg:$0x3] =	wrdreg s4  }
0xaa: {  	[dreg:$0x4] =	wrdreg $0xC0  }
0xab: {  	_ =	task [dreg:s6], $0x5FFFF  }
0xac: {  	[dreg:$0x1] =	wrdreg $0xFFFFFFFF  }
0xad: {  	[dreg:$0x0] =	wrdreg $0x60  }
0xae: {  	[dreg:$0x2] =	wrdreg s24  }
0xaf: {  	[dreg:$0x3] =	wrdreg $0x90000  }
0xb0: {  	[dreg:$0x4] =	wrdreg $0x9  }
0xb1: {  	_ =	task.clear_ibuf [dreg:s6], $0x5FFFF;
	_ =	strace $0x90000052  }
0xb2: {  	s29 =	simm.s32 $0x9;
	_ =	strace $0x80000054  }
0xb3: {  	_ =	swait.ge [sflag:s29], $0x1  }
0xb4: {  	[sflag:s29] =	ssyncadd.s32 $0xFFFFFFFF  }
0xb5: {  	_ =	strace $0x90000054  }
0xb6: {  	_ =	sfence  }
0xb7: {  	s30 =	sld [smem:$0x0];
	_ =	sdelay $0x2  }
0xb8: {  	s31 =	sshll.u32 s1, $0xD;
	s1 =	sshrl.u32 s1, $0x2  }
0xb9: {  	s3 =	sand.u32 $0x4000, s31;
	s1 =	sadd.s32 s1, s30  }
0xba: {  	s0 =	sor.u32 s3, s0;
	s1 =	sshll.u32 s1, $0x11  }
0xbb: {  	s0 =	sor.u32 s1, s0  }
0xbc: {  	s0 =	sadd.s32 $0x8F2B, s0  }
0xbd: {  	[sflag:s0] =	ssyncadd.remote.s32 $0x1  }
0xbe: {  	_ =	sfence.sel $0xFFFF  }
0xbf: {  	[dreg:$0x0] =	wrdreg $0xFFFFFFFF;
	(pc) =	sbr.abs _section_cstart, $3  }
0xc0: {  	[dreg:$0x1] =	wrdreg $0xFFFFFFFF  }
0xc1: {  	_ =	task.clear_ibuf [dreg:s6], $0x2FFFF;
	_ =	strace $0x9FFFFFFF  }
0xc2: {  	(tm) =	ssettm $0x7FFFFFFF  }
0xc3: {  	_ =	shalt  }
tec
execute0_lowered:
.L_overlay_start_1:
0x0: {  	(tag) =	ssettag $0x1  }
0x1: {  	s6 =	rddreg [dreg:$0x0]  }
0x2: {  	s1 =	srdreg.scid;
	s0 =	stileid.u32  }
0x3: {  	s2 =	rddreg [dreg:$0x1];
	s3 =	simm.s32 $0x0;
	s14 =	simm.s32 $0x80  }
0x4: {  	s15 =	simm.s32 $0x5000;
	s16 =	simm.s32 $0x1;
	s4 =	smul.u32 $0x2800, s0  }
0x5: {  	s7 =	sand.u32 $0x1, s1;
	s1 =	rddreg [dreg:$0x2];
	s9 =	smul.u32 $0x50000, s0  }
0x6: {  	s17 =	simm.s32 $0x0;
	[smem:$0x7FF] =	sst s3;
	s5 =	smul.u32 $0x28000, s7  }
0x7: {  	s31 =	sshll.u32 s0, $0x6;
	_ =	strace $0x80000053;
	s7 =	ssub.s32 $0x2, s7  }
0x8: {  	s29 =	sshrl.u32 s7, $0x1;
	s30 =	sshrl.u32 s9, $0x2;
	s8 =	sadd.s32 s4, s5  }
0x9: {  	s4 =	sadd.s32 $0x63E00, s6;
	s12 =	ssub.s32 s7, s29;
	s5 =	sshrl.u32 s8, $0x3  }
0xa: {  	s13 =	sadd.s32 s30, s2;
	s11 =	sadd.s32 s8, s6;
	s10 =	sadd.s32 s5, s6  }
0xb: {  	s5 =	sadd.s32 $0x2E600, s6;
	s6 =	sor.u32 $0x1C02, s31;
	s9 =	sadd.s32 $0xB3E00, s11  }
0xc: {  	s11 =	sshrl.u32 s13, $0x3;
	s13 =	simm.s32 $0x2800;
	s7 =	sadd.s32 $0x59E00, s10  }
0xd: {  	s8 =	sadd.s32 $0x30E00, s10;
	s10 =	smax.u32 s12, $0x1;
	s12 =	simm.s32 $0x2  }
.LBB2_1:
0xe: {  	[spmem:s11], [sflag:s6] =	dma.local [hbm:s5], $0x2800  }
0xf: {  	_ =	swait.ge [sflag:s12], $0x2800  }
0x10: {  	[sflag:s12] =	ssyncset.done $0x0  }
0x11: {  	[sflag:s12] =	ssyncadd.s32 $0xFFFFD800  }
0x12: {  	[tilespmem:s3], [sflag:$0x2] =	stream.linear.gather [hbm4b:s7+s3], $0x2800, $0x38;
	[tilespmem:$0x1D000] =	vst v63  }
0x13: {  	_ =	swait.ge [sflag:s12], $0x2800  }
0x14: {  	[sflag:s12] =	ssyncset.done $0x0  }
0x15: {  	[sflag:s12] =	ssyncadd.s32 $0xFFFFD800  }
0x16: {  	[tilespmem:s13], [sflag:$0x2] =	stream.linear.gather [hbm4b:s8+s3], $0x2800, $0x38;
	[tilespmem:$0x1D000] =	vst v63  }
0x17: {  	_ =	swait.ge [sflag:s12], $0x2800  }
0x18: {  	[sflag:s12] =	ssyncset.done $0x0  }
0x19: {  	[sflag:s12] =	ssyncadd.s32 $0xFFFFD800  }
0x1a: {  	s18 =	simm.s32 $0x0;
	[bflag:$0x0] =	sbarrier.arrive $0xFFFF  }
0x1b: {  	[tilespmem:s15], [sflag:$0x1] =	stream.indirect.gather [hbm4b:s4+s14], $0x80, s18, s14, $0xb8;
	[tilespmem:$0x1D000] =	vst v63  }
0x1c: {  	_ =	swait.ge [sflag:s16], $0x4000  }
0x1d: {  	[sflag:s16] =	ssyncset.done $0x0  }
0x1e: {  	s31 =	simm.s32 $0x2800;
	[sflag:s16] =	ssyncadd.s32 $0xFFFFC000  }
0x1f: {  	[spmem:s2] =	stream.indirect.scatter.add.f32 [tilespmem:s15], [sflag:$0x2], $0x80, s31, s14, $0xb8;
	[tilespmem:$0x1D000] =	vst v63  }
0x20: {  	_ =	swait.ge [sflag:s12], $0x4000  }
0x21: {  	s19 =	simm.s32 $0x400;
	s18 =	simm.s32 $0x200;
	[sflag:s12] =	ssyncset.done $0x0  }
.LBB2_2:
0x22: {  	s20 =	sshra.s32 s18, $0x2  }
0x23: {  	[sflag:s12] =	ssyncadd.s32 $0xFFFFC000;
	s18 =	smov.u32 s19;
	s21 =	sadd.s32 $0x200, s19  }
0x24: {  	[tilespmem:s15], [sflag:$0x1] =	stream.indirect.gather [hbm4b:s4+s14], $0x80, s20, s14, $0xb8;
	[tilespmem:$0x1D000] =	vst v63  }
0x25: {  	p0 =	sne.s32 s19, $0x9E00;
	_ =	swait.ge [sflag:s16], $0x4000  }
.Ltmp0:
0x26: {  	[sflag:s16] =	ssyncset.done $0x0;
	(pc) =	sbr.rel @p0 .LBB2_2-.Ltmp0, $4  }
0x27: {  	s19 =	sadd.s32 $0x2800, s20;
	[sflag:s16] =	ssyncadd.s32 $0xFFFFC000  }
0x28: {  	[spmem:s2] =	stream.indirect.scatter.add.f32 [tilespmem:s15], [sflag:$0x2], $0x80, s19, s14, $0xb8;
	[tilespmem:$0x1D000] =	vst v63  }
0x29: {  	_ =	swait.ge [sflag:s12], $0x4000  }
0x2a: {  	s19 =	smov.u32 s21;
	[sflag:s12] =	ssyncset.done $0x0  }
0x2b: {  	s18 =	sshra.s32 s18, $0x2;
	[sflag:s12] =	ssyncadd.s32 $0xFFFFC000  }
0x2c: {  	[tilespmem:s15], [sflag:$0x1] =	stream.indirect.gather [hbm4b:s4+s14], $0x80, s18, s14, $0xb8;
	[tilespmem:$0x1D000] =	vst v63  }
0x2d: {  	_ =	swait.ge [sflag:s16], $0x4000  }
0x2e: {  	[sflag:s16] =	ssyncset.done $0x0  }
0x2f: {  	s18 =	sadd.s32 $0x2800, s18;
	[sflag:s16] =	ssyncadd.s32 $0xFFFFC000  }
0x30: {  	[spmem:s2] =	stream.indirect.scatter.add.f32 [tilespmem:s15], [sflag:$0x2], $0x80, s18, s14, $0xb8;
	[tilespmem:$0x1D000] =	vst v63  }
0x31: {  	_ =	swait.ge [sflag:s12], $0x4000  }
0x32: {  	s17 =	sadd.s32 $0x1, s17;
	[sflag:s12] =	ssyncset.done $0x0  }
0x33: {  	p0 =	sne.s32 s17, s10;
	[sflag:s12] =	ssyncadd.s32 $0xFFFFC000  }
.Ltmp1:
0x34: {  	[bflag:$0x0] =	sbarrier.arrive $0xFFFF;
	(pc) =	sbr.rel @p0 .LBB2_1-.Ltmp1, $4  }
0x35: {  	[hbm:s9], [sflag:s6] =	dma.local [spmem:s11], $0x2800  }
0x36: {  	_ =	swait.ge [sflag:s12], $0x2800  }
0x37: {  	[sflag:s12] =	ssyncset.done $0x0  }
0x38: {  	[sflag:s12] =	ssyncadd.s32 $0xFFFFD800  }
0x39: {  	_ =	sfence.sel $0x180000  }
0x3a: {  	[bflag:$0x0] =	sbarrier.arrive $0xFFFF  }
0x3b: {  	p0 =	sne.s32 s0, $0x0;
	_ =	strace $0x90000053  }
0x3c: {  	s0 =	sadd.s32 @!p0 $0x100000, s1;
	[bflag:$0x2] =	sbarrier.arrive $0xFFFF  }
0x3d: {  	[sflag:s0] =	ssyncadd.tile.s32 @!p0 $0x1;
	_ =	shalt  }
.Lfunc_end2:
_tile_overlayer_lowered:
.L_overlay_start_2:
0x3e: {  	(tag) =	ssettag $0x2  }
0x3f: {  	s0 =	rddreg [dreg:$0x0];
	s2 =	stileid.u32  }
0x40: {  	s1 =	rddreg [dreg:$0x1];
	p0 =	sne.s32 s2, $0x0  }
0x41: {  	s3 =	rddreg [dreg:$0x2];
	[bflag:$0x3] =	sbarrier.arrive $0xFFFF;
	s2 =	simm.s32 @!p0 $0x1C02  }
0x42: {  	[timem:s3], [sflag:s2] =	dma.local @!p0 [hbm:s0], s1  }
0x43: {  	s0 =	simm.s32 @!p0 $0x2  }
0x44: {  	_ =	swait.ge @!p0 [sflag:s0], s1  }
0x45: {  	s1 =	ssub.s32 @!p0 $0x0, s1;
	[sflag:s0] =	ssyncset.done @!p0 $0x0  }
0x46: {  	[sflag:s0] =	ssyncadd.s32 @!p0 s1  }
0x47: {  	[bflag:$0x3] =	sbarrier.arrive $0xFFFF  }
0x48: {  	_ =	shalt  }

// kernel: kernel.30.cloned.1.call-start
scs
__scs_entry_jumppad:
0x0: {  	(pc) =	sbr.rel $0x88, $3  }
0x1: {  	(tag) =	ssettag $0x0;
	lr =	simm.s32 $0x1  }
0x2: {  	[smem:$0x3F84] =	sst lr;
	_ =	strace $0xD0000000  }
0x3: {  	_ = 	snop  }
0x4: {  	_ = 	snop  }
0x5: {  	_ = 	snop  }
0x6: {  	_ = 	snop  }
0x7: {  	_ = 	snop  }
__scs_overlays_trampoline_lowered:
0x8: {  	[smem:$0x3F93] =	sst s0  }
0x9: {  	[smem:$0x3F94] =	sst s1  }
0xa: {  	[smem:$0x3F95] =	sst s2  }
0xb: {  	[smem:$0x3F96] =	sst s3  }
0xc: {  	[smem:$0x3F97] =	sst s4  }
0xd: {  	[smem:$0x3F98] =	sst s5  }
0xe: {  	[smem:$0x3F99] =	sst s6  }
0xf: {  	[smem:$0x3F9A] =	sst s7  }
0x10: {  	[smem:$0x3F9B] =	sst s8  }
0x11: {  	[smem:$0x3F9C] =	sst s9;
	s0 =	simm.s32 @!p0 $0x0  }
0x12: {  	s1 =	sld [smem:$0x3F82];
	s0 =	simm.s32 @p0 $0x1  }
0x13: {  	[smem:$0x3F9D] =	sst s0;
	s0 =	simm.s32 @!p1 $0x0  }
0x14: {  	s2 =	sld [smem:$0x3F81];
	s0 =	simm.s32 @p1 $0x1  }
0x15: {  	[smem:$0x3F9E] =	sst s0;
	s0 =	simm.s32 @!p2 $0x0  }
0x16: {  	s3 =	sld [smem:$0x3FDB];
	s0 =	simm.s32 @p2 $0x1  }
0x17: {  	s4 =	simm.s32 $0x1BF5;
	[smem:$0x3FA0] =	sst s0  }
0x18: {  	s0 =	sld [smem:$0x3F83];
	_ =	swait.ge [sflag:s4], $0x0  }
0x19: {  	s7 =	sld [smem:$0x3F84]  }
0x1a: {  	s8 =	sadd.s32 $0xFFFFE003, lr  }
0x1b: {  	s9 =	sadd.s32 $0xFFFFFEF7, lr;
	s5 =	simm.s32 $0xFFFFFFFF;
	p2 =	slt.u32 s8, $0xFFFFF086  }
0x1c: {  	p1 =	slt.u32 s9, $0xF7A;
	s5 =	simm.s32 @!p2 $0x0  }
0x1d: {  	s5 =	simm.s32 @p1 $0x1;
	p0 =	seq.s32 s7, s2  }
0x1e: {  	s7 =	smul.u32 @!p0 $0xF7A, s2;
	p2 =	seq.s32 @!p0 s5, $0x0  }
0x1f: {  	s9 =	smul.u32 $0xF7A, s1;
	s8 =	simm.s32 @!p0 $0x1BF5;
	p2 =	por !p2, p0  }
0x20: {  	[sflag:s8] =	ssyncset.s32 @!p0 $0xFFFFF086;
	s6 =	sadd.s32 @!p0 s3, s7;
	s7 =	simm.s32 @!p0 $0x108  }
0x21: {  	s3 =	sadd.s32 s3, s9;
	s6 =	sadd.s32 @!p0 $0x88, s6;
	s7 =	simm.s32 @p2 $0x1082  }
0x22: {  	[simem:s7], [sflag:s8] =	dma.local @!p0 [hbm:s6], $0xF7A  }
0x23: {  	s9 =	sor.u32 $0xD0000000, s2;
	s6 =	simm.s32 $0x108;
	_ =	swait.ge @!p0 [sflag:s8], $0x0  }
0x24: {  	s3 =	sadd.s32 $0x88, s3;
	s6 =	simm.s32 @!p1 $0x1082;
	[sflag:s4] =	ssyncset.s32 $0xFFFFF086  }
0x25: {  	[simem:s6], [sflag:s4] =	dma.local [hbm:s3], $0xF7A  }
0x26: {  	[smem:$0x3F84] =	sst s1;
	(tag) =	ssettag s2;
	_ =	strace s9  }
0x27: {  	s1 =	sld [smem:$0x3F94]  }
0x28: {  	s2 =	sld [smem:$0x3F95]  }
0x29: {  	s4 =	sld [smem:$0x3F97]  }
0x2a: {  	p0 =	seq.s32 s5, $0x0;
	s5 =	sld [smem:$0x3F98]  }
0x2b: {  	s6 =	sld [smem:$0x3F99]  }
0x2c: {  	s7 =	sld [smem:$0x3F9A]  }
0x2d: {  	s3 =	simm.s32 $0x108;
	s8 =	sld [smem:$0x3F9B]  }
0x2e: {  	s3 =	simm.s32 @!p0 $0x1082;
	s9 =	sld [smem:$0x3F9C]  }
0x2f: {  	lr =	sadd.s32 s0, s3;
	s0 =	sld [smem:$0x3F93]  }
0x30: {  	s3 =	sld [smem:$0x3F96]  }
0x31: {  	[smem:$0x3F9F] =	sst s10  }
0x32: {  	s10 =	sld [smem:$0x3F9D];
	_ =	sdelay $0x3  }
0x33: {  	p0 =	seq.s32 s10, $0x1;
	s10 =	sld [smem:$0x3F9F];
	_ =	sdelay $0x3  }
0x34: {  	[smem:$0x3F9F] =	sst s10  }
0x35: {  	s10 =	sld [smem:$0x3F9E];
	_ =	sdelay $0x3  }
0x36: {  	p1 =	seq.s32 s10, $0x1;
	s10 =	sld [smem:$0x3F9F];
	_ =	sdelay $0x3  }
0x37: {  	[smem:$0x3F9F] =	sst s10  }
0x38: {  	s10 =	sld [smem:$0x3FA0]  }
0x39: {  	_ = 	snop;
	(pc) =	sbr.ind lr, $3  }
0x3a: {  	_ = 	snop  }
0x3b: {  	_ = 	snop  }
0x3c: {  	p2 =	seq.s32 s10, $0x1;
	s10 =	sld [smem:$0x3F9F]  }
0x3d: {  	_ =	shalt  }
0x3e: {  	_ =	shalt  }
0x3f: {  	_ =	shalt  }
0x40: {  	_ =	shalt  }
0x41: {  	_ =	shalt  }
0x42: {  	_ =	shalt  }
0x43: {  	_ =	shalt  }
0x44: {  	_ =	shalt  }
0x45: {  	_ =	shalt  }
0x46: {  	_ =	shalt  }
0x47: {  	_ =	shalt  }
0x48: {  	_ =	shalt  }
0x49: {  	_ =	shalt  }
0x4a: {  	_ =	shalt  }
0x4b: {  	_ =	shalt  }
0x4c: {  	_ =	shalt  }
0x4d: {  	_ =	shalt  }
0x4e: {  	_ =	shalt  }
0x4f: {  	_ =	shalt  }
0x50: {  	_ =	shalt  }
0x51: {  	_ =	shalt  }
0x52: {  	_ =	shalt  }
0x53: {  	_ =	shalt  }
0x54: {  	_ =	shalt  }
0x55: {  	_ =	shalt  }
0x56: {  	_ =	shalt  }
0x57: {  	_ =	shalt  }
0x58: {  	_ =	shalt  }
0x59: {  	_ =	shalt  }
0x5a: {  	_ =	shalt  }
0x5b: {  	_ =	shalt  }
0x5c: {  	_ =	shalt  }
0x5d: {  	_ =	shalt  }
0x5e: {  	_ =	shalt  }
0x5f: {  	_ =	shalt  }
0x60: {  	_ =	shalt  }
0x61: {  	_ =	shalt  }
0x62: {  	_ =	shalt  }
0x63: {  	_ =	shalt  }
0x64: {  	_ =	shalt  }
0x65: {  	_ =	shalt  }
0x66: {  	_ =	shalt  }
0x67: {  	_ =	shalt  }
0x68: {  	_ =	shalt  }
0x69: {  	_ =	shalt  }
0x6a: {  	_ =	shalt  }
0x6b: {  	_ =	shalt  }
0x6c: {  	_ =	shalt  }
0x6d: {  	_ =	shalt  }
0x6e: {  	_ =	shalt  }
0x6f: {  	_ =	shalt  }
0x70: {  	_ =	shalt  }
0x71: {  	_ =	shalt  }
0x72: {  	_ =	shalt  }
0x73: {  	_ =	shalt  }
0x74: {  	_ =	shalt  }
0x75: {  	_ =	shalt  }
0x76: {  	_ =	shalt  }
0x77: {  	_ =	shalt  }
0x78: {  	_ =	shalt  }
0x79: {  	_ =	shalt  }
0x7a: {  	_ =	shalt  }
0x7b: {  	_ =	shalt  }
0x7c: {  	_ =	shalt  }
0x7d: {  	_ =	shalt  }
0x7e: {  	_ =	shalt  }
0x7f: {  	_ =	shalt  }
0x80: {  	_ =	shalt  }
0x81: {  	_ =	shalt  }
0x82: {  	_ =	shalt  }
0x83: {  	_ =	shalt  }
0x84: {  	_ =	shalt  }
0x85: {  	_ =	shalt  }
0x86: {  	_ =	shalt  }
0x87: {  	_ =	shalt  }
.Lfunc_end0:
.L_simem_size_0:
called_computation.5_lowered:
.L_overlay_start_0:
0x88: {  	s2 =	sld [smem:$0x3FD9]  }
0x89: {  	s3 =	sld [smem:$0x3FFE];
	_ =	sdelay $0x1  }
0x8a: {  	s1 =	srdreg.scid  }
0x8b: {  	s0 =	sand.u32 $0x1, s1  }
0x8c: {  	s16 =	sshll.u32 s0, $0xA;
	s2 =	sadd.s32 s3, s2  }
0x8d: {  	s2 =	sadd.s32 s2, s16  }
0x8e: {  	[smem:$0x3FAB] =	sst s2  }
0x8f: {  	_ = 	snop  }
0x90: {  	(tm) =	ssettm $0x1  }
0x91: {  	s17 =	sld [smem:$0x3FFB];
	_ =	sdelay $0x3  }
0x92: {  	_ =	strace s17  }
0x93: {  	s2 =	sld [smem:$0x3FFC];
	_ =	sdelay $0x3  }
0x94: {  	_ =	strace s2  }
0x95: {  	s2 =	sld [smem:$0x3FFD];
	_ =	sdelay $0x3  }
0x96: {  	_ =	strace s2  }
0x97: {  	_ =	strace $0x8FFFFFFF  }
0x98: {  	s18 =	sld [smem:$0x3FDB];
	_ =	sdelay $0x1  }
0x99: {  	s19 =	simm.s32 $_scs_section_size  }
0x9a: {  	s4 =	simm.s32 $_size__tile_overlayer_lowered;
	s5 =	simm.s32 $_tile_overlayer_lowered  }
0x9b: {  	s22 =	simm.s32 $0x1BFF;
	s21 =	sshll.u32 s5, $0x1;
	s2 =	sadd.s32 s19, s18  }
0x9c: {  	s6 =	simm.s32 $0x0;
	s20 =	sshll.u32 s4, $0x1;
	s4 =	sadd.s32 s21, s2  }
0x9d: {  	[timem:s6], [sflag:s22] =	dma.local [hbm:s4], s20  }
0x9e: {  	_ =	swait.ge [sflag:s22], s20  }
0x9f: {  	s3 =	ssub.s32 $0x0, s20;
	[sflag:s22] =	ssyncset.done $0x0  }
0xa0: {  	[sflag:s22] =	ssyncadd.s32 s3;
	_ =	sdelay $0x1  }
0xa1: {  	s23 =	simm.s32 $0x1B8B  }
0xa2: {  	_ =	swait.ge [sflag:s23], $0x1  }
0xa3: {  	[sflag:s23] =	ssyncset.done $0x0  }
0xa4: {  	s25 =	simm.s32 $0x1B8E;
	s24 =	sld [smem:$0x3FFE];
	[sflag:s23] =	ssyncadd.s32 $0xFFFFFFFF  }
0xa5: {  	s26 =	simm.s32 $execute0_lowered;
	[smem:$0x3FD2] =	sst s25  }
0xa6: {  	s4 =	sshll.u32 s26, $0x1;
	_ =	strace $0x80000055;
	[dreg:$0x1] =	wrdreg $0xFFFFFFFF  }
0xa7: {  	s28 =	simm.s32 $_size_execute0_lowered;
	s2 =	sadd.s32 s2, s4;
	[dreg:$0x0] =	wrdreg $0x0  }
0xa8: {  	s4 =	sshll.u32 s28, $0x1;
	[dreg:$0x2] =	wrdreg s2  }
0xa9: {  	[dreg:$0x3] =	wrdreg s4  }
0xaa: {  	[dreg:$0x4] =	wrdreg $0xC0  }
0xab: {  	_ =	task [dreg:s6], $0x5FFFF  }
0xac: {  	[dreg:$0x1] =	wrdreg $0xFFFFFFFF  }
0xad: {  	[dreg:$0x0] =	wrdreg $0x60  }
0xae: {  	[dreg:$0x2] =	wrdreg s24  }
0xaf: {  	[dreg:$0x3] =	wrdreg $0x90000  }
0xb0: {  	[dreg:$0x4] =	wrdreg $0x9  }
0xb1: {  	_ =	task.clear_ibuf [dreg:s6], $0x5FFFF;
	_ =	strace $0x90000055  }
0xb2: {  	s29 =	simm.s32 $0x9;
	_ =	strace $0x80000057  }
0xb3: {  	_ =	swait.ge [sflag:s29], $0x1  }
0xb4: {  	[sflag:s29] =	ssyncadd.s32 $0xFFFFFFFF  }
0xb5: {  	_ =	strace $0x90000057  }
0xb6: {  	_ =	sfence  }
0xb7: {  	s30 =	sld [smem:$0x0];
	_ =	sdelay $0x2  }
0xb8: {  	s31 =	sshll.u32 s1, $0xD;
	s1 =	sshrl.u32 s1, $0x2  }
0xb9: {  	s3 =	sand.u32 $0x4000, s31;
	s1 =	sadd.s32 s1, s30  }
0xba: {  	s0 =	sor.u32 s3, s0;
	s1 =	sshll.u32 s1, $0x11  }
0xbb: {  	s0 =	sor.u32 s1, s0  }
0xbc: {  	s0 =	sadd.s32 $0x8F2B, s0  }
0xbd: {  	[sflag:s0] =	ssyncadd.remote.s32 $0x1  }
0xbe: {  	_ =	sfence.sel $0xFFFF  }
0xbf: {  	[dreg:$0x0] =	wrdreg $0xFFFFFFFF;
	(pc) =	sbr.abs _section_cstart, $3  }
0xc0: {  	[dreg:$0x1] =	wrdreg $0xFFFFFFFF  }
0xc1: {  	_ =	task.clear_ibuf [dreg:s6], $0x2FFFF;
	_ =	strace $0x9FFFFFFF  }
0xc2: {  	(tm) =	ssettm $0x7FFFFFFF  }
0xc3: {  	_ =	shalt  }
tec
execute0_lowered:
.L_overlay_start_1:
0x0: {  	(tag) =	ssettag $0x1  }
0x1: {  	s6 =	rddreg [dreg:$0x0]  }
0x2: {  	s1 =	srdreg.scid;
	s0 =	stileid.u32  }
0x3: {  	s2 =	rddreg [dreg:$0x1];
	s3 =	simm.s32 $0x0;
	s14 =	simm.s32 $0x80  }
0x4: {  	s15 =	simm.s32 $0x5000;
	s16 =	simm.s32 $0x1;
	s4 =	smul.u32 $0x2800, s0  }
0x5: {  	s7 =	sand.u32 $0x1, s1;
	s1 =	rddreg [dreg:$0x2];
	s9 =	smul.u32 $0x50000, s0  }
0x6: {  	s17 =	simm.s32 $0x0;
	[smem:$0x7FF] =	sst s3;
	s5 =	smul.u32 $0x28000, s7  }
0x7: {  	s31 =	sshll.u32 s0, $0x6;
	_ =	strace $0x80000056;
	s7 =	ssub.s32 $0x2, s7  }
0x8: {  	s29 =	sshrl.u32 s7, $0x1;
	s30 =	sshrl.u32 s9, $0x2;
	s8 =	sadd.s32 s4, s5  }
0x9: {  	s4 =	sadd.s32 $0x63E00, s6;
	s12 =	ssub.s32 s7, s29;
	s5 =	sshrl.u32 s8, $0x3  }
0xa: {  	s13 =	sadd.s32 s30, s2;
	s11 =	sadd.s32 s8, s6;
	s10 =	sadd.s32 s5, s6  }
0xb: {  	s5 =	sadd.s32 $0x2E600, s6;
	s6 =	sor.u32 $0x1C02, s31;
	s9 =	sadd.s32 $0xB3E00, s11  }
0xc: {  	s11 =	sshrl.u32 s13, $0x3;
	s13 =	simm.s32 $0x2800;
	s7 =	sadd.s32 $0x59E00, s10  }
0xd: {  	s8 =	sadd.s32 $0x30E00, s10;
	s10 =	smax.u32 s12, $0x1;
	s12 =	simm.s32 $0x2  }
.LBB2_1:
0xe: {  	[spmem:s11], [sflag:s6] =	dma.local [hbm:s5], $0x2800  }
0xf: {  	_ =	swait.ge [sflag:s12], $0x2800  }
0x10: {  	[sflag:s12] =	ssyncset.done $0x0  }
0x11: {  	[sflag:s12] =	ssyncadd.s32 $0xFFFFD800  }
0x12: {  	[tilespmem:s3], [sflag:$0x2] =	stream.linear.gather [hbm4b:s7+s3], $0x2800, $0x38;
	[tilespmem:$0x1D000] =	vst v63  }
0x13: {  	_ =	swait.ge [sflag:s12], $0x2800  }
0x14: {  	[sflag:s12] =	ssyncset.done $0x0  }
0x15: {  	[sflag:s12] =	ssyncadd.s32 $0xFFFFD800  }
0x16: {  	[tilespmem:s13], [sflag:$0x2] =	stream.linear.gather [hbm4b:s8+s3], $0x2800, $0x38;
	[tilespmem:$0x1D000] =	vst v63  }
0x17: {  	_ =	swait.ge [sflag:s12], $0x2800  }
0x18: {  	[sflag:s12] =	ssyncset.done $0x0  }
0x19: {  	[sflag:s12] =	ssyncadd.s32 $0xFFFFD800  }
0x1a: {  	s18 =	simm.s32 $0x0;
	[bflag:$0x0] =	sbarrier.arrive $0xFFFF  }
0x1b: {  	[tilespmem:s15], [sflag:$0x1] =	stream.indirect.gather [hbm4b:s4+s14], $0x80, s18, s14, $0xb8;
	[tilespmem:$0x1D000] =	vst v63  }
0x1c: {  	_ =	swait.ge [sflag:s16], $0x4000  }
0x1d: {  	[sflag:s16] =	ssyncset.done $0x0  }
0x1e: {  	s31 =	simm.s32 $0x2800;
	[sflag:s16] =	ssyncadd.s32 $0xFFFFC000  }
0x1f: {  	[spmem:s2] =	stream.indirect.scatter.add.f32 [tilespmem:s15], [sflag:$0x2], $0x80, s31, s14, $0xb8;
	[tilespmem:$0x1D000] =	vst v63  }
0x20: {  	_ =	swait.ge [sflag:s12], $0x4000  }
0x21: {  	s19 =	simm.s32 $0x400;
	s18 =	simm.s32 $0x200;
	[sflag:s12] =	ssyncset.done $0x0  }
.LBB2_2:
0x22: {  	s20 =	sshra.s32 s18, $0x2  }
0x23: {  	[sflag:s12] =	ssyncadd.s32 $0xFFFFC000;
	s18 =	smov.u32 s19;
	s21 =	sadd.s32 $0x200, s19  }
0x24: {  	[tilespmem:s15], [sflag:$0x1] =	stream.indirect.gather [hbm4b:s4+s14], $0x80, s20, s14, $0xb8;
	[tilespmem:$0x1D000] =	vst v63  }
0x25: {  	p0 =	sne.s32 s19, $0x9E00;
	_ =	swait.ge [sflag:s16], $0x4000  }
.Ltmp0:
0x26: {  	[sflag:s16] =	ssyncset.done $0x0;
	(pc) =	sbr.rel @p0 .LBB2_2-.Ltmp0, $4  }
0x27: {  	s19 =	sadd.s32 $0x2800, s20;
	[sflag:s16] =	ssyncadd.s32 $0xFFFFC000  }
0x28: {  	[spmem:s2] =	stream.indirect.scatter.add.f32 [tilespmem:s15], [sflag:$0x2], $0x80, s19, s14, $0xb8;
	[tilespmem:$0x1D000] =	vst v63  }
0x29: {  	_ =	swait.ge [sflag:s12], $0x4000  }
0x2a: {  	s19 =	smov.u32 s21;
	[sflag:s12] =	ssyncset.done $0x0  }
0x2b: {  	s18 =	sshra.s32 s18, $0x2;
	[sflag:s12] =	ssyncadd.s32 $0xFFFFC000  }
0x2c: {  	[tilespmem:s15], [sflag:$0x1] =	stream.indirect.gather [hbm4b:s4+s14], $0x80, s18, s14, $0xb8;
	[tilespmem:$0x1D000] =	vst v63  }
0x2d: {  	_ =	swait.ge [sflag:s16], $0x4000  }
0x2e: {  	[sflag:s16] =	ssyncset.done $0x0  }
0x2f: {  	s18 =	sadd.s32 $0x2800, s18;
	[sflag:s16] =	ssyncadd.s32 $0xFFFFC000  }
0x30: {  	[spmem:s2] =	stream.indirect.scatter.add.f32 [tilespmem:s15], [sflag:$0x2], $0x80, s18, s14, $0xb8;
	[tilespmem:$0x1D000] =	vst v63  }
0x31: {  	_ =	swait.ge [sflag:s12], $0x4000  }
0x32: {  	s17 =	sadd.s32 $0x1, s17;
	[sflag:s12] =	ssyncset.done $0x0  }
0x33: {  	p0 =	sne.s32 s17, s10;
	[sflag:s12] =	ssyncadd.s32 $0xFFFFC000  }
.Ltmp1:
0x34: {  	[bflag:$0x0] =	sbarrier.arrive $0xFFFF;
	(pc) =	sbr.rel @p0 .LBB2_1-.Ltmp1, $4  }
0x35: {  	[hbm:s9], [sflag:s6] =	dma.local [spmem:s11], $0x2800  }
0x36: {  	_ =	swait.ge [sflag:s12], $0x2800  }
0x37: {  	[sflag:s12] =	ssyncset.done $0x0  }
0x38: {  	[sflag:s12] =	ssyncadd.s32 $0xFFFFD800  }
0x39: {  	_ =	sfence.sel $0x180000  }
0x3a: {  	[bflag:$0x0] =	sbarrier.arrive $0xFFFF  }
0x3b: {  	p0 =	sne.s32 s0, $0x0;
	_ =	strace $0x90000056  }
0x3c: {  	s0 =	sadd.s32 @!p0 $0x100000, s1;
	[bflag:$0x2] =	sbarrier.arrive $0xFFFF  }
0x3d: {  	[sflag:s0] =	ssyncadd.tile.s32 @!p0 $0x1;
	_ =	shalt  }
.Lfunc_end2:
_tile_overlayer_lowered:
.L_overlay_start_2:
0x3e: {  	(tag) =	ssettag $0x2  }
0x3f: {  	s0 =	rddreg [dreg:$0x0];
	s2 =	stileid.u32  }
0x40: {  	s1 =	rddreg [dreg:$0x1];
	p0 =	sne.s32 s2, $0x0  }
0x41: {  	s3 =	rddreg [dreg:$0x2];
	[bflag:$0x3] =	sbarrier.arrive $0xFFFF;
	s2 =	simm.s32 @!p0 $0x1C02  }
0x42: {  	[timem:s3], [sflag:s2] =	dma.local @!p0 [hbm:s0], s1  }
0x43: {  	s0 =	simm.s32 @!p0 $0x2  }
0x44: {  	_ =	swait.ge @!p0 [sflag:s0], s1  }
0x45: {  	s1 =	ssub.s32 @!p0 $0x0, s1;
	[sflag:s0] =	ssyncset.done @!p0 $0x0  }
0x46: {  	[sflag:s0] =	ssyncadd.s32 @!p0 s1  }
0x47: {  	[bflag:$0x3] =	sbarrier.arrive $0xFFFF  }
0x48: {  	_ =	shalt  }

</sc_bundles>
